<compile_context>
chip_gen: v7x
topology: tpu7x:2x2x1
jax: 0.10.2.dev20260603
libtpu: 0.0.44.dev20260713+nightly
codegen_flags: <defaults>
</compile_context>

<pallas_src>
import functools
import numpy as np
import jax
import jax.numpy as jnp
from jax import lax
from jax.experimental import pallas as pl
from jax.experimental.pallas import tpu as pltpu
from jax.experimental.pallas import tpu_sc as plsc



def _tf2x32(k1, k2, x0, x1):
    ks0, ks1 = k1, k2
    ks2 = k1 ^ k2 ^ np.uint32(0x1BD11BDA)
    rot1 = (13, 15, 26, 6)
    rot2 = (17, 29, 16, 24)

    def rnd(a, b, r):
        a = a + b
        b = (b << np.uint32(r)) | (b >> np.uint32(32 - r))
        b = a ^ b
        return a, b

    x0 = x0 + ks0
    x1 = x1 + ks1
    for r in rot1:
        x0, x1 = rnd(x0, x1, r)
    x0 = x0 + ks1; x1 = x1 + ks2 + np.uint32(1)
    for r in rot2:
        x0, x1 = rnd(x0, x1, r)
    x0 = x0 + ks2; x1 = x1 + ks0 + np.uint32(2)
    for r in rot1:
        x0, x1 = rnd(x0, x1, r)
    x0 = x0 + ks0; x1 = x1 + ks1 + np.uint32(3)
    for r in rot2:
        x0, x1 = rnd(x0, x1, r)
    x0 = x0 + ks1; x1 = x1 + ks2 + np.uint32(4)
    for r in rot1:
        x0, x1 = rnd(x0, x1, r)
    x0 = x0 + ks2; x1 = x1 + ks0 + np.uint32(5)
    return x0, x1


def _np_key_constants():
    k1 = np.uint32(0)
    k2 = np.uint32(42)
    chi = np.array([0, 0], dtype=np.uint32)
    clo = np.array([0, 1], dtype=np.uint32)
    b1, b2 = _tf2x32(k1, k2, chi, clo)
    return (b1[0], b2[0]), (b1[1], b2[1])


_K_NOISE, _K_RES = _np_key_constants()
_TINY = np.float32(1.1754943508222875e-38)



def _stageb_body(x_ref, n_ref, tt_ref, ct_ref, ft_ref, obs_ref, npart_ref,
                 upd_ref, nv_ref):
    b = pl.program_id(0)
    x = x_ref[...]
    n = n_ref[...]
    upd = jnp.dot(x, tt_ref[...], preferred_element_type=jnp.float32)
    upd = upd + jnp.dot(n, ct_ref[...], preferred_element_type=jnp.float32)
    pred = jnp.dot(upd, ft_ref[...], preferred_element_type=jnp.float32)
    d = obs_ref[...] - pred
    w = jnp.sum(d * d, axis=1, keepdims=True)
    bc = x.shape[0]
    g = b * bc + jax.lax.broadcasted_iota(jnp.int32, (bc, 1), 0)
    nv = jnp.where(g < npart_ref[0],
                   np.float32(-1.0) / (w + np.float32(1e-30)),
                   np.float32(-1e30))
    upd_ref[...] = jnp.concatenate(
        [upd, jnp.zeros((bc, 13), jnp.float32)], axis=1)
    nv_ref[...] = nv



def _make_stagec(n_particles, cp, br, cw, unroll):
    nch = cp // cw
    gr = n_particles // br
    assert nch % unroll == 0

    def body(lo0_ref, hi0_ref, nv_ref, out_ref):
        lo0 = lo0_ref[0]
        hi0 = hi0_ref[0]
        hi1 = hi0 + np.uint32(1)
        k1 = _K_RES[0]
        k2 = _K_RES[1]
        lane = jax.lax.broadcasted_iota(jnp.uint32, (1, cw), 1)
        lane_i = jax.lax.broadcasted_iota(jnp.int32, (br, cw), 1)

        cbits = max(1, (nch - 1)).bit_length()
        cmask = np.uint32((1 << cbits) - 1)

        def chunk(ci, carry):
            pmin = carry
            for k in range(unroll):
                c = ci * unroll + k
                base = lo0 + c.astype(jnp.uint32) * np.uint32(cw)
                lo = base + lane
                hi = jnp.where(lo < lo0, hi1, hi0)
                b1, b2 = _tf2x32(k1, k2, hi, lo)
                bits = b1 ^ b2
                f = jax.lax.bitcast_convert_type(
                    (bits >> np.uint32(9)) | np.uint32(0x3F800000),
                    jnp.float32)
                u = jnp.maximum(f - np.float32(1.0), _TINY)
                s = jnp.log(u) * nv_ref[c]
                sp = jax.lax.bitcast_convert_type(
                    (jax.lax.bitcast_convert_type(s, jnp.uint32)
                     & ~cmask) | c.astype(jnp.uint32), jnp.float32)
                pmin = jnp.minimum(pmin, sp)
            return pmin

        pmin = jnp.full((br, cw), np.float32(3e38), dtype=jnp.float32)
        pmin = jax.lax.fori_loop(0, nch // unroll, chunk, pmin)
        rowmin = jnp.min(pmin, axis=1, keepdims=True)
        cidx = (jax.lax.bitcast_convert_type(pmin, jnp.uint32)
                & cmask).astype(jnp.int32)
        jfull = cidx * np.int32(cw) + lane_i
        idx = jnp.min(jnp.where(pmin == rowmin, jfull, jnp.int32(0x7FFFFFFF)),
                      axis=1)
        out_ref[0, 0, :] = idx

    call = pl.pallas_call(
        body,
        grid=(gr,),
        in_specs=[
            pl.BlockSpec((1, br, 1), lambda b: (b, 0, 0)),
            pl.BlockSpec((1, br, 1), lambda b: (b, 0, 0)),
            pl.BlockSpec((nch, 1, cw), lambda b: (0, 0, 0)),
        ],
        out_specs=pl.BlockSpec((1, 1, br), lambda b: (b, 0, 0)),
        out_shape=jax.ShapeDtypeStruct((gr, 1, br), jnp.int32),
    )
    return call, gr, nch



def _make_gather(gp):
    nw = 32
    bpw = gp // nw
    ch = 512
    nchunks = bpw // ch
    mesh = plsc.VectorSubcoreMesh(core_axis_name="c", subcore_axis_name="s")

    @functools.partial(
        pl.kernel, mesh=mesh,
        out_type=jax.ShapeDtypeStruct((nw, 16), jnp.float32),
        scratch_types=[
            pltpu.VMEM((ch,), jnp.int32),
            pltpu.VMEM((ch, 16), jnp.float32),
            pltpu.VMEM((16,), jnp.float32),
            pltpu.SemaphoreType.DMA,
        ],
        compiler_params=pltpu.CompilerParams(use_tc_tiling_on_sc=False),
    )
    def k(table_hbm, idx_hbm, out_hbm, idx_v, rows_v, acc_v, sem):
        wid = lax.axis_index("s") * 2 + lax.axis_index("c")
        base = wid * bpw

        def chunk_body(c, acc):
            pltpu.sync_copy(idx_hbm.at[pl.ds(base + c * ch, ch)], idx_v)
            pltpu.async_copy(table_hbm.at[idx_v], rows_v, sem).wait()

            def row_body(r, a):
                return a + rows_v[r]

            return lax.fori_loop(0, ch, row_body, acc)

        acc = lax.fori_loop(0, nchunks, chunk_body,
                            jnp.zeros((16,), jnp.float32))
        acc_v[...] = acc
        pltpu.sync_copy(acc_v, out_hbm.at[wid])

    return k



def kernel(inputs, state_vector, transition_matrix, process_noise_cov,
           forward_matrix):
    n = state_vector.shape[0]
    cw = 2048
    br = 8
    unroll = 10
    cp = ((n + cw - 1) // cw) * cw
    if cp == n:
        cp += cw
    while (cp // cw) % unroll:
        cp += cw
    bc = min(cp, 2048)
    while cp % bc:
        bc //= 2

    key = jax.random.key(42)
    k_noise, _ = jax.random.split(key)
    noise_raw = jax.random.normal(k_noise, state_vector.shape,
                                  dtype=state_vector.dtype)
    chol = jnp.linalg.cholesky(process_noise_cov)

    pad = cp - n
    xp = jnp.pad(state_vector, ((0, pad), (0, 0)))
    npd = jnp.pad(noise_raw, ((0, pad), (0, 0)))

    upd16, nv = pl.pallas_call(
        _stageb_body,
        grid=(cp // bc,),
        in_specs=[
            pl.BlockSpec((bc, 3), lambda b: (b, 0)),
            pl.BlockSpec((bc, 3), lambda b: (b, 0)),
            pl.BlockSpec((3, 3), lambda b: (0, 0)),
            pl.BlockSpec((3, 3), lambda b: (0, 0)),
            pl.BlockSpec((3, 64), lambda b: (0, 0)),
            pl.BlockSpec((1, 64), lambda b: (0, 0)),
            pl.BlockSpec(memory_space=pltpu.SMEM),
        ],
        out_specs=[
            pl.BlockSpec((bc, 16), lambda b: (b, 0)),
            pl.BlockSpec((bc, 1), lambda b: (b, 0)),
        ],
        out_shape=[
            jax.ShapeDtypeStruct((cp, 16), jnp.float32),
            jax.ShapeDtypeStruct((cp, 1), jnp.float32),
        ],
    )(xp, npd, transition_matrix.T, chol.T, forward_matrix.T,
      inputs.reshape(1, 64), jnp.array([n], dtype=jnp.int32))

    rows = jnp.arange(n, dtype=jnp.uint32)
    nn = np.uint32(n)
    a = (rows >> np.uint32(12)) * nn
    b_ = (rows & np.uint32(0xFFF)) * nn
    lo0 = (a << np.uint32(12)) + b_
    c0 = (lo0 < b_).astype(jnp.uint32)
    hi0 = (a >> np.uint32(20)) + c0

    callc, gr, nch = _make_stagec(n, cp, br, cw, unroll)
    idx3 = callc(lo0.reshape(gr, br, 1), hi0.reshape(gr, br, 1),
                 nv.reshape(nch, 1, cw))
    idx = idx3.reshape(n)

    gp = -(-n // (32 * 512)) * (32 * 512)
    idx_p = jnp.concatenate(
        [idx, jnp.full((gp - n,), n, dtype=jnp.int32)])
    partials = _make_gather(gp)(upd16, idx_p)
    total = jnp.sum(partials, axis=0)
    return total[:3] / np.float32(n)

# --- scband reference (transcript-rebuilt; emitter-appended) ---
"""Pipeline reference for scband-multicore-bpflayer-19258633355310 (READ-ONLY COPY).

The authoritative reference and input builder live on the scoring server;
editing this copy changes nothing except your own understanding.
"""

import jax, jax.numpy as jnp
import numpy as np

NUM_PARTICLES = 1000000
N_CHANNELS = 64
STATE_DIM = 3

def setup_inputs(seed: int = 0) -> dict:
    key = jax.random.key(seed)
    k1, k2, k3, k4, k5 = jax.random.split(key, 5)
    inputs = jax.random.normal(k1, (N_CHANNELS,), dtype=jnp.float32)
    # layer weights: particle state vectors (random_normal init, per build())
    state_vector = jax.random.normal(k2, (NUM_PARTICLES, STATE_DIM), dtype=jnp.float32)
    # constructor matrices
    forward_matrix = jax.random.normal(k3, (N_CHANNELS, STATE_DIM), dtype=jnp.float32)
    transition_matrix = (jnp.eye(STATE_DIM) + 0.01 * jax.random.normal(k4, (STATE_DIM, STATE_DIM))).astype(jnp.float32)
    A = 0.1 * jax.random.normal(k5, (STATE_DIM, STATE_DIM))
    process_noise_cov = (A @ A.T + 1e-2 * jnp.eye(STATE_DIM)).astype(jnp.float32)
    return {
        'inputs': inputs,
        'state_vector': state_vector,
        'transition_matrix': transition_matrix,
        'process_noise_cov': process_noise_cov,
        'forward_matrix': forward_matrix,
    }

def reference(inputs, state_vector, transition_matrix, process_noise_cov, forward_matrix):
    # fixed keys for deterministic in-layer randomness (process noise + resampling)
    key = jax.random.key(42)
    k_noise, k_res = jax.random.split(key)
    # --- state transition model: x' = T x + w,  w ~ N(0, Q) ---
    updated_state = state_vector @ transition_matrix.T
    chol = jnp.linalg.cholesky(process_noise_cov)
    noise = jax.random.normal(k_noise, state_vector.shape, dtype=state_vector.dtype) @ chol.T
    updated_state = updated_state + noise
    # --- EEG measurement model: y_hat = F x  (per particle) -> [N, M] ---
    predicted_measurements = updated_state @ forward_matrix.T
    # --- particle weights: squared error between observed and predicted EEG ---
    particle_weights = jnp.sum(jnp.square(inputs[None, :] - predicted_measurements), axis=-1)
    # --- multinomial resampling: categorical over log-weights, N draws ---
    logits = jnp.log(particle_weights + 1e-30)
    resampled_indices = jax.random.categorical(k_res, logits, shape=(updated_state.shape[0],))
    resampled_state_vector = jnp.take(updated_state, resampled_indices, axis=0)
    # --- posterior mean estimate ---
    return jnp.mean(resampled_state_vector, axis=0)

if __name__ == "__main__":
    import jax
    _d = setup_inputs()
    print(jax.jit(kernel)(*tuple(_d.values())))

</pallas_src>

<mosaic_0001>
#map = affine_map<(d0, d1) -> (0, 0)>
#map1 = affine_map<(d0, d1) -> (0)>
module attributes {stable_mosaic.version = 14 : i64} {
  func.func @k(%arg0: i32, %arg1: i32, %arg2: memref<1003520x16xf32, #tpu.memory_space<hbm>>, %arg3: memref<1015808xi32, #tpu.memory_space<hbm>>, %arg4: memref<32x16xf32, #tpu.memory_space<hbm>>, %arg5: memref<512xi32, #tpu.memory_space<vmem>>, %arg6: memref<512x16xf32, #tpu.memory_space<vmem>>, %arg7: memref<16xf32, #tpu.memory_space<vmem>>, %arg8: memref<!tpu.dma_semaphore, #tpu.memory_space<semaphore_mem>>) attributes {dimension_semantics = [#tpu.dimension_semantics<core_parallel>, #tpu.dimension_semantics<subcore_parallel>], iteration_bounds = array<i64: 2, 16>, scalar_prefetch = 0 : i64, scratch_operands = 4 : i64, tpu.core_type = #tpu.core_type<sc_vector_subcore>, window_params = [{transform_indices = #map}, {transform_indices = #map1}, {transform_indices = #map}]} {
    %mul3A = arith.constant 2 : i32
    %mul3A_0 = arith.muli %arg1, %mul3A : i32
    %add3A = arith.addi %mul3A_0, %arg0 : i32
    %mul3A_1 = arith.constant 31744 : i32
    %mul3A_2 = arith.muli %add3A, %mul3A_1 : i32
    %broadcast_in_dim3A = arith.constant 0.000000e+00 : f32
    %broadcast_in_dim3A_3 = vector.broadcast %broadcast_in_dim3A : f32 to vector<16xf32>
    %scan3A = arith.constant 0 : i32
    %scan3A_4 = arith.constant 62 : i32
    %scan3A_5 = arith.addi %scan3A, %scan3A_4 : i32
    %scan3A_6 = arith.constant 1 : i32
    %scan3A_7 = scf.for %scan3A_12 = %scan3A to %scan3A_5 step %scan3A_6 iter_args(%scan3A_13 = %broadcast_in_dim3A_3) -> (vector<16xf32>)  : i32 {
      %mul3A_14 = arith.constant 512 : i32
      %mul3A_15 = arith.muli %scan3A_12, %mul3A_14 : i32
      %add3A_16 = arith.addi %mul3A_2, %mul3A_15 : i32
      "tpu.region"() ({
        %run_scoped3A = tpu.sem_alloc : memref<!tpu.dma_semaphore, #tpu.memory_space<semaphore_mem>>
        %dma_start3A_27 = tpu.memref_slice %arg3[%add3A_16] : memref<1015808xi32, #tpu.memory_space<hbm>> -> memref<512xi32, #tpu.memory_space<hbm>>
        %dma_start3A_28 = tpu.memref_slice %arg3[%add3A_16] : memref<1015808xi32, #tpu.memory_space<hbm>> -> memref<512xi32, #tpu.memory_space<hbm>>
        tpu.enqueue_dma source(%dma_start3A_28 : memref<512xi32, #tpu.memory_space<hbm>>) target(%arg5 : memref<512xi32, #tpu.memory_space<vmem>>) target_semaphore(%run_scoped3A : memref<!tpu.dma_semaphore, #tpu.memory_space<semaphore_mem>>)
        %dma_wait3A_29 = tpu.memref_slice %arg3[%add3A_16] : memref<1015808xi32, #tpu.memory_space<hbm>> -> memref<512xi32, #tpu.memory_space<hbm>>
        %dma_wait3A_30 = tpu.memref_slice %arg3[%add3A_16] : memref<1015808xi32, #tpu.memory_space<hbm>> -> memref<512xi32, #tpu.memory_space<hbm>>
        tpu.wait_dma2 semaphore(%run_scoped3A : memref<!tpu.dma_semaphore, #tpu.memory_space<semaphore_mem>>) src(%dma_wait3A_30 : memref<512xi32, #tpu.memory_space<hbm>>) dst(%arg5 : memref<512xi32, #tpu.memory_space<vmem>>)
        tpu.yield
      }) : () -> ()
      %dma_start3A = arith.constant 0 : i32
      %dma_start3A_17 = arith.constant 0 : i32
      %dma_start3A_18 = tpu.memref_slice %arg2[%dma_start3A, %dma_start3A_17] : memref<1003520x16xf32, #tpu.memory_space<hbm>> -> memref<1003520x16xf32, #tpu.memory_space<hbm>>
      tpu.enqueue_indirect_dma source(%dma_start3A_18 : memref<1003520x16xf32, #tpu.memory_space<hbm>>) target(%arg6 : memref<512x16xf32, #tpu.memory_space<vmem>>) offsets(%arg5 : memref<512xi32, #tpu.memory_space<vmem>>) semaphore(%arg8 : memref<!tpu.dma_semaphore, #tpu.memory_space<semaphore_mem>>)
      %dma_wait3A = arith.constant 0 : i32
      %dma_wait3A_19 = arith.constant 0 : i32
      %dma_wait3A_20 = tpu.memref_slice %arg2[%dma_wait3A, %dma_wait3A_19] : memref<1003520x16xf32, #tpu.memory_space<hbm>> -> memref<1003520x16xf32, #tpu.memory_space<hbm>>
      tpu.wait_indirect_dma semaphore(%arg8 : memref<!tpu.dma_semaphore, #tpu.memory_space<semaphore_mem>>) src(%dma_wait3A_20 : memref<1003520x16xf32, #tpu.memory_space<hbm>>) dst(%arg6 : memref<512x16xf32, #tpu.memory_space<vmem>>)
      %scan3A_21 = arith.constant 0 : i32
      %scan3A_22 = arith.constant 512 : i32
      %scan3A_23 = arith.addi %scan3A_21, %scan3A_22 : i32
      %scan3A_24 = arith.constant 1 : i32
      %scan3A_25 = scf.for %scan3A_27 = %scan3A_21 to %scan3A_23 step %scan3A_24 iter_args(%scan3A_28 = %scan3A_13) -> (vector<16xf32>)  : i32 {
        %get3A = arith.index_cast %scan3A_27 : i32 to index
        %get3A_29 = arith.constant 0 : index
        %get3A_30 = tpu.vector_load %arg6[%get3A, %get3A_29] {strides = array<i32>} : memref<512x16xf32, #tpu.memory_space<vmem>>, vector<1x16xf32>,
        %get3A_31 = vector.shape_cast %get3A_30 : vector<1x16xf32> to vector<16xf32>
        %add3A_32 = arith.addf %scan3A_28, %get3A_31 : vector<16xf32>
        scf.yield %add3A_32 : vector<16xf32>
      }
      %scan3A_26 = arith.constant 512 : i32
      scf.yield %scan3A_25 : vector<16xf32>
    }
    %scan3A_8 = arith.constant 62 : i32
    %swap3A = arith.constant 0 : index
    %swap3A_9 = tpu.vector_load %arg7[%swap3A] {strides = array<i32>} : memref<16xf32, #tpu.memory_space<vmem>>, vector<16xf32>,
    %swap3A_10 = vector.shape_cast %swap3A_9 : vector<16xf32> to vector<16xf32>
    %swap3A_11 = vector.shape_cast %scan3A_7 : vector<16xf32> to vector<16xf32>
    tpu.vector_store %arg7[%swap3A], %swap3A_11 {strides = array<i32>} : memref<16xf32, #tpu.memory_space<vmem>>, vector<16xf32>,
    "tpu.region"() ({
      %run_scoped3A = tpu.sem_alloc : memref<!tpu.dma_semaphore, #tpu.memory_space<semaphore_mem>>
      %dma_start3A = arith.constant 0 : i32
      %dma_start3A_12 = tpu.memref_slice %arg4[%add3A, %dma_start3A] : memref<32x16xf32, #tpu.memory_space<hbm>> -> memref<1x16xf32, #tpu.memory_space<hbm>>
      %dma_start3A_13 = tpu.memref_squeeze %dma_start3A_12 : memref<1x16xf32, #tpu.memory_space<hbm>> -> memref<16xf32, #tpu.memory_space<hbm>>
      %dma_start3A_14 = arith.constant 0 : i32
      %dma_start3A_15 = tpu.memref_slice %arg4[%add3A, %dma_start3A_14] : memref<32x16xf32, #tpu.memory_space<hbm>> -> memref<1x16xf32, #tpu.memory_space<hbm>>
      %dma_start3A_16 = tpu.memref_squeeze %dma_start3A_15 : memref<1x16xf32, #tpu.memory_space<hbm>> -> memref<16xf32, #tpu.memory_space<hbm>>
      tpu.enqueue_dma source(%arg7 : memref<16xf32, #tpu.memory_space<vmem>>) target(%dma_start3A_16 : memref<16xf32, #tpu.memory_space<hbm>>) target_semaphore(%run_scoped3A : memref<!tpu.dma_semaphore, #tpu.memory_space<semaphore_mem>>)
      %dma_wait3A = arith.constant 0 : i32
      %dma_wait3A_17 = tpu.memref_slice %arg4[%add3A, %dma_wait3A] : memref<32x16xf32, #tpu.memory_space<hbm>> -> memref<1x16xf32, #tpu.memory_space<hbm>>
      %dma_wait3A_18 = tpu.memref_squeeze %dma_wait3A_17 : memref<1x16xf32, #tpu.memory_space<hbm>> -> memref<16xf32, #tpu.memory_space<hbm>>
      %dma_wait3A_19 = arith.constant 0 : i32
      %dma_wait3A_20 = tpu.memref_slice %arg4[%add3A, %dma_wait3A_19] : memref<32x16xf32, #tpu.memory_space<hbm>> -> memref<1x16xf32, #tpu.memory_space<hbm>>
      %dma_wait3A_21 = tpu.memref_squeeze %dma_wait3A_20 : memref<1x16xf32, #tpu.memory_space<hbm>> -> memref<16xf32, #tpu.memory_space<hbm>>
      tpu.wait_dma2 semaphore(%run_scoped3A : memref<!tpu.dma_semaphore, #tpu.memory_space<semaphore_mem>>) src(%arg7 : memref<16xf32, #tpu.memory_space<vmem>>) dst(%dma_wait3A_21 : memref<16xf32, #tpu.memory_space<hbm>>)
      tpu.yield
    }) : () -> ()
    return
  }
}

module attributes {stable_mosaic.version = 14 : i64} {
  func.func @_stageb_body(%arg0: i32, %arg1: memref<2048x3xf32, #tpu.memory_space<vmem>>, %arg2: memref<2048x3xf32, #tpu.memory_space<vmem>>, %arg3: memref<3x3xf32, #tpu.memory_space<vmem>>, %arg4: memref<3x3xf32, #tpu.memory_space<vmem>>, %arg5: memref<3x64xf32, #tpu.memory_space<vmem>>, %arg6: memref<1x64xf32, #tpu.memory_space<vmem>>, %arg7: memref<1xi32, #tpu.memory_space<smem>>, %arg8: memref<2048x16xf32, #tpu.memory_space<vmem>>, %arg9: memref<2048x1xf32, #tpu.memory_space<vmem>>) attributes {dimension_semantics = [#tpu.dimension_semantics<arbitrary>], iteration_bounds = array<i64: 490>, scalar_prefetch = 0 : i64, scratch_operands = 0 : i64, tpu.core_type = #tpu.core_type<tc>, window_params = [{transform_indices = @transform_0, window_bounds = array<i64: 2048, 3>}, {transform_indices = @transform_1, window_bounds = array<i64: 2048, 3>}, {pipeline_mode = #tpu.pipeline_mode<synchronous>, transform_indices = @transform_2, window_bounds = array<i64: 3, 3>}, {pipeline_mode = #tpu.pipeline_mode<synchronous>, transform_indices = @transform_3, window_bounds = array<i64: 3, 3>}, {pipeline_mode = #tpu.pipeline_mode<synchronous>, transform_indices = @transform_4, window_bounds = array<i64: 3, 64>}, {pipeline_mode = #tpu.pipeline_mode<synchronous>, transform_indices = @transform_5, window_bounds = array<i64: 1, 64>}, {transform_indices = @transform_6, window_bounds = array<i64: 1>}, {transform_indices = @transform_7, window_bounds = array<i64: 2048, 16>}, {transform_indices = @transform_8, window_bounds = array<i64: 2048, 1>}]} {
    %get3A = arith.constant 0 : index
    %get3A_0 = arith.constant 0 : index
    %get3A_1 = vector.load %arg1[%get3A, %get3A_0] : memref<2048x3xf32, #tpu.memory_space<vmem>>, vector<2048x3xf32>
    %get3A_2 = arith.constant 0 : index
    %get3A_3 = arith.constant 0 : index
    %get3A_4 = vector.load %arg2[%get3A_2, %get3A_3] : memref<2048x3xf32, #tpu.memory_space<vmem>>, vector<2048x3xf32>
    %get3A_5 = arith.constant 0 : index
    %get3A_6 = arith.constant 0 : index
    %get3A_7 = vector.load %arg3[%get3A_5, %get3A_6] : memref<3x3xf32, #tpu.memory_space<vmem>>, vector<3x3xf32>
    %dot_general3A = arith.constant dense<0.000000e+00> : vector<2048x3xf32>
    %dot_general3A_8 = tpu.matmul %get3A_1, %get3A_7, %dot_general3A {dimension_numbers = #tpu.dot_dimension_numbers<[1], [0], [0], [1], [0, 0, 1, 1], [], []>, transpose_lhs_hint = false} : vector<2048x3xf32>, vector<3x3xf32>, vector<2048x3xf32> -> vector<2048x3xf32>
    %get3A_9 = arith.constant 0 : index
    %get3A_10 = arith.constant 0 : index
    %get3A_11 = vector.load %arg4[%get3A_9, %get3A_10] : memref<3x3xf32, #tpu.memory_space<vmem>>, vector<3x3xf32>
    %dot_general3A_12 = arith.constant dense<0.000000e+00> : vector<2048x3xf32>
    %dot_general3A_13 = tpu.matmul %get3A_4, %get3A_11, %dot_general3A_12 {dimension_numbers = #tpu.dot_dimension_numbers<[1], [0], [0], [1], [0, 0, 1, 1], [], []>, transpose_lhs_hint = false} : vector<2048x3xf32>, vector<3x3xf32>, vector<2048x3xf32> -> vector<2048x3xf32>
    %add3A = arith.addf %dot_general3A_8, %dot_general3A_13 : vector<2048x3xf32>
    %get3A_14 = arith.constant 0 : index
    %get3A_15 = arith.constant 0 : index
    %get3A_16 = vector.load %arg5[%get3A_14, %get3A_15] : memref<3x64xf32, #tpu.memory_space<vmem>>, vector<3x64xf32>
    %dot_general3A_17 = arith.constant dense<0.000000e+00> : vector<2048x64xf32>
    %dot_general3A_18 = tpu.matmul %add3A, %get3A_16, %dot_general3A_17 {dimension_numbers = #tpu.dot_dimension_numbers<[1], [0], [0], [1], [0, 0, 1, 1], [], []>, transpose_lhs_hint = false} : vector<2048x3xf32>, vector<3x64xf32>, vector<2048x64xf32> -> vector<2048x64xf32>
    %get3A_19 = arith.constant 0 : index
    %get3A_20 = arith.constant 0 : index
    %get3A_21 = vector.load %arg6[%get3A_19, %get3A_20] : memref<1x64xf32, #tpu.memory_space<vmem>>, vector<1x64xf32>
    %sub3A = vector.broadcast %get3A_21 : vector<1x64xf32> to vector<2048x64xf32>
    %sub3A_22 = arith.subf %sub3A, %dot_general3A_18 : vector<2048x64xf32>
    %mul3A = arith.mulf %sub3A_22, %sub3A_22 : vector<2048x64xf32>
    %reduce_sum3A = arith.constant dense<0.000000e+00> : vector<2048xf32>
    %reduce_sum3A_23 = vector.multi_reduction <add>, %mul3A, %reduce_sum3A [1] : vector<2048x64xf32> to vector<2048xf32>
    %broadcast_in_dim3A = vector.shape_cast %reduce_sum3A_23 : vector<2048xf32> to vector<2048x1xf32>
    %mul3A_24 = arith.constant 2048 : i32
    %mul3A_25 = arith.muli %arg0, %mul3A_24 : i32
    %iota3A = tpu.iota {dimensions = array<i32: 0>} : vector<2048x1xi32>
    %add3A_26 = vector.broadcast %mul3A_25 : i32 to vector<2048x1xi32>
    %add3A_27 = arith.addi %add3A_26, %iota3A : vector<2048x1xi32>
    %get3A_28 = arith.constant 0 : index
    %get3A_29 = memref.load %arg7[%get3A_28] : memref<1xi32, #tpu.memory_space<smem>>
    %lt3A = vector.broadcast %get3A_29 : i32 to vector<2048x1xi32>
    %lt3A_30 = arith.cmpi slt, %add3A_27, %lt3A : vector<2048x1xi32>
    %add3A_31 = arith.constant 1.000000e-30 : f32
    %add3A_32 = vector.broadcast %add3A_31 : f32 to vector<2048x1xf32>
    %add3A_33 = arith.addf %broadcast_in_dim3A, %add3A_32 : vector<2048x1xf32>
    %div3A = arith.constant -1.000000e+00 : f32
    %div3A_34 = vector.broadcast %div3A : f32 to vector<2048x1xf32>
    %div3A_35 = arith.divf %div3A_34, %add3A_33 : vector<2048x1xf32>
    %jit3A = arith.constant -1.000000e+30 : f32
    %broadcast_in_dim3A_36 = vector.broadcast %jit3A : f32 to vector<2048x1xf32>
    %select_n3A = arith.select %lt3A_30, %div3A_35, %broadcast_in_dim3A_36 : vector<2048x1xi1>, vector<2048x1xf32>
    %broadcast_in_dim3A_37 = arith.constant 0.000000e+00 : f32
    %broadcast_in_dim3A_38 = vector.broadcast %broadcast_in_dim3A_37 : f32 to vector<2048x13xf32>
    %concatenate3A = tpu.concatenate %add3A, %broadcast_in_dim3A_38 in 1 : vector<2048x3xf32>, vector<2048x13xf32> -> vector<2048x16xf32>
    %swap3A = arith.constant 0 : index
    %swap3A_39 = arith.constant 0 : index
    %swap3A_40 = vector.load %arg8[%swap3A, %swap3A_39] : memref<2048x16xf32, #tpu.memory_space<vmem>>, vector<2048x16xf32>
    tpu.vector_store %arg8[%swap3A, %swap3A_39], %concatenate3A {strides = array<i32>} : memref<2048x16xf32, #tpu.memory_space<vmem>>, vector<2048x16xf32>,
    %swap3A_41 = arith.constant 0 : index
    %swap3A_42 = arith.constant 0 : index
    %swap3A_43 = vector.load %arg9[%swap3A_41, %swap3A_42] : memref<2048x1xf32, #tpu.memory_space<vmem>>, vector<2048x1xf32>
    tpu.vector_store %arg9[%swap3A_41, %swap3A_42], %select_n3A {strides = array<i32>} : memref<2048x1xf32, #tpu.memory_space<vmem>>, vector<2048x1xf32>,
    return
  }
  func.func @transform_0(%arg0: i32) -> (i32, i32) {
    %c0_i32 = arith.constant 0 : i32
    %c0_i32_0 = arith.constant 0 : i32
    return %arg0, %c0_i32 : i32, i32
  }
  func.func @transform_1(%arg0: i32) -> (i32, i32) {
    %c0_i32 = arith.constant 0 : i32
    %c0_i32_0 = arith.constant 0 : i32
    return %arg0, %c0_i32 : i32, i32
  }
  func.func @transform_2(%arg0: i32) -> (i32, i32) {
    %c0_i32 = arith.constant 0 : i32
    %c0_i32_0 = arith.constant 0 : i32
    %c0_i32_1 = arith.constant 0 : i32
    return %c0_i32, %c0_i32_0 : i32, i32
  }
  func.func @transform_3(%arg0: i32) -> (i32, i32) {
    %c0_i32 = arith.constant 0 : i32
    %c0_i32_0 = arith.constant 0 : i32
    %c0_i32_1 = arith.constant 0 : i32
    return %c0_i32, %c0_i32_0 : i32, i32
  }
  func.func @transform_4(%arg0: i32) -> (i32, i32) {
    %c0_i32 = arith.constant 0 : i32
    %c0_i32_0 = arith.constant 0 : i32
    %c0_i32_1 = arith.constant 0 : i32
    return %c0_i32, %c0_i32_0 : i32, i32
  }
  func.func @transform_5(%arg0: i32) -> (i32, i32) {
    %c0_i32 = arith.constant 0 : i32
    %c0_i32_0 = arith.constant 0 : i32
    %c0_i32_1 = arith.constant 0 : i32
    return %c0_i32, %c0_i32_0 : i32, i32
  }
  func.func @transform_6(%arg0: i32) -> i32 {
    %c0_i32 = arith.constant 0 : i32
    %c0_i32_0 = arith.constant 0 : i32
    return %c0_i32 : i32
  }
  func.func @transform_7(%arg0: i32) -> (i32, i32) {
    %c0_i32 = arith.constant 0 : i32
    %c0_i32_0 = arith.constant 0 : i32
    return %arg0, %c0_i32 : i32, i32
  }
  func.func @transform_8(%arg0: i32) -> (i32, i32) {
    %c0_i32 = arith.constant 0 : i32
    %c0_i32_0 = arith.constant 0 : i32
    return %arg0, %c0_i32 : i32, i32
  }
}

module attributes {stable_mosaic.version = 14 : i64} {
  func.func @body(%arg0: i32, %arg1: memref<1x8x1xi32, #tpu.memory_space<vmem>>, %arg2: memref<1x8x1xi32, #tpu.memory_space<vmem>>, %arg3: memref<490x1x2048xf32, #tpu.memory_space<vmem>>, %arg4: memref<1x1x8xi32, #tpu.memory_space<vmem>>) attributes {dimension_semantics = [#tpu.dimension_semantics<arbitrary>], iteration_bounds = array<i64: 125000>, scalar_prefetch = 0 : i64, scratch_operands = 0 : i64, tpu.core_type = #tpu.core_type<tc>, window_params = [{transform_indices = @transform_0, window_bounds = array<i64: 1, 8, 1>}, {transform_indices = @transform_1, window_bounds = array<i64: 1, 8, 1>}, {pipeline_mode = #tpu.pipeline_mode<synchronous>, transform_indices = @transform_2, window_bounds = array<i64: 490, 1, 2048>}, {transform_indices = @transform_3, window_bounds = array<i64: 1, 1, 8>}]} {
    %get3A = arith.constant 0 : index
    %get3A_0 = arith.constant 0 : index
    %get3A_1 = arith.constant 0 : index
    %get3A_2 = vector.load %arg1[%get3A, %get3A_0, %get3A_1] : memref<1x8x1xi32, #tpu.memory_space<vmem>>, vector<1x8x1xi32>
    %get3A_3 = vector.shape_cast %get3A_2 : vector<1x8x1xi32> to vector<8x1xi32>
    %get3A_4 = arith.constant 0 : index
    %get3A_5 = arith.constant 0 : index
    %get3A_6 = arith.constant 0 : index
    %get3A_7 = vector.load %arg2[%get3A_4, %get3A_5, %get3A_6] : memref<1x8x1xi32, #tpu.memory_space<vmem>>, vector<1x8x1xi32>
    %get3A_8 = vector.shape_cast %get3A_7 : vector<1x8x1xi32> to vector<8x1xi32>
    %add3A = arith.constant 1 : i32
    %add3A_9 = vector.broadcast %add3A : i32 to vector<8x1xi32>
    %add3A_10 = arith.addi %get3A_8, %add3A_9 : vector<8x1xi32>
    %iota3A = tpu.iota {dimensions = array<i32: 1>} : vector<1x2048xi32>
    %iota3A_11 = tpu.iota {dimensions = array<i32: 1>} : vector<8x2048xi32>
    %broadcast_in_dim3A = arith.constant 3.000000e+38 : f32
    %broadcast_in_dim3A_12 = vector.broadcast %broadcast_in_dim3A : f32 to vector<8x2048xf32>
    %scan3A = arith.constant 0 : i32
    %scan3A_13 = arith.constant 49 : i32
    %scan3A_14 = arith.addi %scan3A, %scan3A_13 : i32
    %scan3A_15 = arith.constant 1 : i32
    %scan3A_16 = scf.for %scan3A_34 = %scan3A to %scan3A_14 step %scan3A_15 iter_args(%scan3A_35 = %broadcast_in_dim3A_12) -> (vector<8x2048xf32>)  : i32 {
      %mul3A_36 = arith.constant 10 : i32
      %mul3A_37 = arith.muli %scan3A_34, %mul3A_36 : i32
      %add3A_38 = arith.constant 0 : i32
      %add3A_39 = arith.addi %mul3A_37, %add3A_38 : i32
      %mul3A_40 = arith.constant 2048 : i32
      %mul3A_41 = arith.muli %add3A_39, %mul3A_40 : i32
      %add3A_42 = vector.broadcast %mul3A_41 : i32 to vector<8x1xi32>
      %add3A_43 = arith.addi %get3A_3, %add3A_42 : vector<8x1xi32>
      %add3A_44 = vector.broadcast %add3A_43 : vector<8x1xi32> to vector<8x2048xi32>
      %add3A_45 = vector.broadcast %iota3A : vector<1x2048xi32> to vector<8x2048xi32>
      %add3A_46 = arith.addi %add3A_44, %add3A_45 : vector<8x2048xi32>
      %lt3A = vector.broadcast %get3A_3 : vector<8x1xi32> to vector<8x2048xi32>
      %lt3A_47 = arith.cmpi ult, %add3A_46, %lt3A : vector<8x2048xi32>
      %broadcast_in_dim3A_48 = vector.shape_cast %add3A_10 : vector<8x1xi32> to vector<8x1xi32>
      %broadcast_in_dim3A_49 = vector.broadcast %broadcast_in_dim3A_48 : vector<8x1xi32> to vector<8x2048xi32>
      %broadcast_in_dim3A_50 = vector.shape_cast %get3A_8 : vector<8x1xi32> to vector<8x1xi32>
      %broadcast_in_dim3A_51 = vector.broadcast %broadcast_in_dim3A_50 : vector<8x1xi32> to vector<8x2048xi32>
      %select_n3A_52 = arith.select %lt3A_47, %broadcast_in_dim3A_49, %broadcast_in_dim3A_51 : vector<8x2048xi1>, vector<8x2048xi32>
      %add3A_53 = arith.constant 64467757 : i32
      %add3A_54 = vector.broadcast %add3A_53 : i32 to vector<8x2048xi32>
      %add3A_55 = arith.addi %select_n3A_52, %add3A_54 : vector<8x2048xi32>
      %add3A_56 = arith.constant -1378843660 : i32
      %add3A_57 = vector.broadcast %add3A_56 : i32 to vector<8x2048xi32>
      %add3A_58 = arith.addi %add3A_46, %add3A_57 : vector<8x2048xi32>
      %add3A_59 = arith.addi %add3A_55, %add3A_58 : vector<8x2048xi32>
      %shift_left3A = arith.constant 13 : i32
      %shift_left3A_60 = vector.broadcast %shift_left3A : i32 to vector<8x2048xi32>
      %shift_left3A_61 = arith.shli %add3A_58, %shift_left3A_60 : vector<8x2048xi32>
      %shift_right_logical3A = arith.constant 19 : i32
      %shift_right_logical3A_62 = vector.broadcast %shift_right_logical3A : i32 to vector<8x2048xi32>
      %shift_right_logical3A_63 = arith.shrui %add3A_58, %shift_right_logical3A_62 : vector<8x2048xi32>
      %or3A = arith.ori %shift_left3A_61, %shift_right_logical3A_63 : vector<8x2048xi32>
      %xor3A = arith.xori %add3A_59, %or3A : vector<8x2048xi32>
      %add3A_64 = arith.addi %add3A_59, %xor3A : vector<8x2048xi32>
      %shift_left3A_65 = arith.constant 15 : i32
      %shift_left3A_66 = vector.broadcast %shift_left3A_65 : i32 to vector<8x2048xi32>
      %shift_left3A_67 = arith.shli %xor3A, %shift_left3A_66 : vector<8x2048xi32>
      %shift_right_logical3A_68 = arith.constant 17 : i32
      %shift_right_logical3A_69 = vector.broadcast %shift_right_logical3A_68 : i32 to vector<8x2048xi32>
      %shift_right_logical3A_70 = arith.shrui %xor3A, %shift_right_logical3A_69 : vector<8x2048xi32>
      %or3A_71 = arith.ori %shift_left3A_67, %shift_right_logical3A_70 : vector<8x2048xi32>
      %xor3A_72 = arith.xori %add3A_64, %or3A_71 : vector<8x2048xi32>
      %add3A_73 = arith.addi %add3A_64, %xor3A_72 : vector<8x2048xi32>
      %shift_left3A_74 = arith.constant 26 : i32
      %shift_left3A_75 = vector.broadcast %shift_left3A_74 : i32 to vector<8x2048xi32>
      %shift_left3A_76 = arith.shli %xor3A_72, %shift_left3A_75 : vector<8x2048xi32>
      %shift_right_logical3A_77 = arith.constant 6 : i32
      %shift_right_logical3A_78 = vector.broadcast %shift_right_logical3A_77 : i32 to vector<8x2048xi32>
      %shift_right_logical3A_79 = arith.shrui %xor3A_72, %shift_right_logical3A_78 : vector<8x2048xi32>
      %or3A_80 = arith.ori %shift_left3A_76, %shift_right_logical3A_79 : vector<8x2048xi32>
      %xor3A_81 = arith.xori %add3A_73, %or3A_80 : vector<8x2048xi32>
      %add3A_82 = arith.addi %add3A_73, %xor3A_81 : vector<8x2048xi32>
      %shift_left3A_83 = arith.constant 6 : i32
      %shift_left3A_84 = vector.broadcast %shift_left3A_83 : i32 to vector<8x2048xi32>
      %shift_left3A_85 = arith.shli %xor3A_81, %shift_left3A_84 : vector<8x2048xi32>
      %shift_right_logical3A_86 = arith.constant 26 : i32
      %shift_right_logical3A_87 = vector.broadcast %shift_right_logical3A_86 : i32 to vector<8x2048xi32>
      %shift_right_logical3A_88 = arith.shrui %xor3A_81, %shift_right_logical3A_87 : vector<8x2048xi32>
      %or3A_89 = arith.ori %shift_left3A_85, %shift_right_logical3A_88 : vector<8x2048xi32>
      %xor3A_90 = arith.xori %add3A_82, %or3A_89 : vector<8x2048xi32>
      %add3A_91 = arith.constant -1378843660 : i32
      %add3A_92 = vector.broadcast %add3A_91 : i32 to vector<8x2048xi32>
      %add3A_93 = arith.addi %add3A_82, %add3A_92 : vector<8x2048xi32>
      %add3A_94 = arith.constant -1244255485 : i32
      %add3A_95 = vector.broadcast %add3A_94 : i32 to vector<8x2048xi32>
      %add3A_96 = arith.addi %xor3A_90, %add3A_95 : vector<8x2048xi32>
      %add3A_97 = arith.constant 1 : i32
      %add3A_98 = vector.broadcast %add3A_97 : i32 to vector<8x2048xi32>
      %add3A_99 = arith.addi %add3A_96, %add3A_98 : vector<8x2048xi32>
      %add3A_100 = arith.addi %add3A_93, %add3A_99 : vector<8x2048xi32>
      %shift_left3A_101 = arith.constant 17 : i32
      %shift_left3A_102 = vector.broadcast %shift_left3A_101 : i32 to vector<8x2048xi32>
      %shift_left3A_103 = arith.shli %add3A_99, %shift_left3A_102 : vector<8x2048xi32>
      %shift_right_logical3A_104 = arith.constant 15 : i32
      %shift_right_logical3A_105 = vector.broadcast %shift_right_logical3A_104 : i32 to vector<8x2048xi32>
      %shift_right_logical3A_106 = arith.shrui %add3A_99, %shift_right_logical3A_105 : vector<8x2048xi32>
      %or3A_107 = arith.ori %shift_left3A_103, %shift_right_logical3A_106 : vector<8x2048xi32>
      %xor3A_108 = arith.xori %add3A_100, %or3A_107 : vector<8x2048xi32>
      %add3A_109 = arith.addi %add3A_100, %xor3A_108 : vector<8x2048xi32>
      %shift_left3A_110 = arith.constant 29 : i32
      %shift_left3A_111 = vector.broadcast %shift_left3A_110 : i32 to vector<8x2048xi32>
      %shift_left3A_112 = arith.shli %xor3A_108, %shift_left3A_111 : vector<8x2048xi32>
      %shift_right_logical3A_113 = arith.constant 3 : i32
      %shift_right_logical3A_114 = vector.broadcast %shift_right_logical3A_113 : i32 to vector<8x2048xi32>
      %shift_right_logical3A_115 = arith.shrui %xor3A_108, %shift_right_logical3A_114 : vector<8x2048xi32>
      %or3A_116 = arith.ori %shift_left3A_112, %shift_right_logical3A_115 : vector<8x2048xi32>
      %xor3A_117 = arith.xori %add3A_109, %or3A_116 : vector<8x2048xi32>
      %add3A_118 = arith.addi %add3A_109, %xor3A_117 : vector<8x2048xi32>
      %shift_left3A_119 = arith.constant 16 : i32
      %shift_left3A_120 = vector.broadcast %shift_left3A_119 : i32 to vector<8x2048xi32>
      %shift_left3A_121 = arith.shli %xor3A_117, %shift_left3A_120 : vector<8x2048xi32>
      %shift_right_logical3A_122 = arith.constant 16 : i32
      %shift_right_logical3A_123 = vector.broadcast %shift_right_logical3A_122 : i32 to vector<8x2048xi32>
      %shift_right_logical3A_124 = arith.shrui %xor3A_117, %shift_right_logical3A_123 : vector<8x2048xi32>
      %or3A_125 = arith.ori %shift_left3A_121, %shift_right_logical3A_124 : vector<8x2048xi32>
      %xor3A_126 = arith.xori %add3A_118, %or3A_125 : vector<8x2048xi32>
      %add3A_127 = arith.addi %add3A_118, %xor3A_126 : vector<8x2048xi32>
      %shift_left3A_128 = arith.constant 24 : i32
      %shift_left3A_129 = vector.broadcast %shift_left3A_128 : i32 to vector<8x2048xi32>
      %shift_left3A_130 = arith.shli %xor3A_126, %shift_left3A_129 : vector<8x2048xi32>
      %shift_right_logical3A_131 = arith.constant 8 : i32
      %shift_right_logical3A_132 = vector.broadcast %shift_right_logical3A_131 : i32 to vector<8x2048xi32>
      %shift_right_logical3A_133 = arith.shrui %xor3A_126, %shift_right_logical3A_132 : vector<8x2048xi32>
      %or3A_134 = arith.ori %shift_left3A_130, %shift_right_logical3A_133 : vector<8x2048xi32>
      %xor3A_135 = arith.xori %add3A_127, %or3A_134 : vector<8x2048xi32>
      %add3A_136 = arith.constant -1244255485 : i32
      %add3A_137 = vector.broadcast %add3A_136 : i32 to vector<8x2048xi32>
      %add3A_138 = arith.addi %add3A_127, %add3A_137 : vector<8x2048xi32>
      %add3A_139 = arith.constant 64467757 : i32
      %add3A_140 = vector.broadcast %add3A_139 : i32 to vector<8x2048xi32>
      %add3A_141 = arith.addi %xor3A_135, %add3A_140 : vector<8x2048xi32>
      %add3A_142 = arith.constant 2 : i32
      %add3A_143 = vector.broadcast %add3A_142 : i32 to vector<8x2048xi32>
      %add3A_144 = arith.addi %add3A_141, %add3A_143 : vector<8x2048xi32>
      %add3A_145 = arith.addi %add3A_138, %add3A_144 : vector<8x2048xi32>
      %shift_left3A_146 = arith.constant 13 : i32
      %shift_left3A_147 = vector.broadcast %shift_left3A_146 : i32 to vector<8x2048xi32>
      %shift_left3A_148 = arith.shli %add3A_144, %shift_left3A_147 : vector<8x2048xi32>
      %shift_right_logical3A_149 = arith.constant 19 : i32
      %shift_right_logical3A_150 = vector.broadcast %shift_right_logical3A_149 : i32 to vector<8x2048xi32>
      %shift_right_logical3A_151 = arith.shrui %add3A_144, %shift_right_logical3A_150 : vector<8x2048xi32>
      %or3A_152 = arith.ori %shift_left3A_148, %shift_right_logical3A_151 : vector<8x2048xi32>
      %xor3A_153 = arith.xori %add3A_145, %or3A_152 : vector<8x2048xi32>
      %add3A_154 = arith.addi %add3A_145, %xor3A_153 : vector<8x2048xi32>
      %shift_left3A_155 = arith.constant 15 : i32
      %shift_left3A_156 = vector.broadcast %shift_left3A_155 : i32 to vector<8x2048xi32>
      %shift_left3A_157 = arith.shli %xor3A_153, %shift_left3A_156 : vector<8x2048xi32>
      %shift_right_logical3A_158 = arith.constant 17 : i32
      %shift_right_logical3A_159 = vector.broadcast %shift_right_logical3A_158 : i32 to vector<8x2048xi32>
      %shift_right_logical3A_160 = arith.shrui %xor3A_153, %shift_right_logical3A_159 : vector<8x2048xi32>
      %or3A_161 = arith.ori %shift_left3A_157, %shift_right_logical3A_160 : vector<8x2048xi32>
      %xor3A_162 = arith.xori %add3A_154, %or3A_161 : vector<8x2048xi32>
      %add3A_163 = arith.addi %add3A_154, %xor3A_162 : vector<8x2048xi32>
      %shift_left3A_164 = arith.constant 26 : i32
      %shift_left3A_165 = vector.broadcast %shift_left3A_164 : i32 to vector<8x2048xi32>
      %shift_left3A_166 = arith.shli %xor3A_162, %shift_left3A_165 : vector<8x2048xi32>
      %shift_right_logical3A_167 = arith.constant 6 : i32
      %shift_right_logical3A_168 = vector.broadcast %shift_right_logical3A_167 : i32 to vector<8x2048xi32>
      %shift_right_logical3A_169 = arith.shrui %xor3A_162, %shift_right_logical3A_168 : vector<8x2048xi32>
      %or3A_170 = arith.ori %shift_left3A_166, %shift_right_logical3A_169 : vector<8x2048xi32>
      %xor3A_171 = arith.xori %add3A_163, %or3A_170 : vector<8x2048xi32>
      %add3A_172 = arith.addi %add3A_163, %xor3A_171 : vector<8x2048xi32>
      %shift_left3A_173 = arith.constant 6 : i32
      %shift_left3A_174 = vector.broadcast %shift_left3A_173 : i32 to vector<8x2048xi32>
      %shift_left3A_175 = arith.shli %xor3A_171, %shift_left3A_174 : vector<8x2048xi32>
      %shift_right_logical3A_176 = arith.constant 26 : i32
      %shift_right_logical3A_177 = vector.broadcast %shift_right_logical3A_176 : i32 to vector<8x2048xi32>
      %shift_right_logical3A_178 = arith.shrui %xor3A_171, %shift_right_logical3A_177 : vector<8x2048xi32>
      %or3A_179 = arith.ori %shift_left3A_175, %shift_right_logical3A_178 : vector<8x2048xi32>
      %xor3A_180 = arith.xori %add3A_172, %or3A_179 : vector<8x2048xi32>
      %add3A_181 = arith.constant 64467757 : i32
      %add3A_182 = vector.broadcast %add3A_181 : i32 to vector<8x2048xi32>
      %add3A_183 = arith.addi %add3A_172, %add3A_182 : vector<8x2048xi32>
      %add3A_184 = arith.constant -1378843660 : i32
      %add3A_185 = vector.broadcast %add3A_184 : i32 to vector<8x2048xi32>
      %add3A_186 = arith.addi %xor3A_180, %add3A_185 : vector<8x2048xi32>
      %add3A_187 = arith.constant 3 : i32
      %add3A_188 = vector.broadcast %add3A_187 : i32 to vector<8x2048xi32>
      %add3A_189 = arith.addi %add3A_186, %add3A_188 : vector<8x2048xi32>
      %add3A_190 = arith.addi %add3A_183, %add3A_189 : vector<8x2048xi32>
      %shift_left3A_191 = arith.constant 17 : i32
      %shift_left3A_192 = vector.broadcast %shift_left3A_191 : i32 to vector<8x2048xi32>
      %shift_left3A_193 = arith.shli %add3A_189, %shift_left3A_192 : vector<8x2048xi32>
      %shift_right_logical3A_194 = arith.constant 15 : i32
      %shift_right_logical3A_195 = vector.broadcast %shift_right_logical3A_194 : i32 to vector<8x2048xi32>
      %shift_right_logical3A_196 = arith.shrui %add3A_189, %shift_right_logical3A_195 : vector<8x2048xi32>
      %or3A_197 = arith.ori %shift_left3A_193, %shift_right_logical3A_196 : vector<8x2048xi32>
      %xor3A_198 = arith.xori %add3A_190, %or3A_197 : vector<8x2048xi32>
      %add3A_199 = arith.addi %add3A_190, %xor3A_198 : vector<8x2048xi32>
      %shift_left3A_200 = arith.constant 29 : i32
      %shift_left3A_201 = vector.broadcast %shift_left3A_200 : i32 to vector<8x2048xi32>
      %shift_left3A_202 = arith.shli %xor3A_198, %shift_left3A_201 : vector<8x2048xi32>
      %shift_right_logical3A_203 = arith.constant 3 : i32
      %shift_right_logical3A_204 = vector.broadcast %shift_right_logical3A_203 : i32 to vector<8x2048xi32>
      %shift_right_logical3A_205 = arith.shrui %xor3A_198, %shift_right_logical3A_204 : vector<8x2048xi32>
      %or3A_206 = arith.ori %shift_left3A_202, %shift_right_logical3A_205 : vector<8x2048xi32>
      %xor3A_207 = arith.xori %add3A_199, %or3A_206 : vector<8x2048xi32>
      %add3A_208 = arith.addi %add3A_199, %xor3A_207 : vector<8x2048xi32>
      %shift_left3A_209 = arith.constant 16 : i32
      %shift_left3A_210 = vector.broadcast %shift_left3A_209 : i32 to vector<8x2048xi32>
      %shift_left3A_211 = arith.shli %xor3A_207, %shift_left3A_210 : vector<8x2048xi32>
      %shift_right_logical3A_212 = arith.constant 16 : i32
      %shift_right_logical3A_213 = vector.broadcast %shift_right_logical3A_212 : i32 to vector<8x2048xi32>
      %shift_right_logical3A_214 = arith.shrui %xor3A_207, %shift_right_logical3A_213 : vector<8x2048xi32>
      %or3A_215 = arith.ori %shift_left3A_211, %shift_right_logical3A_214 : vector<8x2048xi32>
      %xor3A_216 = arith.xori %add3A_208, %or3A_215 : vector<8x2048xi32>
      %add3A_217 = arith.addi %add3A_208, %xor3A_216 : vector<8x2048xi32>
      %shift_left3A_218 = arith.constant 24 : i32
      %shift_left3A_219 = vector.broadcast %shift_left3A_218 : i32 to vector<8x2048xi32>
      %shift_left3A_220 = arith.shli %xor3A_216, %shift_left3A_219 : vector<8x2048xi32>
      %shift_right_logical3A_221 = arith.constant 8 : i32
      %shift_right_logical3A_222 = vector.broadcast %shift_right_logical3A_221 : i32 to vector<8x2048xi32>
      %shift_right_logical3A_223 = arith.shrui %xor3A_216, %shift_right_logical3A_222 : vector<8x2048xi32>
      %or3A_224 = arith.ori %shift_left3A_220, %shift_right_logical3A_223 : vector<8x2048xi32>
      %xor3A_225 = arith.xori %add3A_217, %or3A_224 : vector<8x2048xi32>
      %add3A_226 = arith.constant -1378843660 : i32
      %add3A_227 = vector.broadcast %add3A_226 : i32 to vector<8x2048xi32>
      %add3A_228 = arith.addi %add3A_217, %add3A_227 : vector<8x2048xi32>
      %add3A_229 = arith.constant -1244255485 : i32
      %add3A_230 = vector.broadcast %add3A_229 : i32 to vector<8x2048xi32>
      %add3A_231 = arith.addi %xor3A_225, %add3A_230 : vector<8x2048xi32>
      %add3A_232 = arith.constant 4 : i32
      %add3A_233 = vector.broadcast %add3A_232 : i32 to vector<8x2048xi32>
      %add3A_234 = arith.addi %add3A_231, %add3A_233 : vector<8x2048xi32>
      %add3A_235 = arith.addi %add3A_228, %add3A_234 : vector<8x2048xi32>
      %shift_left3A_236 = arith.constant 13 : i32
      %shift_left3A_237 = vector.broadcast %shift_left3A_236 : i32 to vector<8x2048xi32>
      %shift_left3A_238 = arith.shli %add3A_234, %shift_left3A_237 : vector<8x2048xi32>
      %shift_right_logical3A_239 = arith.constant 19 : i32
      %shift_right_logical3A_240 = vector.broadcast %shift_right_logical3A_239 : i32 to vector<8x2048xi32>
      %shift_right_logical3A_241 = arith.shrui %add3A_234, %shift_right_logical3A_240 : vector<8x2048xi32>
      %or3A_242 = arith.ori %shift_left3A_238, %shift_right_logical3A_241 : vector<8x2048xi32>
      %xor3A_243 = arith.xori %add3A_235, %or3A_242 : vector<8x2048xi32>
      %add3A_244 = arith.addi %add3A_235, %xor3A_243 : vector<8x2048xi32>
      %shift_left3A_245 = arith.constant 15 : i32
      %shift_left3A_246 = vector.broadcast %shift_left3A_245 : i32 to vector<8x2048xi32>
      %shift_left3A_247 = arith.shli %xor3A_243, %shift_left3A_246 : vector<8x2048xi32>
      %shift_right_logical3A_248 = arith.constant 17 : i32
      %shift_right_logical3A_249 = vector.broadcast %shift_right_logical3A_248 : i32 to vector<8x2048xi32>
      %shift_right_logical3A_250 = arith.shrui %xor3A_243, %shift_right_logical3A_249 : vector<8x2048xi32>
      %or3A_251 = arith.ori %shift_left3A_247, %shift_right_logical3A_250 : vector<8x2048xi32>
      %xor3A_252 = arith.xori %add3A_244, %or3A_251 : vector<8x2048xi32>
      %add3A_253 = arith.addi %add3A_244, %xor3A_252 : vector<8x2048xi32>
      %shift_left3A_254 = arith.constant 26 : i32
      %shift_left3A_255 = vector.broadcast %shift_left3A_254 : i32 to vector<8x2048xi32>
      %shift_left3A_256 = arith.shli %xor3A_252, %shift_left3A_255 : vector<8x2048xi32>
      %shift_right_logical3A_257 = arith.constant 6 : i32
      %shift_right_logical3A_258 = vector.broadcast %shift_right_logical3A_257 : i32 to vector<8x2048xi32>
      %shift_right_logical3A_259 = arith.shrui %xor3A_252, %shift_right_logical3A_258 : vector<8x2048xi32>
      %or3A_260 = arith.ori %shift_left3A_256, %shift_right_logical3A_259 : vector<8x2048xi32>
      %xor3A_261 = arith.xori %add3A_253, %or3A_260 : vector<8x2048xi32>
      %add3A_262 = arith.addi %add3A_253, %xor3A_261 : vector<8x2048xi32>
      %shift_left3A_263 = arith.constant 6 : i32
      %shift_left3A_264 = vector.broadcast %shift_left3A_263 : i32 to vector<8x2048xi32>
      %shift_left3A_265 = arith.shli %xor3A_261, %shift_left3A_264 : vector<8x2048xi32>
      %shift_right_logical3A_266 = arith.constant 26 : i32
      %shift_right_logical3A_267 = vector.broadcast %shift_right_logical3A_266 : i32 to vector<8x2048xi32>
      %shift_right_logical3A_268 = arith.shrui %xor3A_261, %shift_right_logical3A_267 : vector<8x2048xi32>
      %or3A_269 = arith.ori %shift_left3A_265, %shift_right_logical3A_268 : vector<8x2048xi32>
      %xor3A_270 = arith.xori %add3A_262, %or3A_269 : vector<8x2048xi32>
      %add3A_271 = arith.constant -1244255485 : i32
      %add3A_272 = vector.broadcast %add3A_271 : i32 to vector<8x2048xi32>
      %add3A_273 = arith.addi %add3A_262, %add3A_272 : vector<8x2048xi32>
      %add3A_274 = arith.constant 64467757 : i32
      %add3A_275 = vector.broadcast %add3A_274 : i32 to vector<8x2048xi32>
      %add3A_276 = arith.addi %xor3A_270, %add3A_275 : vector<8x2048xi32>
      %add3A_277 = arith.constant 5 : i32
      %add3A_278 = vector.broadcast %add3A_277 : i32 to vector<8x2048xi32>
      %add3A_279 = arith.addi %add3A_276, %add3A_278 : vector<8x2048xi32>
      %xor3A_280 = arith.xori %add3A_273, %add3A_279 : vector<8x2048xi32>
      %shift_right_logical3A_281 = arith.constant 9 : i32
      %shift_right_logical3A_282 = vector.broadcast %shift_right_logical3A_281 : i32 to vector<8x2048xi32>
      %shift_right_logical3A_283 = arith.shrui %xor3A_280, %shift_right_logical3A_282 : vector<8x2048xi32>
      %or3A_284 = arith.constant 1065353216 : i32
      %or3A_285 = vector.broadcast %or3A_284 : i32 to vector<8x2048xi32>
      %or3A_286 = arith.ori %shift_right_logical3A_283, %or3A_285 : vector<8x2048xi32>
      %bitcast_convert_type3A_287 = tpu.bitcast %or3A_286 : vector<8x2048xi32> -> vector<8x2048xf32>
      %sub3A = arith.constant 1.000000e+00 : f32
      %sub3A_288 = vector.broadcast %sub3A : f32 to vector<8x2048xf32>
      %sub3A_289 = arith.subf %bitcast_convert_type3A_287, %sub3A_288 : vector<8x2048xf32>
      %max3A = arith.constant 1.17549435E-38 : f32
      %max3A_290 = vector.broadcast %max3A : f32 to vector<8x2048xf32>
      %max3A_291 = arith.maximumf %sub3A_289, %max3A_290 : vector<8x2048xf32>
      %log3A = math.log %max3A_291 : vector<8x2048xf32>
      %get3A_292 = arith.index_cast %add3A_39 : i32 to index
      %get3A_293 = arith.constant 0 : index
      %get3A_294 = arith.constant 0 : index
      %get3A_295 = vector.load %arg3[%get3A_292, %get3A_293, %get3A_294] : memref<490x1x2048xf32, #tpu.memory_space<vmem>>, vector<1x1x2048xf32>
      %get3A_296 = vector.shape_cast %get3A_295 : vector<1x1x2048xf32> to vector<1x2048xf32>
      %mul3A_297 = vector.broadcast %get3A_296 : vector<1x2048xf32> to vector<8x2048xf32>
      %mul3A_298 = arith.mulf %log3A, %mul3A_297 : vector<8x2048xf32>
      %bitcast_convert_type3A_299 = tpu.bitcast %mul3A_298 : vector<8x2048xf32> -> vector<8x2048xi32>
      %and3A_300 = arith.constant -512 : i32
      %and3A_301 = vector.broadcast %and3A_300 : i32 to vector<8x2048xi32>
      %and3A_302 = arith.andi %bitcast_convert_type3A_299, %and3A_301 : vector<8x2048xi32>
      %or3A_303 = vector.broadcast %add3A_39 : i32 to vector<8x2048xi32>
      %or3A_304 = arith.ori %and3A_302, %or3A_303 : vector<8x2048xi32>
      %bitcast_convert_type3A_305 = tpu.bitcast %or3A_304 : vector<8x2048xi32> -> vector<8x2048xf32>
      %min3A = arith.minimumf %scan3A_35, %bitcast_convert_type3A_305 : vector<8x2048xf32>
      %mul3A_306 = arith.constant 10 : i32
      %mul3A_307 = arith.muli %scan3A_34, %mul3A_306 : i32
      %add3A_308 = arith.constant 1 : i32
      %add3A_309 = arith.addi %mul3A_307, %add3A_308 : i32
      %mul3A_310 = arith.constant 2048 : i32
      %mul3A_311 = arith.muli %add3A_309, %mul3A_310 : i32
      %add3A_312 = vector.broadcast %mul3A_311 : i32 to vector<8x1xi32>
      %add3A_313 = arith.addi %get3A_3, %add3A_312 : vector<8x1xi32>
      %add3A_314 = vector.broadcast %add3A_313 : vector<8x1xi32> to vector<8x2048xi32>
      %add3A_315 = vector.broadcast %iota3A : vector<1x2048xi32> to vector<8x2048xi32>
      %add3A_316 = arith.addi %add3A_314, %add3A_315 : vector<8x2048xi32>
      %lt3A_317 = vector.broadcast %get3A_3 : vector<8x1xi32> to vector<8x2048xi32>
      %lt3A_318 = arith.cmpi ult, %add3A_316, %lt3A_317 : vector<8x2048xi32>
      %broadcast_in_dim3A_319 = vector.shape_cast %add3A_10 : vector<8x1xi32> to vector<8x1xi32>
      %broadcast_in_dim3A_320 = vector.broadcast %broadcast_in_dim3A_319 : vector<8x1xi32> to vector<8x2048xi32>
      %broadcast_in_dim3A_321 = vector.shape_cast %get3A_8 : vector<8x1xi32> to vector<8x1xi32>
      %broadcast_in_dim3A_322 = vector.broadcast %broadcast_in_dim3A_321 : vector<8x1xi32> to vector<8x2048xi32>
      %select_n3A_323 = arith.select %lt3A_318, %broadcast_in_dim3A_320, %broadcast_in_dim3A_322 : vector<8x2048xi1>, vector<8x2048xi32>
      %add3A_324 = arith.constant 64467757 : i32
      %add3A_325 = vector.broadcast %add3A_324 : i32 to vector<8x2048xi32>
      %add3A_326 = arith.addi %select_n3A_323, %add3A_325 : vector<8x2048xi32>
      %add3A_327 = arith.constant -1378843660 : i32
      %add3A_328 = vector.broadcast %add3A_327 : i32 to vector<8x2048xi32>
      %add3A_329 = arith.addi %add3A_316, %add3A_328 : vector<8x2048xi32>
      %add3A_330 = arith.addi %add3A_326, %add3A_329 : vector<8x2048xi32>
      %shift_left3A_331 = arith.constant 13 : i32
      %shift_left3A_332 = vector.broadcast %shift_left3A_331 : i32 to vector<8x2048xi32>
      %shift_left3A_333 = arith.shli %add3A_329, %shift_left3A_332 : vector<8x2048xi32>
      %shift_right_logical3A_334 = arith.constant 19 : i32
      %shift_right_logical3A_335 = vector.broadcast %shift_right_logical3A_334 : i32 to vector<8x2048xi32>
      %shift_right_logical3A_336 = arith.shrui %add3A_329, %shift_right_logical3A_335 : vector<8x2048xi32>
      %or3A_337 = arith.ori %shift_left3A_333, %shift_right_logical3A_336 : vector<8x2048xi32>
      %xor3A_338 = arith.xori %add3A_330, %or3A_337 : vector<8x2048xi32>
      %add3A_339 = arith.addi %add3A_330, %xor3A_338 : vector<8x2048xi32>
      %shift_left3A_340 = arith.constant 15 : i32
      %shift_left3A_341 = vector.broadcast %shift_left3A_340 : i32 to vector<8x2048xi32>
      %shift_left3A_342 = arith.shli %xor3A_338, %shift_left3A_341 : vector<8x2048xi32>
      %shift_right_logical3A_343 = arith.constant 17 : i32
      %shift_right_logical3A_344 = vector.broadcast %shift_right_logical3A_343 : i32 to vector<8x2048xi32>
      %shift_right_logical3A_345 = arith.shrui %xor3A_338, %shift_right_logical3A_344 : vector<8x2048xi32>
      %or3A_346 = arith.ori %shift_left3A_342, %shift_right_logical3A_345 : vector<8x2048xi32>
      %xor3A_347 = arith.xori %add3A_339, %or3A_346 : vector<8x2048xi32>
      %add3A_348 = arith.addi %add3A_339, %xor3A_347 : vector<8x2048xi32>
      %shift_left3A_349 = arith.constant 26 : i32
      %shift_left3A_350 = vector.broadcast %shift_left3A_349 : i32 to vector<8x2048xi32>
      %shift_left3A_351 = arith.shli %xor3A_347, %shift_left3A_350 : vector<8x2048xi32>
      %shift_right_logical3A_352 = arith.constant 6 : i32
      %shift_right_logical3A_353 = vector.broadcast %shift_right_logical3A_352 : i32 to vector<8x2048xi32>
      %shift_right_logical3A_354 = arith.shrui %xor3A_347, %shift_right_logical3A_353 : vector<8x2048xi32>
      %or3A_355 = arith.ori %shift_left3A_351, %shift_right_logical3A_354 : vector<8x2048xi32>
      %xor3A_356 = arith.xori %add3A_348, %or3A_355 : vector<8x2048xi32>
      %add3A_357 = arith.addi %add3A_348, %xor3A_356 : vector<8x2048xi32>
      %shift_left3A_358 = arith.constant 6 : i32
      %shift_left3A_359 = vector.broadcast %shift_left3A_358 : i32 to vector<8x2048xi32>
      %shift_left3A_360 = arith.shli %xor3A_356, %shift_left3A_359 : vector<8x2048xi32>
      %shift_right_logical3A_361 = arith.constant 26 : i32
      %shift_right_logical3A_362 = vector.broadcast %shift_right_logical3A_361 : i32 to vector<8x2048xi32>
      %shift_right_logical3A_363 = arith.shrui %xor3A_356, %shift_right_logical3A_362 : vector<8x2048xi32>
      %or3A_364 = arith.ori %shift_left3A_360, %shift_right_logical3A_363 : vector<8x2048xi32>
      %xor3A_365 = arith.xori %add3A_357, %or3A_364 : vector<8x2048xi32>
      %add3A_366 = arith.constant -1378843660 : i32
      %add3A_367 = vector.broadcast %add3A_366 : i32 to vector<8x2048xi32>
      %add3A_368 = arith.addi %add3A_357, %add3A_367 : vector<8x2048xi32>
      %add3A_369 = arith.constant -1244255485 : i32
      %add3A_370 = vector.broadcast %add3A_369 : i32 to vector<8x2048xi32>
      %add3A_371 = arith.addi %xor3A_365, %add3A_370 : vector<8x2048xi32>
      %add3A_372 = arith.constant 1 : i32
      %add3A_373 = vector.broadcast %add3A_372 : i32 to vector<8x2048xi32>
      %add3A_374 = arith.addi %add3A_371, %add3A_373 : vector<8x2048xi32>
      %add3A_375 = arith.addi %add3A_368, %add3A_374 : vector<8x2048xi32>
      %shift_left3A_376 = arith.constant 17 : i32
      %shift_left3A_377 = vector.broadcast %shift_left3A_376 : i32 to vector<8x2048xi32>
      %shift_left3A_378 = arith.shli %add3A_374, %shift_left3A_377 : vector<8x2048xi32>
      %shift_right_logical3A_379 = arith.constant 15 : i32
      %shift_right_logical3A_380 = vector.broadcast %shift_right_logical3A_379 : i32 to vector<8x2048xi32>
      %shift_right_logical3A_381 = arith.shrui %add3A_374, %shift_right_logical3A_380 : vector<8x2048xi32>
      %or3A_382 = arith.ori %shift_left3A_378, %shift_right_logical3A_381 : vector<8x2048xi32>
      %xor3A_383 = arith.xori %add3A_375, %or3A_382 : vector<8x2048xi32>
      %add3A_384 = arith.addi %add3A_375, %xor3A_383 : vector<8x2048xi32>
      %shift_left3A_385 = arith.constant 29 : i32
      %shift_left3A_386 = vector.broadcast %shift_left3A_385 : i32 to vector<8x2048xi32>
      %shift_left3A_387 = arith.shli %xor3A_383, %shift_left3A_386 : vector<8x2048xi32>
      %shift_right_logical3A_388 = arith.constant 3 : i32
      %shift_right_logical3A_389 = vector.broadcast %shift_right_logical3A_388 : i32 to vector<8x2048xi32>
      %shift_right_logical3A_390 = arith.shrui %xor3A_383, %shift_right_logical3A_389 : vector<8x2048xi32>
      %or3A_391 = arith.ori %shift_left3A_387, %shift_right_logical3A_390 : vector<8x2048xi32>
      %xor3A_392 = arith.xori %add3A_384, %or3A_391 : vector<8x2048xi32>
      %add3A_393 = arith.addi %add3A_384, %xor3A_392 : vector<8x2048xi32>
      %shift_left3A_394 = arith.constant 16 : i32
      %shift_left3A_395 = vector.broadcast %shift_left3A_394 : i32 to vector<8x2048xi32>
      %shift_left3A_396 = arith.shli %xor3A_392, %shift_left3A_395 : vector<8x2048xi32>
      %shift_right_logical3A_397 = arith.constant 16 : i32
      %shift_right_logical3A_398 = vector.broadcast %shift_right_logical3A_397 : i32 to vector<8x2048xi32>
      %shift_right_logical3A_399 = arith.shrui %xor3A_392, %shift_right_logical3A_398 : vector<8x2048xi32>
      %or3A_400 = arith.ori %shift_left3A_396, %shift_right_logical3A_399 : vector<8x2048xi32>
      %xor3A_401 = arith.xori %add3A_393, %or3A_400 : vector<8x2048xi32>
      %add3A_402 = arith.addi %add3A_393, %xor3A_401 : vector<8x2048xi32>
      %shift_left3A_403 = arith.constant 24 : i32
      %shift_left3A_404 = vector.broadcast %shift_left3A_403 : i32 to vector<8x2048xi32>
      %shift_left3A_405 = arith.shli %xor3A_401, %shift_left3A_404 : vector<8x2048xi32>
      %shift_right_logical3A_406 = arith.constant 8 : i32
      %shift_right_logical3A_407 = vector.broadcast %shift_right_logical3A_406 : i32 to vector<8x2048xi32>
      %shift_right_logical3A_408 = arith.shrui %xor3A_401, %shift_right_logical3A_407 : vector<8x2048xi32>
      %or3A_409 = arith.ori %shift_left3A_405, %shift_right_logical3A_408 : vector<8x2048xi32>
      %xor3A_410 = arith.xori %add3A_402, %or3A_409 : vector<8x2048xi32>
      %add3A_411 = arith.constant -1244255485 : i32
      %add3A_412 = vector.broadcast %add3A_411 : i32 to vector<8x2048xi32>
      %add3A_413 = arith.addi %add3A_402, %add3A_412 : vector<8x2048xi32>
      %add3A_414 = arith.constant 64467757 : i32
      %add3A_415 = vector.broadcast %add3A_414 : i32 to vector<8x2048xi32>
      %add3A_416 = arith.addi %xor3A_410, %add3A_415 : vector<8x2048xi32>
      %add3A_417 = arith.constant 2 : i32
      %add3A_418 = vector.broadcast %add3A_417 : i32 to vector<8x2048xi32>
      %add3A_419 = arith.addi %add3A_416, %add3A_418 : vector<8x2048xi32>
      %add3A_420 = arith.addi %add3A_413, %add3A_419 : vector<8x2048xi32>
      %shift_left3A_421 = arith.constant 13 : i32
      %shift_left3A_422 = vector.broadcast %shift_left3A_421 : i32 to vector<8x2048xi32>
      %shift_left3A_423 = arith.shli %add3A_419, %shift_left3A_422 : vector<8x2048xi32>
      %shift_right_logical3A_424 = arith.constant 19 : i32
      %shift_right_logical3A_425 = vector.broadcast %shift_right_logical3A_424 : i32 to vector<8x2048xi32>
      %shift_right_logical3A_426 = arith.shrui %add3A_419, %shift_right_logical3A_425 : vector<8x2048xi32>
      %or3A_427 = arith.ori %shift_left3A_423, %shift_right_logical3A_426 : vector<8x2048xi32>
      %xor3A_428 = arith.xori %add3A_420, %or3A_427 : vector<8x2048xi32>
      %add3A_429 = arith.addi %add3A_420, %xor3A_428 : vector<8x2048xi32>
      %shift_left3A_430 = arith.constant 15 : i32
      %shift_left3A_431 = vector.broadcast %shift_left3A_430 : i32 to vector<8x2048xi32>
      %shift_left3A_432 = arith.shli %xor3A_428, %shift_left3A_431 : vector<8x2048xi32>
      %shift_right_logical3A_433 = arith.constant 17 : i32
      %shift_right_logical3A_434 = vector.broadcast %shift_right_logical3A_433 : i32 to vector<8x2048xi32>
      %shift_right_logical3A_435 = arith.shrui %xor3A_428, %shift_right_logical3A_434 : vector<8x2048xi32>
      %or3A_436 = arith.ori %shift_left3A_432, %shift_right_logical3A_435 : vector<8x2048xi32>
      %xor3A_437 = arith.xori %add3A_429, %or3A_436 : vector<8x2048xi32>
      %add3A_438 = arith.addi %add3A_429, %xor3A_437 : vector<8x2048xi32>
      %shift_left3A_439 = arith.constant 26 : i32
      %shift_left3A_440 = vector.broadcast %shift_left3A_439 : i32 to vector<8x2048xi32>
      %shift_left3A_441 = arith.shli %xor3A_437, %shift_left3A_440 : vector<8x2048xi32>
      %shift_right_logical3A_442 = arith.constant 6 : i32
      %shift_right_logical3A_443 = vector.broadcast %shift_right_logical3A_442 : i32 to vector<8x2048xi32>
      %shift_right_logical3A_444 = arith.shrui %xor3A_437, %shift_right_logical3A_443 : vector<8x2048xi32>
      %or3A_445 = arith.ori %shift_left3A_441, %shift_right_logical3A_444 : vector<8x2048xi32>
      %xor3A_446 = arith.xori %add3A_438, %or3A_445 : vector<8x2048xi32>
      %add3A_447 = arith.addi %add3A_438, %xor3A_446 : vector<8x2048xi32>
      %shift_left3A_448 = arith.constant 6 : i32
      %shift_left3A_449 = vector.broadcast %shift_left3A_448 : i32 to vector<8x2048xi32>
      %shift_left3A_450 = arith.shli %xor3A_446, %shift_left3A_449 : vector<8x2048xi32>
      %shift_right_logical3A_451 = arith.constant 26 : i32
      %shift_right_logical3A_452 = vector.broadcast %shift_right_logical3A_451 : i32 to vector<8x2048xi32>
      %shift_right_logical3A_453 = arith.shrui %xor3A_446, %shift_right_logical3A_452 : vector<8x2048xi32>
      %or3A_454 = arith.ori %shift_left3A_450, %shift_right_logical3A_453 : vector<8x2048xi32>
      %xor3A_455 = arith.xori %add3A_447, %or3A_454 : vector<8x2048xi32>
      %add3A_456 = arith.constant 64467757 : i32
      %add3A_457 = vector.broadcast %add3A_456 : i32 to vector<8x2048xi32>
      %add3A_458 = arith.addi %add3A_447, %add3A_457 : vector<8x2048xi32>
      %add3A_459 = arith.constant -1378843660 : i32
      %add3A_460 = vector.broadcast %add3A_459 : i32 to vector<8x2048xi32>
      %add3A_461 = arith.addi %xor3A_455, %add3A_460 : vector<8x2048xi32>
      %add3A_462 = arith.constant 3 : i32
      %add3A_463 = vector.broadcast %add3A_462 : i32 to vector<8x2048xi32>
      %add3A_464 = arith.addi %add3A_461, %add3A_463 : vector<8x2048xi32>
      %add3A_465 = arith.addi %add3A_458, %add3A_464 : vector<8x2048xi32>
      %shift_left3A_466 = arith.constant 17 : i32
      %shift_left3A_467 = vector.broadcast %shift_left3A_466 : i32 to vector<8x2048xi32>
      %shift_left3A_468 = arith.shli %add3A_464, %shift_left3A_467 : vector<8x2048xi32>
      %shift_right_logical3A_469 = arith.constant 15 : i32
      %shift_right_logical3A_470 = vector.broadcast %shift_right_logical3A_469 : i32 to vector<8x2048xi32>
      %shift_right_logical3A_471 = arith.shrui %add3A_464, %shift_right_logical3A_470 : vector<8x2048xi32>
      %or3A_472 = arith.ori %shift_left3A_468, %shift_right_logical3A_471 : vector<8x2048xi32>
      %xor3A_473 = arith.xori %add3A_465, %or3A_472 : vector<8x2048xi32>
      %add3A_474 = arith.addi %add3A_465, %xor3A_473 : vector<8x2048xi32>
      %shift_left3A_475 = arith.constant 29 : i32
      %shift_left3A_476 = vector.broadcast %shift_left3A_475 : i32 to vector<8x2048xi32>
      %shift_left3A_477 = arith.shli %xor3A_473, %shift_left3A_476 : vector<8x2048xi32>
      %shift_right_logical3A_478 = arith.constant 3 : i32
      %shift_right_logical3A_479 = vector.broadcast %shift_right_logical3A_478 : i32 to vector<8x2048xi32>
      %shift_right_logical3A_480 = arith.shrui %xor3A_473, %shift_right_logical3A_479 : vector<8x2048xi32>
      %or3A_481 = arith.ori %shift_left3A_477, %shift_right_logical3A_480 : vector<8x2048xi32>
      %xor3A_482 = arith.xori %add3A_474, %or3A_481 : vector<8x2048xi32>
      %add3A_483 = arith.addi %add3A_474, %xor3A_482 : vector<8x2048xi32>
      %shift_left3A_484 = arith.constant 16 : i32
      %shift_left3A_485 = vector.broadcast %shift_left3A_484 : i32 to vector<8x2048xi32>
      %shift_left3A_486 = arith.shli %xor3A_482, %shift_left3A_485 : vector<8x2048xi32>
      %shift_right_logical3A_487 = arith.constant 16 : i32
      %shift_right_logical3A_488 = vector.broadcast %shift_right_logical3A_487 : i32 to vector<8x2048xi32>
      %shift_right_logical3A_489 = arith.shrui %xor3A_482, %shift_right_logical3A_488 : vector<8x2048xi32>
      %or3A_490 = arith.ori %shift_left3A_486, %shift_right_logical3A_489 : vector<8x2048xi32>
      %xor3A_491 = arith.xori %add3A_483, %or3A_490 : vector<8x2048xi32>
      %add3A_492 = arith.addi %add3A_483, %xor3A_491 : vector<8x2048xi32>
      %shift_left3A_493 = arith.constant 24 : i32
      %shift_left3A_494 = vector.broadcast %shift_left3A_493 : i32 to vector<8x2048xi32>
      %shift_left3A_495 = arith.shli %xor3A_491, %shift_left3A_494 : vector<8x2048xi32>
      %shift_right_logical3A_496 = arith.constant 8 : i32
      %shift_right_logical3A_497 = vector.broadcast %shift_right_logical3A_496 : i32 to vector<8x2048xi32>
      %shift_right_logical3A_498 = arith.shrui %xor3A_491, %shift_right_logical3A_497 : vector<8x2048xi32>
      %or3A_499 = arith.ori %shift_left3A_495, %shift_right_logical3A_498 : vector<8x2048xi32>
      %xor3A_500 = arith.xori %add3A_492, %or3A_499 : vector<8x2048xi32>
      %add3A_501 = arith.constant -1378843660 : i32
      %add3A_502 = vector.broadcast %add3A_501 : i32 to vector<8x2048xi32>
      %add3A_503 = arith.addi %add3A_492, %add3A_502 : vector<8x2048xi32>
      %add3A_504 = arith.constant -1244255485 : i32
      %add3A_505 = vector.broadcast %add3A_504 : i32 to vector<8x2048xi32>
      %add3A_506 = arith.addi %xor3A_500, %add3A_505 : vector<8x2048xi32>
      %add3A_507 = arith.constant 4 : i32
      %add3A_508 = vector.broadcast %add3A_507 : i32 to vector<8x2048xi32>
      %add3A_509 = arith.addi %add3A_506, %add3A_508 : vector<8x2048xi32>
      %add3A_510 = arith.addi %add3A_503, %add3A_509 : vector<8x2048xi32>
      %shift_left3A_511 = arith.constant 13 : i32
      %shift_left3A_512 = vector.broadcast %shift_left3A_511 : i32 to vector<8x2048xi32>
      %shift_left3A_513 = arith.shli %add3A_509, %shift_left3A_512 : vector<8x2048xi32>
      %shift_right_logical3A_514 = arith.constant 19 : i32
      %shift_right_logical3A_515 = vector.broadcast %shift_right_logical3A_514 : i32 to vector<8x2048xi32>
      %shift_right_logical3A_516 = arith.shrui %add3A_509, %shift_right_logical3A_515 : vector<8x2048xi32>
      %or3A_517 = arith.ori %shift_left3A_513, %shift_right_logical3A_516 : vector<8x2048xi32>
      %xor3A_518 = arith.xori %add3A_510, %or3A_517 : vector<8x2048xi32>
      %add3A_519 = arith.addi %add3A_510, %xor3A_518 : vector<8x2048xi32>
      %shift_left3A_520 = arith.constant 15 : i32
      %shift_left3A_521 = vector.broadcast %shift_left3A_520 : i32 to vector<8x2048xi32>
      %shift_left3A_522 = arith.shli %xor3A_518, %shift_left3A_521 : vector<8x2048xi32>
      %shift_right_logical3A_523 = arith.constant 17 : i32
      %shift_right_logical3A_524 = vector.broadcast %shift_right_logical3A_523 : i32 to vector<8x2048xi32>
      %shift_right_logical3A_525 = arith.shrui %xor3A_518, %shift_right_logical3A_524 : vector<8x2048xi32>
      %or3A_526 = arith.ori %shift_left3A_522, %shift_right_logical3A_525 : vector<8x2048xi32>
      %xor3A_527 = arith.xori %add3A_519, %or3A_526 : vector<8x2048xi32>
      %add3A_528 = arith.addi %add3A_519, %xor3A_527 : vector<8x2048xi32>
      %shift_left3A_529 = arith.constant 26 : i32
      %shift_left3A_530 = vector.broadcast %shift_left3A_529 : i32 to vector<8x2048xi32>
      %shift_left3A_531 = arith.shli %xor3A_527, %shift_left3A_530 : vector<8x2048xi32>
      %shift_right_logical3A_532 = arith.constant 6 : i32
      %shift_right_logical3A_533 = vector.broadcast %shift_right_logical3A_532 : i32 to vector<8x2048xi32>
      %shift_right_logical3A_534 = arith.shrui %xor3A_527, %shift_right_logical3A_533 : vector<8x2048xi32>
      %or3A_535 = arith.ori %shift_left3A_531, %shift_right_logical3A_534 : vector<8x2048xi32>
      %xor3A_536 = arith.xori %add3A_528, %or3A_535 : vector<8x2048xi32>
      %add3A_537 = arith.addi %add3A_528, %xor3A_536 : vector<8x2048xi32>
      %shift_left3A_538 = arith.constant 6 : i32
      %shift_left3A_539 = vector.broadcast %shift_left3A_538 : i32 to vector<8x2048xi32>
      %shift_left3A_540 = arith.shli %xor3A_536, %shift_left3A_539 : vector<8x2048xi32>
      %shift_right_logical3A_541 = arith.constant 26 : i32
      %shift_right_logical3A_542 = vector.broadcast %shift_right_logical3A_541 : i32 to vector<8x2048xi32>
      %shift_right_logical3A_543 = arith.shrui %xor3A_536, %shift_right_logical3A_542 : vector<8x2048xi32>
      %or3A_544 = arith.ori %shift_left3A_540, %shift_right_logical3A_543 : vector<8x2048xi32>
      %xor3A_545 = arith.xori %add3A_537, %or3A_544 : vector<8x2048xi32>
      %add3A_546 = arith.constant -1244255485 : i32
      %add3A_547 = vector.broadcast %add3A_546 : i32 to vector<8x2048xi32>
      %add3A_548 = arith.addi %add3A_537, %add3A_547 : vector<8x2048xi32>
      %add3A_549 = arith.constant 64467757 : i32
      %add3A_550 = vector.broadcast %add3A_549 : i32 to vector<8x2048xi32>
      %add3A_551 = arith.addi %xor3A_545, %add3A_550 : vector<8x2048xi32>
      %add3A_552 = arith.constant 5 : i32
      %add3A_553 = vector.broadcast %add3A_552 : i32 to vector<8x2048xi32>
      %add3A_554 = arith.addi %add3A_551, %add3A_553 : vector<8x2048xi32>
      %xor3A_555 = arith.xori %add3A_548, %add3A_554 : vector<8x2048xi32>
      %shift_right_logical3A_556 = arith.constant 9 : i32
      %shift_right_logical3A_557 = vector.broadcast %shift_right_logical3A_556 : i32 to vector<8x2048xi32>
      %shift_right_logical3A_558 = arith.shrui %xor3A_555, %shift_right_logical3A_557 : vector<8x2048xi32>
      %or3A_559 = arith.constant 1065353216 : i32
      %or3A_560 = vector.broadcast %or3A_559 : i32 to vector<8x2048xi32>
      %or3A_561 = arith.ori %shift_right_logical3A_558, %or3A_560 : vector<8x2048xi32>
      %bitcast_convert_type3A_562 = tpu.bitcast %or3A_561 : vector<8x2048xi32> -> vector<8x2048xf32>
      %sub3A_563 = arith.constant 1.000000e+00 : f32
      %sub3A_564 = vector.broadcast %sub3A_563 : f32 to vector<8x2048xf32>
      %sub3A_565 = arith.subf %bitcast_convert_type3A_562, %sub3A_564 : vector<8x2048xf32>
      %max3A_566 = arith.constant 1.17549435E-38 : f32
      %max3A_567 = vector.broadcast %max3A_566 : f32 to vector<8x2048xf32>
      %max3A_568 = arith.maximumf %sub3A_565, %max3A_567 : vector<8x2048xf32>
      %log3A_569 = math.log %max3A_568 : vector<8x2048xf32>
      %get3A_570 = arith.index_cast %add3A_309 : i32 to index
      %get3A_571 = arith.constant 0 : index
      %get3A_572 = arith.constant 0 : index
      %get3A_573 = vector.load %arg3[%get3A_570, %get3A_571, %get3A_572] : memref<490x1x2048xf32, #tpu.memory_space<vmem>>, vector<1x1x2048xf32>
      %get3A_574 = vector.shape_cast %get3A_573 : vector<1x1x2048xf32> to vector<1x2048xf32>
      %mul3A_575 = vector.broadcast %get3A_574 : vector<1x2048xf32> to vector<8x2048xf32>
      %mul3A_576 = arith.mulf %log3A_569, %mul3A_575 : vector<8x2048xf32>
      %bitcast_convert_type3A_577 = tpu.bitcast %mul3A_576 : vector<8x2048xf32> -> vector<8x2048xi32>
      %and3A_578 = arith.constant -512 : i32
      %and3A_579 = vector.broadcast %and3A_578 : i32 to vector<8x2048xi32>
      %and3A_580 = arith.andi %bitcast_convert_type3A_577, %and3A_579 : vector<8x2048xi32>
      %or3A_581 = vector.broadcast %add3A_309 : i32 to vector<8x2048xi32>
      %or3A_582 = arith.ori %and3A_580, %or3A_581 : vector<8x2048xi32>
      %bitcast_convert_type3A_583 = tpu.bitcast %or3A_582 : vector<8x2048xi32> -> vector<8x2048xf32>
      %min3A_584 = arith.minimumf %min3A, %bitcast_convert_type3A_583 : vector<8x2048xf32>
      %mul3A_585 = arith.constant 10 : i32
      %mul3A_586 = arith.muli %scan3A_34, %mul3A_585 : i32
      %add3A_587 = arith.constant 2 : i32
      %add3A_588 = arith.addi %mul3A_586, %add3A_587 : i32
      %mul3A_589 = arith.constant 2048 : i32
      %mul3A_590 = arith.muli %add3A_588, %mul3A_589 : i32
      %add3A_591 = vector.broadcast %mul3A_590 : i32 to vector<8x1xi32>
      %add3A_592 = arith.addi %get3A_3, %add3A_591 : vector<8x1xi32>
      %add3A_593 = vector.broadcast %add3A_592 : vector<8x1xi32> to vector<8x2048xi32>
      %add3A_594 = vector.broadcast %iota3A : vector<1x2048xi32> to vector<8x2048xi32>
      %add3A_595 = arith.addi %add3A_593, %add3A_594 : vector<8x2048xi32>
      %lt3A_596 = vector.broadcast %get3A_3 : vector<8x1xi32> to vector<8x2048xi32>
      %lt3A_597 = arith.cmpi ult, %add3A_595, %lt3A_596 : vector<8x2048xi32>
      %broadcast_in_dim3A_598 = vector.shape_cast %add3A_10 : vector<8x1xi32> to vector<8x1xi32>
      %broadcast_in_dim3A_599 = vector.broadcast %broadcast_in_dim3A_598 : vector<8x1xi32> to vector<8x2048xi32>
      %broadcast_in_dim3A_600 = vector.shape_cast %get3A_8 : vector<8x1xi32> to vector<8x1xi32>
      %broadcast_in_dim3A_601 = vector.broadcast %broadcast_in_dim3A_600 : vector<8x1xi32> to vector<8x2048xi32>
      %select_n3A_602 = arith.select %lt3A_597, %broadcast_in_dim3A_599, %broadcast_in_dim3A_601 : vector<8x2048xi1>, vector<8x2048xi32>
      %add3A_603 = arith.constant 64467757 : i32
      %add3A_604 = vector.broadcast %add3A_603 : i32 to vector<8x2048xi32>
      %add3A_605 = arith.addi %select_n3A_602, %add3A_604 : vector<8x2048xi32>
      %add3A_606 = arith.constant -1378843660 : i32
      %add3A_607 = vector.broadcast %add3A_606 : i32 to vector<8x2048xi32>
      %add3A_608 = arith.addi %add3A_595, %add3A_607 : vector<8x2048xi32>
      %add3A_609 = arith.addi %add3A_605, %add3A_608 : vector<8x2048xi32>
      %shift_left3A_610 = arith.constant 13 : i32
      %shift_left3A_611 = vector.broadcast %shift_left3A_610 : i32 to vector<8x2048xi32>
      %shift_left3A_612 = arith.shli %add3A_608, %shift_left3A_611 : vector<8x2048xi32>
      %shift_right_logical3A_613 = arith.constant 19 : i32
      %shift_right_logical3A_614 = vector.broadcast %shift_right_logical3A_613 : i32 to vector<8x2048xi32>
      %shift_right_logical3A_615 = arith.shrui %add3A_608, %shift_right_logical3A_614 : vector<8x2048xi32>
      %or3A_616 = arith.ori %shift_left3A_612, %shift_right_logical3A_615 : vector<8x2048xi32>
      %xor3A_617 = arith.xori %add3A_609, %or3A_616 : vector<8x2048xi32>
      %add3A_618 = arith.addi %add3A_609, %xor3A_617 : vector<8x2048xi32>
      %shift_left3A_619 = arith.constant 15 : i32
      %shift_left3A_620 = vector.broadcast %shift_left3A_619 : i32 to vector<8x2048xi32>
      %shift_left3A_621 = arith.shli %xor3A_617, %shift_left3A_620 : vector<8x2048xi32>
      %shift_right_logical3A_622 = arith.constant 17 : i32
      %shift_right_logical3A_623 = vector.broadcast %shift_right_logical3A_622 : i32 to vector<8x2048xi32>
      %shift_right_logical3A_624 = arith.shrui %xor3A_617, %shift_right_logical3A_623 : vector<8x2048xi32>
      %or3A_625 = arith.ori %shift_left3A_621, %shift_right_logical3A_624 : vector<8x2048xi32>
      %xor3A_626 = arith.xori %add3A_618, %or3A_625 : vector<8x2048xi32>
      %add3A_627 = arith.addi %add3A_618, %xor3A_626 : vector<8x2048xi32>
      %shift_left3A_628 = arith.constant 26 : i32
      %shift_left3A_629 = vector.broadcast %shift_left3A_628 : i32 to vector<8x2048xi32>
      %shift_left3A_630 = arith.shli %xor3A_626, %shift_left3A_629 : vector<8x2048xi32>
      %shift_right_logical3A_631 = arith.constant 6 : i32
      %shift_right_logical3A_632 = vector.broadcast %shift_right_logical3A_631 : i32 to vector<8x2048xi32>
      %shift_right_logical3A_633 = arith.shrui %xor3A_626, %shift_right_logical3A_632 : vector<8x2048xi32>
      %or3A_634 = arith.ori %shift_left3A_630, %shift_right_logical3A_633 : vector<8x2048xi32>
      %xor3A_635 = arith.xori %add3A_627, %or3A_634 : vector<8x2048xi32>
      %add3A_636 = arith.addi %add3A_627, %xor3A_635 : vector<8x2048xi32>
      %shift_left3A_637 = arith.constant 6 : i32
      %shift_left3A_638 = vector.broadcast %shift_left3A_637 : i32 to vector<8x2048xi32>
      %shift_left3A_639 = arith.shli %xor3A_635, %shift_left3A_638 : vector<8x2048xi32>
      %shift_right_logical3A_640 = arith.constant 26 : i32
      %shift_right_logical3A_641 = vector.broadcast %shift_right_logical3A_640 : i32 to vector<8x2048xi32>
      %shift_right_logical3A_642 = arith.shrui %xor3A_635, %shift_right_logical3A_641 : vector<8x2048xi32>
      %or3A_643 = arith.ori %shift_left3A_639, %shift_right_logical3A_642 : vector<8x2048xi32>
      %xor3A_644 = arith.xori %add3A_636, %or3A_643 : vector<8x2048xi32>
      %add3A_645 = arith.constant -1378843660 : i32
      %add3A_646 = vector.broadcast %add3A_645 : i32 to vector<8x2048xi32>
      %add3A_647 = arith.addi %add3A_636, %add3A_646 : vector<8x2048xi32>
      %add3A_648 = arith.constant -1244255485 : i32
      %add3A_649 = vector.broadcast %add3A_648 : i32 to vector<8x2048xi32>
      %add3A_650 = arith.addi %xor3A_644, %add3A_649 : vector<8x2048xi32>
      %add3A_651 = arith.constant 1 : i32
      %add3A_652 = vector.broadcast %add3A_651 : i32 to vector<8x2048xi32>
      %add3A_653 = arith.addi %add3A_650, %add3A_652 : vector<8x2048xi32>
      %add3A_654 = arith.addi %add3A_647, %add3A_653 : vector<8x2048xi32>
      %shift_left3A_655 = arith.constant 17 : i32
      %shift_left3A_656 = vector.broadcast %shift_left3A_655 : i32 to vector<8x2048xi32>
      %shift_left3A_657 = arith.shli %add3A_653, %shift_left3A_656 : vector<8x2048xi32>
      %shift_right_logical3A_658 = arith.constant 15 : i32
      %shift_right_logical3A_659 = vector.broadcast %shift_right_logical3A_658 : i32 to vector<8x2048xi32>
      %shift_right_logical3A_660 = arith.shrui %add3A_653, %shift_right_logical3A_659 : vector<8x2048xi32>
      %or3A_661 = arith.ori %shift_left3A_657, %shift_right_logical3A_660 : vector<8x2048xi32>
      %xor3A_662 = arith.xori %add3A_654, %or3A_661 : vector<8x2048xi32>
      %add3A_663 = arith.addi %add3A_654, %xor3A_662 : vector<8x2048xi32>
      %shift_left3A_664 = arith.constant 29 : i32
      %shift_left3A_665 = vector.broadcast %shift_left3A_664 : i32 to vector<8x2048xi32>
      %shift_left3A_666 = arith.shli %xor3A_662, %shift_left3A_665 : vector<8x2048xi32>
      %shift_right_logical3A_667 = arith.constant 3 : i32
      %shift_right_logical3A_668 = vector.broadcast %shift_right_logical3A_667 : i32 to vector<8x2048xi32>
      %shift_right_logical3A_669 = arith.shrui %xor3A_662, %shift_right_logical3A_668 : vector<8x2048xi32>
      %or3A_670 = arith.ori %shift_left3A_666, %shift_right_logical3A_669 : vector<8x2048xi32>
      %xor3A_671 = arith.xori %add3A_663, %or3A_670 : vector<8x2048xi32>
      %add3A_672 = arith.addi %add3A_663, %xor3A_671 : vector<8x2048xi32>
      %shift_left3A_673 = arith.constant 16 : i32
      %shift_left3A_674 = vector.broadcast %shift_left3A_673 : i32 to vector<8x2048xi32>
      %shift_left3A_675 = arith.shli %xor3A_671, %shift_left3A_674 : vector<8x2048xi32>
      %shift_right_logical3A_676 = arith.constant 16 : i32
      %shift_right_logical3A_677 = vector.broadcast %shift_right_logical3A_676 : i32 to vector<8x2048xi32>
      %shift_right_logical3A_678 = arith.shrui %xor3A_671, %shift_right_logical3A_677 : vector<8x2048xi32>
      %or3A_679 = arith.ori %shift_left3A_675, %shift_right_logical3A_678 : vector<8x2048xi32>
      %xor3A_680 = arith.xori %add3A_672, %or3A_679 : vector<8x2048xi32>
      %add3A_681 = arith.addi %add3A_672, %xor3A_680 : vector<8x2048xi32>
      %shift_left3A_682 = arith.constant 24 : i32
      %shift_left3A_683 = vector.broadcast %shift_left3A_682 : i32 to vector<8x2048xi32>
      %shift_left3A_684 = arith.shli %xor3A_680, %shift_left3A_683 : vector<8x2048xi32>
      %shift_right_logical3A_685 = arith.constant 8 : i32
      %shift_right_logical3A_686 = vector.broadcast %shift_right_logical3A_685 : i32 to vector<8x2048xi32>
      %shift_right_logical3A_687 = arith.shrui %xor3A_680, %shift_right_logical3A_686 : vector<8x2048xi32>
      %or3A_688 = arith.ori %shift_left3A_684, %shift_right_logical3A_687 : vector<8x2048xi32>
      %xor3A_689 = arith.xori %add3A_681, %or3A_688 : vector<8x2048xi32>
      %add3A_690 = arith.constant -1244255485 : i32
      %add3A_691 = vector.broadcast %add3A_690 : i32 to vector<8x2048xi32>
      %add3A_692 = arith.addi %add3A_681, %add3A_691 : vector<8x2048xi32>
      %add3A_693 = arith.constant 64467757 : i32
      %add3A_694 = vector.broadcast %add3A_693 : i32 to vector<8x2048xi32>
      %add3A_695 = arith.addi %xor3A_689, %add3A_694 : vector<8x2048xi32>
      %add3A_696 = arith.constant 2 : i32
      %add3A_697 = vector.broadcast %add3A_696 : i32 to vector<8x2048xi32>
      %add3A_698 = arith.addi %add3A_695, %add3A_697 : vector<8x2048xi32>
      %add3A_699 = arith.addi %add3A_692, %add3A_698 : vector<8x2048xi32>
      %shift_left3A_700 = arith.constant 13 : i32
      %shift_left3A_701 = vector.broadcast %shift_left3A_700 : i32 to vector<8x2048xi32>
      %shift_left3A_702 = arith.shli %add3A_698, %shift_left3A_701 : vector<8x2048xi32>
      %shift_right_logical3A_703 = arith.constant 19 : i32
      %shift_right_logical3A_704 = vector.broadcast %shift_right_logical3A_703 : i32 to vector<8x2048xi32>
      %shift_right_logical3A_705 = arith.shrui %add3A_698, %shift_right_logical3A_704 : vector<8x2048xi32>
      %or3A_706 = arith.ori %shift_left3A_702, %shift_right_logical3A_705 : vector<8x2048xi32>
      %xor3A_707 = arith.xori %add3A_699, %or3A_706 : vector<8x2048xi32>
      %add3A_708 = arith.addi %add3A_699, %xor3A_707 : vector<8x2048xi32>
      %shift_left3A_709 = arith.constant 15 : i32
      %shift_left3A_710 = vector.broadcast %shift_left3A_709 : i32 to vector<8x2048xi32>
      %shift_left3A_711 = arith.shli %xor3A_707, %shift_left3A_710 : vector<8x2048xi32>
      %shift_right_logical3A_712 = arith.constant 17 : i32
      %shift_right_logical3A_713 = vector.broadcast %shift_right_logical3A_712 : i32 to vector<8x2048xi32>
      %shift_right_logical3A_714 = arith.shrui %xor3A_707, %shift_right_logical3A_713 : vector<8x2048xi32>
      %or3A_715 = arith.ori %shift_left3A_711, %shift_right_logical3A_714 : vector<8x2048xi32>
      %xor3A_716 = arith.xori %add3A_708, %or3A_715 : vector<8x2048xi32>
      %add3A_717 = arith.addi %add3A_708, %xor3A_716 : vector<8x2048xi32>
      %shift_left3A_718 = arith.constant 26 : i32
      %shift_left3A_719 = vector.broadcast %shift_left3A_718 : i32 to vector<8x2048xi32>
      %shift_left3A_720 = arith.shli %xor3A_716, %shift_left3A_719 : vector<8x2048xi32>
      %shift_right_logical3A_721 = arith.constant 6 : i32
      %shift_right_logical3A_722 = vector.broadcast %shift_right_logical3A_721 : i32 to vector<8x2048xi32>
      %shift_right_logical3A_723 = arith.shrui %xor3A_716, %shift_right_logical3A_722 : vector<8x2048xi32>
      %or3A_724 = arith.ori %shift_left3A_720, %shift_right_logical3A_723 : vector<8x2048xi32>
      %xor3A_725 = arith.xori %add3A_717, %or3A_724 : vector<8x2048xi32>
      %add3A_726 = arith.addi %add3A_717, %xor3A_725 : vector<8x2048xi32>
      %shift_left3A_727 = arith.constant 6 : i32
      %shift_left3A_728 = vector.broadcast %shift_left3A_727 : i32 to vector<8x2048xi32>
      %shift_left3A_729 = arith.shli %xor3A_725, %shift_left3A_728 : vector<8x2048xi32>
      %shift_right_logical3A_730 = arith.constant 26 : i32
      %shift_right_logical3A_731 = vector.broadcast %shift_right_logical3A_730 : i32 to vector<8x2048xi32>
      %shift_right_logical3A_732 = arith.shrui %xor3A_725, %shift_right_logical3A_731 : vector<8x2048xi32>
      %or3A_733 = arith.ori %shift_left3A_729, %shift_right_logical3A_732 : vector<8x2048xi32>
      %xor3A_734 = arith.xori %add3A_726, %or3A_733 : vector<8x2048xi32>
      %add3A_735 = arith.constant 64467757 : i32
      %add3A_736 = vector.broadcast %add3A_735 : i32 to vector<8x2048xi32>
      %add3A_737 = arith.addi %add3A_726, %add3A_736 : vector<8x2048xi32>
      %add3A_738 = arith.constant -1378843660 : i32
      %add3A_739 = vector.broadcast %add3A_738 : i32 to vector<8x2048xi32>
      %add3A_740 = arith.addi %xor3A_734, %add3A_739 : vector<8x2048xi32>
      %add3A_741 = arith.constant 3 : i32
      %add3A_742 = vector.broadcast %add3A_741 : i32 to vector<8x2048xi32>
      %add3A_743 = arith.addi %add3A_740, %add3A_742 : vector<8x2048xi32>
      %add3A_744 = arith.addi %add3A_737, %add3A_743 : vector<8x2048xi32>
      %shift_left3A_745 = arith.constant 17 : i32
      %shift_left3A_746 = vector.broadcast %shift_left3A_745 : i32 to vector<8x2048xi32>
      %shift_left3A_747 = arith.shli %add3A_743, %shift_left3A_746 : vector<8x2048xi32>
      %shift_right_logical3A_748 = arith.constant 15 : i32
      %shift_right_logical3A_749 = vector.broadcast %shift_right_logical3A_748 : i32 to vector<8x2048xi32>
      %shift_right_logical3A_750 = arith.shrui %add3A_743, %shift_right_logical3A_749 : vector<8x2048xi32>
      %or3A_751 = arith.ori %shift_left3A_747, %shift_right_logical3A_750 : vector<8x2048xi32>
      %xor3A_752 = arith.xori %add3A_744, %or3A_751 : vector<8x2048xi32>
      %add3A_753 = arith.addi %add3A_744, %xor3A_752 : vector<8x2048xi32>
      %shift_left3A_754 = arith.constant 29 : i32
      %shift_left3A_755 = vector.broadcast %shift_left3A_754 : i32 to vector<8x2048xi32>
      %shift_left3A_756 = arith.shli %xor3A_752, %shift_left3A_755 : vector<8x2048xi32>
      %shift_right_logical3A_757 = arith.constant 3 : i32
      %shift_right_logical3A_758 = vector.broadcast %shift_right_logical3A_757 : i32 to vector<8x2048xi32>
      %shift_right_logical3A_759 = arith.shrui %xor3A_752, %shift_right_logical3A_758 : vector<8x2048xi32>
      %or3A_760 = arith.ori %shift_left3A_756, %shift_right_logical3A_759 : vector<8x2048xi32>
      %xor3A_761 = arith.xori %add3A_753, %or3A_760 : vector<8x2048xi32>
      %add3A_762 = arith.addi %add3A_753, %xor3A_761 : vector<8x2048xi32>
      %shift_left3A_763 = arith.constant 16 : i32
      %shift_left3A_764 = vector.broadcast %shift_left3A_763 : i32 to vector<8x2048xi32>
      %shift_left3A_765 = arith.shli %xor3A_761, %shift_left3A_764 : vector<8x2048xi32>
      %shift_right_logical3A_766 = arith.constant 16 : i32
      %shift_right_logical3A_767 = vector.broadcast %shift_right_logical3A_766 : i32 to vector<8x2048xi32>
      %shift_right_logical3A_768 = arith.shrui %xor3A_761, %shift_right_logical3A_767 : vector<8x2048xi32>
      %or3A_769 = arith.ori %shift_left3A_765, %shift_right_logical3A_768 : vector<8x2048xi32>
      %xor3A_770 = arith.xori %add3A_762, %or3A_769 : vector<8x2048xi32>
      %add3A_771 = arith.addi %add3A_762, %xor3A_770 : vector<8x2048xi32>
      %shift_left3A_772 = arith.constant 24 : i32
      %shift_left3A_773 = vector.broadcast %shift_left3A_772 : i32 to vector<8x2048xi32>
      %shift_left3A_774 = arith.shli %xor3A_770, %shift_left3A_773 : vector<8x2048xi32>
      %shift_right_logical3A_775 = arith.constant 8 : i32
      %shift_right_logical3A_776 = vector.broadcast %shift_right_logical3A_775 : i32 to vector<8x2048xi32>
      %shift_right_logical3A_777 = arith.shrui %xor3A_770, %shift_right_logical3A_776 : vector<8x2048xi32>
      %or3A_778 = arith.ori %shift_left3A_774, %shift_right_logical3A_777 : vector<8x2048xi32>
      %xor3A_779 = arith.xori %add3A_771, %or3A_778 : vector<8x2048xi32>
      %add3A_780 = arith.constant -1378843660 : i32
      %add3A_781 = vector.broadcast %add3A_780 : i32 to vector<8x2048xi32>
      %add3A_782 = arith.addi %add3A_771, %add3A_781 : vector<8x2048xi32>
      %add3A_783 = arith.constant -1244255485 : i32
      %add3A_784 = vector.broadcast %add3A_783 : i32 to vector<8x2048xi32>
      %add3A_785 = arith.addi %xor3A_779, %add3A_784 : vector<8x2048xi32>
      %add3A_786 = arith.constant 4 : i32
      %add3A_787 = vector.broadcast %add3A_786 : i32 to vector<8x2048xi32>
      %add3A_788 = arith.addi %add3A_785, %add3A_787 : vector<8x2048xi32>
      %add3A_789 = arith.addi %add3A_782, %add3A_788 : vector<8x2048xi32>
      %shift_left3A_790 = arith.constant 13 : i32
      %shift_left3A_791 = vector.broadcast %shift_left3A_790 : i32 to vector<8x2048xi32>
      %shift_left3A_792 = arith.shli %add3A_788, %shift_left3A_791 : vector<8x2048xi32>
      %shift_right_logical3A_793 = arith.constant 19 : i32
      %shift_right_logical3A_794 = vector.broadcast %shift_right_logical3A_793 : i32 to vector<8x2048xi32>
      %shift_right_logical3A_795 = arith.shrui %add3A_788, %shift_right_logical3A_794 : vector<8x2048xi32>
      %or3A_796 = arith.ori %shift_left3A_792, %shift_right_logical3A_795 : vector<8x2048xi32>
      %xor3A_797 = arith.xori %add3A_789, %or3A_796 : vector<8x2048xi32>
      %add3A_798 = arith.addi %add3A_789, %xor3A_797 : vector<8x2048xi32>
      %shift_left3A_799 = arith.constant 15 : i32
      %shift_left3A_800 = vector.broadcast %shift_left3A_799 : i32 to vector<8x2048xi32>
      %shift_left3A_801 = arith.shli %xor3A_797, %shift_left3A_800 : vector<8x2048xi32>
      %shift_right_logical3A_802 = arith.constant 17 : i32
      %shift_right_logical3A_803 = vector.broadcast %shift_right_logical3A_802 : i32 to vector<8x2048xi32>
      %shift_right_logical3A_804 = arith.shrui %xor3A_797, %shift_right_logical3A_803 : vector<8x2048xi32>
      %or3A_805 = arith.ori %shift_left3A_801, %shift_right_logical3A_804 : vector<8x2048xi32>
      %xor3A_806 = arith.xori %add3A_798, %or3A_805 : vector<8x2048xi32>
      %add3A_807 = arith.addi %add3A_798, %xor3A_806 : vector<8x2048xi32>
      %shift_left3A_808 = arith.constant 26 : i32
      %shift_left3A_809 = vector.broadcast %shift_left3A_808 : i32 to vector<8x2048xi32>
      %shift_left3A_810 = arith.shli %xor3A_806, %shift_left3A_809 : vector<8x2048xi32>
      %shift_right_logical3A_811 = arith.constant 6 : i32
      %shift_right_logical3A_812 = vector.broadcast %shift_right_logical3A_811 : i32 to vector<8x2048xi32>
      %shift_right_logical3A_813 = arith.shrui %xor3A_806, %shift_right_logical3A_812 : vector<8x2048xi32>
      %or3A_814 = arith.ori %shift_left3A_810, %shift_right_logical3A_813 : vector<8x2048xi32>
      %xor3A_815 = arith.xori %add3A_807, %or3A_814 : vector<8x2048xi32>
      %add3A_816 = arith.addi %add3A_807, %xor3A_815 : vector<8x2048xi32>
      %shift_left3A_817 = arith.constant 6 : i32
      %shift_left3A_818 = vector.broadcast %shift_left3A_817 : i32 to vector<8x2048xi32>
      %shift_left3A_819 = arith.shli %xor3A_815, %shift_left3A_818 : vector<8x2048xi32>
      %shift_right_logical3A_820 = arith.constant 26 : i32
      %shift_right_logical3A_821 = vector.broadcast %shift_right_logical3A_820 : i32 to vector<8x2048xi32>
      %shift_right_logical3A_822 = arith.shrui %xor3A_815, %shift_right_logical3A_821 : vector<8x2048xi32>
      %or3A_823 = arith.ori %shift_left3A_819, %shift_right_logical3A_822 : vector<8x2048xi32>
      %xor3A_824 = arith.xori %add3A_816, %or3A_823 : vector<8x2048xi32>
      %add3A_825 = arith.constant -1244255485 : i32
      %add3A_826 = vector.broadcast %add3A_825 : i32 to vector<8x2048xi32>
      %add3A_827 = arith.addi %add3A_816, %add3A_826 : vector<8x2048xi32>
      %add3A_828 = arith.constant 64467757 : i32
      %add3A_829 = vector.broadcast %add3A_828 : i32 to vector<8x2048xi32>
      %add3A_830 = arith.addi %xor3A_824, %add3A_829 : vector<8x2048xi32>
      %add3A_831 = arith.constant 5 : i32
      %add3A_832 = vector.broadcast %add3A_831 : i32 to vector<8x2048xi32>
      %add3A_833 = arith.addi %add3A_830, %add3A_832 : vector<8x2048xi32>
      %xor3A_834 = arith.xori %add3A_827, %add3A_833 : vector<8x2048xi32>
      %shift_right_logical3A_835 = arith.constant 9 : i32
      %shift_right_logical3A_836 = vector.broadcast %shift_right_logical3A_835 : i32 to vector<8x2048xi32>
      %shift_right_logical3A_837 = arith.shrui %xor3A_834, %shift_right_logical3A_836 : vector<8x2048xi32>
      %or3A_838 = arith.constant 1065353216 : i32
      %or3A_839 = vector.broadcast %or3A_838 : i32 to vector<8x2048xi32>
      %or3A_840 = arith.ori %shift_right_logical3A_837, %or3A_839 : vector<8x2048xi32>
      %bitcast_convert_type3A_841 = tpu.bitcast %or3A_840 : vector<8x2048xi32> -> vector<8x2048xf32>
      %sub3A_842 = arith.constant 1.000000e+00 : f32
      %sub3A_843 = vector.broadcast %sub3A_842 : f32 to vector<8x2048xf32>
      %sub3A_844 = arith.subf %bitcast_convert_type3A_841, %sub3A_843 : vector<8x2048xf32>
      %max3A_845 = arith.constant 1.17549435E-38 : f32
      %max3A_846 = vector.broadcast %max3A_845 : f32 to vector<8x2048xf32>
      %max3A_847 = arith.maximumf %sub3A_844, %max3A_846 : vector<8x2048xf32>
      %log3A_848 = math.log %max3A_847 : vector<8x2048xf32>
      %get3A_849 = arith.index_cast %add3A_588 : i32 to index
      %get3A_850 = arith.constant 0 : index
      %get3A_851 = arith.constant 0 : index
      %get3A_852 = vector.load %arg3[%get3A_849, %get3A_850, %get3A_851] : memref<490x1x2048xf32, #tpu.memory_space<vmem>>, vector<1x1x2048xf32>
      %get3A_853 = vector.shape_cast %get3A_852 : vector<1x1x2048xf32> to vector<1x2048xf32>
      %mul3A_854 = vector.broadcast %get3A_853 : vector<1x2048xf32> to vector<8x2048xf32>
      %mul3A_855 = arith.mulf %log3A_848, %mul3A_854 : vector<8x2048xf32>
      %bitcast_convert_type3A_856 = tpu.bitcast %mul3A_855 : vector<8x2048xf32> -> vector<8x2048xi32>
      %and3A_857 = arith.constant -512 : i32
      %and3A_858 = vector.broadcast %and3A_857 : i32 to vector<8x2048xi32>
      %and3A_859 = arith.andi %bitcast_convert_type3A_856, %and3A_858 : vector<8x2048xi32>
      %or3A_860 = vector.broadcast %add3A_588 : i32 to vector<8x2048xi32>
      %or3A_861 = arith.ori %and3A_859, %or3A_860 : vector<8x2048xi32>
      %bitcast_convert_type3A_862 = tpu.bitcast %or3A_861 : vector<8x2048xi32> -> vector<8x2048xf32>
      %min3A_863 = arith.minimumf %min3A_584, %bitcast_convert_type3A_862 : vector<8x2048xf32>
      %mul3A_864 = arith.constant 10 : i32
      %mul3A_865 = arith.muli %scan3A_34, %mul3A_864 : i32
      %add3A_866 = arith.constant 3 : i32
      %add3A_867 = arith.addi %mul3A_865, %add3A_866 : i32
      %mul3A_868 = arith.constant 2048 : i32
      %mul3A_869 = arith.muli %add3A_867, %mul3A_868 : i32
      %add3A_870 = vector.broadcast %mul3A_869 : i32 to vector<8x1xi32>
      %add3A_871 = arith.addi %get3A_3, %add3A_870 : vector<8x1xi32>
      %add3A_872 = vector.broadcast %add3A_871 : vector<8x1xi32> to vector<8x2048xi32>
      %add3A_873 = vector.broadcast %iota3A : vector<1x2048xi32> to vector<8x2048xi32>
      %add3A_874 = arith.addi %add3A_872, %add3A_873 : vector<8x2048xi32>
      %lt3A_875 = vector.broadcast %get3A_3 : vector<8x1xi32> to vector<8x2048xi32>
      %lt3A_876 = arith.cmpi ult, %add3A_874, %lt3A_875 : vector<8x2048xi32>
      %broadcast_in_dim3A_877 = vector.shape_cast %add3A_10 : vector<8x1xi32> to vector<8x1xi32>
      %broadcast_in_dim3A_878 = vector.broadcast %broadcast_in_dim3A_877 : vector<8x1xi32> to vector<8x2048xi32>
      %broadcast_in_dim3A_879 = vector.shape_cast %get3A_8 : vector<8x1xi32> to vector<8x1xi32>
      %broadcast_in_dim3A_880 = vector.broadcast %broadcast_in_dim3A_879 : vector<8x1xi32> to vector<8x2048xi32>
      %select_n3A_881 = arith.select %lt3A_876, %broadcast_in_dim3A_878, %broadcast_in_dim3A_880 : vector<8x2048xi1>, vector<8x2048xi32>
      %add3A_882 = arith.constant 64467757 : i32
      %add3A_883 = vector.broadcast %add3A_882 : i32 to vector<8x2048xi32>
      %add3A_884 = arith.addi %select_n3A_881, %add3A_883 : vector<8x2048xi32>
      %add3A_885 = arith.constant -1378843660 : i32
      %add3A_886 = vector.broadcast %add3A_885 : i32 to vector<8x2048xi32>
      %add3A_887 = arith.addi %add3A_874, %add3A_886 : vector<8x2048xi32>
      %add3A_888 = arith.addi %add3A_884, %add3A_887 : vector<8x2048xi32>
      %shift_left3A_889 = arith.constant 13 : i32
      %shift_left3A_890 = vector.broadcast %shift_left3A_889 : i32 to vector<8x2048xi32>
      %shift_left3A_891 = arith.shli %add3A_887, %shift_left3A_890 : vector<8x2048xi32>
      %shift_right_logical3A_892 = arith.constant 19 : i32
      %shift_right_logical3A_893 = vector.broadcast %shift_right_logical3A_892 : i32 to vector<8x2048xi32>
      %shift_right_logical3A_894 = arith.shrui %add3A_887, %shift_right_logical3A_893 : vector<8x2048xi32>
      %or3A_895 = arith.ori %shift_left3A_891, %shift_right_logical3A_894 : vector<8x2048xi32>
      %xor3A_896 = arith.xori %add3A_888, %or3A_895 : vector<8x2048xi32>
      %add3A_897 = arith.addi %add3A_888, %xor3A_896 : vector<8x2048xi32>
      %shift_left3A_898 = arith.constant 15 : i32
      %shift_left3A_899 = vector.broadcast %shift_left3A_898 : i32 to vector<8x2048xi32>
      %shift_left3A_900 = arith.shli %xor3A_896, %shift_left3A_899 : vector<8x2048xi32>
      %shift_right_logical3A_901 = arith.constant 17 : i32
      %shift_right_logical3A_902 = vector.broadcast %shift_right_logical3A_901 : i32 to vector<8x2048xi32>
      %shift_right_logical3A_903 = arith.shrui %xor3A_896, %shift_right_logical3A_902 : vector<8x2048xi32>
      %or3A_904 = arith.ori %shift_left3A_900, %shift_right_logical3A_903 : vector<8x2048xi32>
      %xor3A_905 = arith.xori %add3A_897, %or3A_904 : vector<8x2048xi32>
      %add3A_906 = arith.addi %add3A_897, %xor3A_905 : vector<8x2048xi32>
      %shift_left3A_907 = arith.constant 26 : i32
      %shift_left3A_908 = vector.broadcast %shift_left3A_907 : i32 to vector<8x2048xi32>
      %shift_left3A_909 = arith.shli %xor3A_905, %shift_left3A_908 : vector<8x2048xi32>
      %shift_right_logical3A_910 = arith.constant 6 : i32
      %shift_right_logical3A_911 = vector.broadcast %shift_right_logical3A_910 : i32 to vector<8x2048xi32>
      %shift_right_logical3A_912 = arith.shrui %xor3A_905, %shift_right_logical3A_911 : vector<8x2048xi32>
      %or3A_913 = arith.ori %shift_left3A_909, %shift_right_logical3A_912 : vector<8x2048xi32>
      %xor3A_914 = arith.xori %add3A_906, %or3A_913 : vector<8x2048xi32>
      %add3A_915 = arith.addi %add3A_906, %xor3A_914 : vector<8x2048xi32>
      %shift_left3A_916 = arith.constant 6 : i32
      %shift_left3A_917 = vector.broadcast %shift_left3A_916 : i32 to vector<8x2048xi32>
      %shift_left3A_918 = arith.shli %xor3A_914, %shift_left3A_917 : vector<8x2048xi32>
      %shift_right_logical3A_919 = arith.constant 26 : i32
      %shift_right_logical3A_920 = vector.broadcast %shift_right_logical3A_919 : i32 to vector<8x2048xi32>
      %shift_right_logical3A_921 = arith.shrui %xor3A_914, %shift_right_logical3A_920 : vector<8x2048xi32>
      %or3A_922 = arith.ori %shift_left3A_918, %shift_right_logical3A_921 : vector<8x2048xi32>
      %xor3A_923 = arith.xori %add3A_915, %or3A_922 : vector<8x2048xi32>
      %add3A_924 = arith.constant -1378843660 : i32
      %add3A_925 = vector.broadcast %add3A_924 : i32 to vector<8x2048xi32>
      %add3A_926 = arith.addi %add3A_915, %add3A_925 : vector<8x2048xi32>
      %add3A_927 = arith.constant -1244255485 : i32
      %add3A_928 = vector.broadcast %add3A_927 : i32 to vector<8x2048xi32>
      %add3A_929 = arith.addi %xor3A_923, %add3A_928 : vector<8x2048xi32>
      %add3A_930 = arith.constant 1 : i32
      %add3A_931 = vector.broadcast %add3A_930 : i32 to vector<8x2048xi32>
      %add3A_932 = arith.addi %add3A_929, %add3A_931 : vector<8x2048xi32>
      %add3A_933 = arith.addi %add3A_926, %add3A_932 : vector<8x2048xi32>
      %shift_left3A_934 = arith.constant 17 : i32
      %shift_left3A_935 = vector.broadcast %shift_left3A_934 : i32 to vector<8x2048xi32>
      %shift_left3A_936 = arith.shli %add3A_932, %shift_left3A_935 : vector<8x2048xi32>
      %shift_right_logical3A_937 = arith.constant 15 : i32
      %shift_right_logical3A_938 = vector.broadcast %shift_right_logical3A_937 : i32 to vector<8x2048xi32>
      %shift_right_logical3A_939 = arith.shrui %add3A_932, %shift_right_logical3A_938 : vector<8x2048xi32>
      %or3A_940 = arith.ori %shift_left3A_936, %shift_right_logical3A_939 : vector<8x2048xi32>
      %xor3A_941 = arith.xori %add3A_933, %or3A_940 : vector<8x2048xi32>
      %add3A_942 = arith.addi %add3A_933, %xor3A_941 : vector<8x2048xi32>
      %shift_left3A_943 = arith.constant 29 : i32
      %shift_left3A_944 = vector.broadcast %shift_left3A_943 : i32 to vector<8x2048xi32>
      %shift_left3A_945 = arith.shli %xor3A_941, %shift_left3A_944 : vector<8x2048xi32>
      %shift_right_logical3A_946 = arith.constant 3 : i32
      %shift_right_logical3A_947 = vector.broadcast %shift_right_logical3A_946 : i32 to vector<8x2048xi32>
      %shift_right_logical3A_948 = arith.shrui %xor3A_941, %shift_right_logical3A_947 : vector<8x2048xi32>
      %or3A_949 = arith.ori %shift_left3A_945, %shift_right_logical3A_948 : vector<8x2048xi32>
      %xor3A_950 = arith.xori %add3A_942, %or3A_949 : vector<8x2048xi32>
      %add3A_951 = arith.addi %add3A_942, %xor3A_950 : vector<8x2048xi32>
      %shift_left3A_952 = arith.constant 16 : i32
      %shift_left3A_953 = vector.broadcast %shift_left3A_952 : i32 to vector<8x2048xi32>
      %shift_left3A_954 = arith.shli %xor3A_950, %shift_left3A_953 : vector<8x2048xi32>
      %shift_right_logical3A_955 = arith.constant 16 : i32
      %shift_right_logical3A_956 = vector.broadcast %shift_right_logical3A_955 : i32 to vector<8x2048xi32>
      %shift_right_logical3A_957 = arith.shrui %xor3A_950, %shift_right_logical3A_956 : vector<8x2048xi32>
      %or3A_958 = arith.ori %shift_left3A_954, %shift_right_logical3A_957 : vector<8x2048xi32>
      %xor3A_959 = arith.xori %add3A_951, %or3A_958 : vector<8x2048xi32>
      %add3A_960 = arith.addi %add3A_951, %xor3A_959 : vector<8x2048xi32>
      %shift_left3A_961 = arith.constant 24 : i32
      %shift_left3A_962 = vector.broadcast %shift_left3A_961 : i32 to vector<8x2048xi32>
      %shift_left3A_963 = arith.shli %xor3A_959, %shift_left3A_962 : vector<8x2048xi32>
      %shift_right_logical3A_964 = arith.constant 8 : i32
      %shift_right_logical3A_965 = vector.broadcast %shift_right_logical3A_964 : i32 to vector<8x2048xi32>
      %shift_right_logical3A_966 = arith.shrui %xor3A_959, %shift_right_logical3A_965 : vector<8x2048xi32>
      %or3A_967 = arith.ori %shift_left3A_963, %shift_right_logical3A_966 : vector<8x2048xi32>
      %xor3A_968 = arith.xori %add3A_960, %or3A_967 : vector<8x2048xi32>
      %add3A_969 = arith.constant -1244255485 : i32
      %add3A_970 = vector.broadcast %add3A_969 : i32 to vector<8x2048xi32>
      %add3A_971 = arith.addi %add3A_960, %add3A_970 : vector<8x2048xi32>
      %add3A_972 = arith.constant 64467757 : i32
      %add3A_973 = vector.broadcast %add3A_972 : i32 to vector<8x2048xi32>
      %add3A_974 = arith.addi %xor3A_968, %add3A_973 : vector<8x2048xi32>
      %add3A_975 = arith.constant 2 : i32
      %add3A_976 = vector.broadcast %add3A_975 : i32 to vector<8x2048xi32>
      %add3A_977 = arith.addi %add3A_974, %add3A_976 : vector<8x2048xi32>
      %add3A_978 = arith.addi %add3A_971, %add3A_977 : vector<8x2048xi32>
      %shift_left3A_979 = arith.constant 13 : i32
      %shift_left3A_980 = vector.broadcast %shift_left3A_979 : i32 to vector<8x2048xi32>
      %shift_left3A_981 = arith.shli %add3A_977, %shift_left3A_980 : vector<8x2048xi32>
      %shift_right_logical3A_982 = arith.constant 19 : i32
      %shift_right_logical3A_983 = vector.broadcast %shift_right_logical3A_982 : i32 to vector<8x2048xi32>
      %shift_right_logical3A_984 = arith.shrui %add3A_977, %shift_right_logical3A_983 : vector<8x2048xi32>
      %or3A_985 = arith.ori %shift_left3A_981, %shift_right_logical3A_984 : vector<8x2048xi32>
      %xor3A_986 = arith.xori %add3A_978, %or3A_985 : vector<8x2048xi32>
      %add3A_987 = arith.addi %add3A_978, %xor3A_986 : vector<8x2048xi32>
      %shift_left3A_988 = arith.constant 15 : i32
      %shift_left3A_989 = vector.broadcast %shift_left3A_988 : i32 to vector<8x2048xi32>
      %shift_left3A_990 = arith.shli %xor3A_986, %shift_left3A_989 : vector<8x2048xi32>
      %shift_right_logical3A_991 = arith.constant 17 : i32
      %shift_right_logical3A_992 = vector.broadcast %shift_right_logical3A_991 : i32 to vector<8x2048xi32>
      %shift_right_logical3A_993 = arith.shrui %xor3A_986, %shift_right_logical3A_992 : vector<8x2048xi32>
      %or3A_994 = arith.ori %shift_left3A_990, %shift_right_logical3A_993 : vector<8x2048xi32>
      %xor3A_995 = arith.xori %add3A_987, %or3A_994 : vector<8x2048xi32>
      %add3A_996 = arith.addi %add3A_987, %xor3A_995 : vector<8x2048xi32>
      %shift_left3A_997 = arith.constant 26 : i32
      %shift_left3A_998 = vector.broadcast %shift_left3A_997 : i32 to vector<8x2048xi32>
      %shift_left3A_999 = arith.shli %xor3A_995, %shift_left3A_998 : vector<8x2048xi32>
      %shift_right_logical3A_1000 = arith.constant 6 : i32
      %shift_right_logical3A_1001 = vector.broadcast %shift_right_logical3A_1000 : i32 to vector<8x2048xi32>
      %shift_right_logical3A_1002 = arith.shrui %xor3A_995, %shift_right_logical3A_1001 : vector<8x2048xi32>
      %or3A_1003 = arith.ori %shift_left3A_999, %shift_right_logical3A_1002 : vector<8x2048xi32>
      %xor3A_1004 = arith.xori %add3A_996, %or3A_1003 : vector<8x2048xi32>
      %add3A_1005 = arith.addi %add3A_996, %xor3A_1004 : vector<8x2048xi32>
      %shift_left3A_1006 = arith.constant 6 : i32
      %shift_left3A_1007 = vector.broadcast %shift_left3A_1006 : i32 to vector<8x2048xi32>
      %shift_left3A_1008 = arith.shli %xor3A_1004, %shift_left3A_1007 : vector<8x2048xi32>
      %shift_right_logical3A_1009 = arith.constant 26 : i32
      %shift_right_logical3A_1010 = vector.broadcast %shift_right_logical3A_1009 : i32 to vector<8x2048xi32>
      %shift_right_logical3A_1011 = arith.shrui %xor3A_1004, %shift_right_logical3A_1010 : vector<8x2048xi32>
      %or3A_1012 = arith.ori %shift_left3A_1008, %shift_right_logical3A_1011 : vector<8x2048xi32>
      %xor3A_1013 = arith.xori %add3A_1005, %or3A_1012 : vector<8x2048xi32>
      %add3A_1014 = arith.constant 64467757 : i32
      %add3A_1015 = vector.broadcast %add3A_1014 : i32 to vector<8x2048xi32>
      %add3A_1016 = arith.addi %add3A_1005, %add3A_1015 : vector<8x2048xi32>
      %add3A_1017 = arith.constant -1378843660 : i32
      %add3A_1018 = vector.broadcast %add3A_1017 : i32 to vector<8x2048xi32>
      %add3A_1019 = arith.addi %xor3A_1013, %add3A_1018 : vector<8x2048xi32>
      %add3A_1020 = arith.constant 3 : i32
      %add3A_1021 = vector.broadcast %add3A_1020 : i32 to vector<8x2048xi32>
      %add3A_1022 = arith.addi %add3A_1019, %add3A_1021 : vector<8x2048xi32>
      %add3A_1023 = arith.addi %add3A_1016, %add3A_1022 : vector<8x2048xi32>
      %shift_left3A_1024 = arith.constant 17 : i32
      %shift_left3A_1025 = vector.broadcast %shift_left3A_1024 : i32 to vector<8x2048xi32>
      %shift_left3A_1026 = arith.shli %add3A_1022, %shift_left3A_1025 : vector<8x2048xi32>
      %shift_right_logical3A_1027 = arith.constant 15 : i32
      %shift_right_logical3A_1028 = vector.broadcast %shift_right_logical3A_1027 : i32 to vector<8x2048xi32>
      %shift_right_logical3A_1029 = arith.shrui %add3A_1022, %shift_right_logical3A_1028 : vector<8x2048xi32>
      %or3A_1030 = arith.ori %shift_left3A_1026, %shift_right_logical3A_1029 : vector<8x2048xi32>
      %xor3A_1031 = arith.xori %add3A_1023, %or3A_1030 : vector<8x2048xi32>
      %add3A_1032 = arith.addi %add3A_1023, %xor3A_1031 : vector<8x2048xi32>
      %shift_left3A_1033 = arith.constant 29 : i32
      %shift_left3A_1034 = vector.broadcast %shift_left3A_1033 : i32 to vector<8x2048xi32>
      %shift_left3A_1035 = arith.shli %xor3A_1031, %shift_left3A_1034 : vector<8x2048xi32>
      %shift_right_logical3A_1036 = arith.constant 3 : i32
      %shift_right_logical3A_1037 = vector.broadcast %shift_right_logical3A_1036 : i32 to vector<8x2048xi32>
      %shift_right_logical3A_1038 = arith.shrui %xor3A_1031, %shift_right_logical3A_1037 : vector<8x2048xi32>
      %or3A_1039 = arith.ori %shift_left3A_1035, %shift_right_logical3A_1038 : vector<8x2048xi32>
      %xor3A_1040 = arith.xori %add3A_1032, %or3A_1039 : vector<8x2048xi32>
      %add3A_1041 = arith.addi %add3A_1032, %xor3A_1040 : vector<8x2048xi32>
      %shift_left3A_1042 = arith.constant 16 : i32
      %shift_left3A_1043 = vector.broadcast %shift_left3A_1042 : i32 to vector<8x2048xi32>
      %shift_left3A_1044 = arith.shli %xor3A_1040, %shift_left3A_1043 : vector<8x2048xi32>
      %shift_right_logical3A_1045 = arith.constant 16 : i32
      %shift_right_logical3A_1046 = vector.broadcast %shift_right_logical3A_1045 : i32 to vector<8x2048xi32>
      %shift_right_logical3A_1047 = arith.shrui %xor3A_1040, %shift_right_logical3A_1046 : vector<8x2048xi32>
      %or3A_1048 = arith.ori %shift_left3A_1044, %shift_right_logical3A_1047 : vector<8x2048xi32>
      %xor3A_1049 = arith.xori %add3A_1041, %or3A_1048 : vector<8x2048xi32>
      %add3A_1050 = arith.addi %add3A_1041, %xor3A_1049 : vector<8x2048xi32>
      %shift_left3A_1051 = arith.constant 24 : i32
      %shift_left3A_1052 = vector.broadcast %shift_left3A_1051 : i32 to vector<8x2048xi32>
      %shift_left3A_1053 = arith.shli %xor3A_1049, %shift_left3A_1052 : vector<8x2048xi32>
      %shift_right_logical3A_1054 = arith.constant 8 : i32
      %shift_right_logical3A_1055 = vector.broadcast %shift_right_logical3A_1054 : i32 to vector<8x2048xi32>
      %shift_right_logical3A_1056 = arith.shrui %xor3A_1049, %shift_right_logical3A_1055 : vector<8x2048xi32>
      %or3A_1057 = arith.ori %shift_left3A_1053, %shift_right_logical3A_1056 : vector<8x2048xi32>
      %xor3A_1058 = arith.xori %add3A_1050, %or3A_1057 : vector<8x2048xi32>
      %add3A_1059 = arith.constant -1378843660 : i32
      %add3A_1060 = vector.broadcast %add3A_1059 : i32 to vector<8x2048xi32>
      %add3A_1061 = arith.addi %add3A_1050, %add3A_1060 : vector<8x2048xi32>
      %add3A_1062 = arith.constant -1244255485 : i32
      %add3A_1063 = vector.broadcast %add3A_1062 : i32 to vector<8x2048xi32>
      %add3A_1064 = arith.addi %xor3A_1058, %add3A_1063 : vector<8x2048xi32>
      %add3A_1065 = arith.constant 4 : i32
      %add3A_1066 = vector.broadcast %add3A_1065 : i32 to vector<8x2048xi32>
      %add3A_1067 = arith.addi %add3A_1064, %add3A_1066 : vector<8x2048xi32>
      %add3A_1068 = arith.addi %add3A_1061, %add3A_1067 : vector<8x2048xi32>
      %shift_left3A_1069 = arith.constant 13 : i32
      %shift_left3A_1070 = vector.broadcast %shift_left3A_1069 : i32 to vector<8x2048xi32>
      %shift_left3A_1071 = arith.shli %add3A_1067, %shift_left3A_1070 : vector<8x2048xi32>
      %shift_right_logical3A_1072 = arith.constant 19 : i32
      %shift_right_logical3A_1073 = vector.broadcast %shift_right_logical3A_1072 : i32 to vector<8x2048xi32>
      %shift_right_logical3A_1074 = arith.shrui %add3A_1067, %shift_right_logical3A_1073 : vector<8x2048xi32>
      %or3A_1075 = arith.ori %shift_left3A_1071, %shift_right_logical3A_1074 : vector<8x2048xi32>
      %xor3A_1076 = arith.xori %add3A_1068, %or3A_1075 : vector<8x2048xi32>
      %add3A_1077 = arith.addi %add3A_1068, %xor3A_1076 : vector<8x2048xi32>
      %shift_left3A_1078 = arith.constant 15 : i32
      %shift_left3A_1079 = vector.broadcast %shift_left3A_1078 : i32 to vector<8x2048xi32>
      %shift_left3A_1080 = arith.shli %xor3A_1076, %shift_left3A_1079 : vector<8x2048xi32>
      %shift_right_logical3A_1081 = arith.constant 17 : i32
      %shift_right_logical3A_1082 = vector.broadcast %shift_right_logical3A_1081 : i32 to vector<8x2048xi32>
      %shift_right_logical3A_1083 = arith.shrui %xor3A_1076, %shift_right_logical3A_1082 : vector<8x2048xi32>
      %or3A_1084 = arith.ori %shift_left3A_1080, %shift_right_logical3A_1083 : vector<8x2048xi32>
      %xor3A_1085 = arith.xori %add3A_1077, %or3A_1084 : vector<8x2048xi32>
      %add3A_1086 = arith.addi %add3A_1077, %xor3A_1085 : vector<8x2048xi32>
      %shift_left3A_1087 = arith.constant 26 : i32
      %shift_left3A_1088 = vector.broadcast %shift_left3A_1087 : i32 to vector<8x2048xi32>
      %shift_left3A_1089 = arith.shli %xor3A_1085, %shift_left3A_1088 : vector<8x2048xi32>
      %shift_right_logical3A_1090 = arith.constant 6 : i32
      %shift_right_logical3A_1091 = vector.broadcast %shift_right_logical3A_1090 : i32 to vector<8x2048xi32>
      %shift_right_logical3A_1092 = arith.shrui %xor3A_1085, %shift_right_logical3A_1091 : vector<8x2048xi32>
      %or3A_1093 = arith.ori %shift_left3A_1089, %shift_right_logical3A_1092 : vector<8x2048xi32>
      %xor3A_1094 = arith.xori %add3A_1086, %or3A_1093 : vector<8x2048xi32>
      %add3A_1095 = arith.addi %add3A_1086, %xor3A_1094 : vector<8x2048xi32>
      %shift_left3A_1096 = arith.constant 6 : i32
      %shift_left3A_1097 = vector.broadcast %shift_left3A_1096 : i32 to vector<8x2048xi32>
      %shift_left3A_1098 = arith.shli %xor3A_1094, %shift_left3A_1097 : vector<8x2048xi32>
      %shift_right_logical3A_1099 = arith.constant 26 : i32
      %shift_right_logical3A_1100 = vector.broadcast %shift_right_logical3A_1099 : i32 to vector<8x2048xi32>
      %shift_right_logical3A_1101 = arith.shrui %xor3A_1094, %shift_right_logical3A_1100 : vector<8x2048xi32>
      %or3A_1102 = arith.ori %shift_left3A_1098, %shift_right_logical3A_1101 : vector<8x2048xi32>
      %xor3A_1103 = arith.xori %add3A_1095, %or3A_1102 : vector<8x2048xi32>
      %add3A_1104 = arith.constant -1244255485 : i32
      %add3A_1105 = vector.broadcast %add3A_1104 : i32 to vector<8x2048xi32>
      %add3A_1106 = arith.addi %add3A_1095, %add3A_1105 : vector<8x2048xi32>
      %add3A_1107 = arith.constant 64467757 : i32
      %add3A_1108 = vector.broadcast %add3A_1107 : i32 to vector<8x2048xi32>
      %add3A_1109 = arith.addi %xor3A_1103, %add3A_1108 : vector<8x2048xi32>
      %add3A_1110 = arith.constant 5 : i32
      %add3A_1111 = vector.broadcast %add3A_1110 : i32 to vector<8x2048xi32>
      %add3A_1112 = arith.addi %add3A_1109, %add3A_1111 : vector<8x2048xi32>
      %xor3A_1113 = arith.xori %add3A_1106, %add3A_1112 : vector<8x2048xi32>
      %shift_right_logical3A_1114 = arith.constant 9 : i32
      %shift_right_logical3A_1115 = vector.broadcast %shift_right_logical3A_1114 : i32 to vector<8x2048xi32>
      %shift_right_logical3A_1116 = arith.shrui %xor3A_1113, %shift_right_logical3A_1115 : vector<8x2048xi32>
      %or3A_1117 = arith.constant 1065353216 : i32
      %or3A_1118 = vector.broadcast %or3A_1117 : i32 to vector<8x2048xi32>
      %or3A_1119 = arith.ori %shift_right_logical3A_1116, %or3A_1118 : vector<8x2048xi32>
      %bitcast_convert_type3A_1120 = tpu.bitcast %or3A_1119 : vector<8x2048xi32> -> vector<8x2048xf32>
      %sub3A_1121 = arith.constant 1.000000e+00 : f32
      %sub3A_1122 = vector.broadcast %sub3A_1121 : f32 to vector<8x2048xf32>
      %sub3A_1123 = arith.subf %bitcast_convert_type3A_1120, %sub3A_1122 : vector<8x2048xf32>
      %max3A_1124 = arith.constant 1.17549435E-38 : f32
      %max3A_1125 = vector.broadcast %max3A_1124 : f32 to vector<8x2048xf32>
      %max3A_1126 = arith.maximumf %sub3A_1123, %max3A_1125 : vector<8x2048xf32>
      %log3A_1127 = math.log %max3A_1126 : vector<8x2048xf32>
      %get3A_1128 = arith.index_cast %add3A_867 : i32 to index
      %get3A_1129 = arith.constant 0 : index
      %get3A_1130 = arith.constant 0 : index
      %get3A_1131 = vector.load %arg3[%get3A_1128, %get3A_1129, %get3A_1130] : memref<490x1x2048xf32, #tpu.memory_space<vmem>>, vector<1x1x2048xf32>
      %get3A_1132 = vector.shape_cast %get3A_1131 : vector<1x1x2048xf32> to vector<1x2048xf32>
      %mul3A_1133 = vector.broadcast %get3A_1132 : vector<1x2048xf32> to vector<8x2048xf32>
      %mul3A_1134 = arith.mulf %log3A_1127, %mul3A_1133 : vector<8x2048xf32>
      %bitcast_convert_type3A_1135 = tpu.bitcast %mul3A_1134 : vector<8x2048xf32> -> vector<8x2048xi32>
      %and3A_1136 = arith.constant -512 : i32
      %and3A_1137 = vector.broadcast %and3A_1136 : i32 to vector<8x2048xi32>
      %and3A_1138 = arith.andi %bitcast_convert_type3A_1135, %and3A_1137 : vector<8x2048xi32>
      %or3A_1139 = vector.broadcast %add3A_867 : i32 to vector<8x2048xi32>
      %or3A_1140 = arith.ori %and3A_1138, %or3A_1139 : vector<8x2048xi32>
      %bitcast_convert_type3A_1141 = tpu.bitcast %or3A_1140 : vector<8x2048xi32> -> vector<8x2048xf32>
      %min3A_1142 = arith.minimumf %min3A_863, %bitcast_convert_type3A_1141 : vector<8x2048xf32>
      %mul3A_1143 = arith.constant 10 : i32
      %mul3A_1144 = arith.muli %scan3A_34, %mul3A_1143 : i32
      %add3A_1145 = arith.constant 4 : i32
      %add3A_1146 = arith.addi %mul3A_1144, %add3A_1145 : i32
      %mul3A_1147 = arith.constant 2048 : i32
      %mul3A_1148 = arith.muli %add3A_1146, %mul3A_1147 : i32
      %add3A_1149 = vector.broadcast %mul3A_1148 : i32 to vector<8x1xi32>
      %add3A_1150 = arith.addi %get3A_3, %add3A_1149 : vector<8x1xi32>
      %add3A_1151 = vector.broadcast %add3A_1150 : vector<8x1xi32> to vector<8x2048xi32>
      %add3A_1152 = vector.broadcast %iota3A : vector<1x2048xi32> to vector<8x2048xi32>
      %add3A_1153 = arith.addi %add3A_1151, %add3A_1152 : vector<8x2048xi32>
      %lt3A_1154 = vector.broadcast %get3A_3 : vector<8x1xi32> to vector<8x2048xi32>
      %lt3A_1155 = arith.cmpi ult, %add3A_1153, %lt3A_1154 : vector<8x2048xi32>
      %broadcast_in_dim3A_1156 = vector.shape_cast %add3A_10 : vector<8x1xi32> to vector<8x1xi32>
      %broadcast_in_dim3A_1157 = vector.broadcast %broadcast_in_dim3A_1156 : vector<8x1xi32> to vector<8x2048xi32>
      %broadcast_in_dim3A_1158 = vector.shape_cast %get3A_8 : vector<8x1xi32> to vector<8x1xi32>
      %broadcast_in_dim3A_1159 = vector.broadcast %broadcast_in_dim3A_1158 : vector<8x1xi32> to vector<8x2048xi32>
      %select_n3A_1160 = arith.select %lt3A_1155, %broadcast_in_dim3A_1157, %broadcast_in_dim3A_1159 : vector<8x2048xi1>, vector<8x2048xi32>
      %add3A_1161 = arith.constant 64467757 : i32
      %add3A_1162 = vector.broadcast %add3A_1161 : i32 to vector<8x2048xi32>
      %add3A_1163 = arith.addi %select_n3A_1160, %add3A_1162 : vector<8x2048xi32>
      %add3A_1164 = arith.constant -1378843660 : i32
      %add3A_1165 = vector.broadcast %add3A_1164 : i32 to vector<8x2048xi32>
      %add3A_1166 = arith.addi %add3A_1153, %add3A_1165 : vector<8x2048xi32>
      %add3A_1167 = arith.addi %add3A_1163, %add3A_1166 : vector<8x2048xi32>
      %shift_left3A_1168 = arith.constant 13 : i32
      %shift_left3A_1169 = vector.broadcast %shift_left3A_1168 : i32 to vector<8x2048xi32>
      %shift_left3A_1170 = arith.shli %add3A_1166, %shift_left3A_1169 : vector<8x2048xi32>
      %shift_right_logical3A_1171 = arith.constant 19 : i32
      %shift_right_logical3A_1172 = vector.broadcast %shift_right_logical3A_1171 : i32 to vector<8x2048xi32>
      %shift_right_logical3A_1173 = arith.shrui %add3A_1166, %shift_right_logical3A_1172 : vector<8x2048xi32>
      %or3A_1174 = arith.ori %shift_left3A_1170, %shift_right_logical3A_1173 : vector<8x2048xi32>
      %xor3A_1175 = arith.xori %add3A_1167, %or3A_1174 : vector<8x2048xi32>
      %add3A_1176 = arith.addi %add3A_1167, %xor3A_1175 : vector<8x2048xi32>
      %shift_left3A_1177 = arith.constant 15 : i32
      %shift_left3A_1178 = vector.broadcast %shift_left3A_1177 : i32 to vector<8x2048xi32>
      %shift_left3A_1179 = arith.shli %xor3A_1175, %shift_left3A_1178 : vector<8x2048xi32>
      %shift_right_logical3A_1180 = arith.constant 17 : i32
      %shift_right_logical3A_1181 = vector.broadcast %shift_right_logical3A_1180 : i32 to vector<8x2048xi32>
      %shift_right_logical3A_1182 = arith.shrui %xor3A_1175, %shift_right_logical3A_1181 : vector<8x2048xi32>
      %or3A_1183 = arith.ori %shift_left3A_1179, %shift_right_logical3A_1182 : vector<8x2048xi32>
      %xor3A_1184 = arith.xori %add3A_1176, %or3A_1183 : vector<8x2048xi32>
      %add3A_1185 = arith.addi %add3A_1176, %xor3A_1184 : vector<8x2048xi32>
      %shift_left3A_1186 = arith.constant 26 : i32
      %shift_left3A_1187 = vector.broadcast %shift_left3A_1186 : i32 to vector<8x2048xi32>
      %shift_left3A_1188 = arith.shli %xor3A_1184, %shift_left3A_1187 : vector<8x2048xi32>
      %shift_right_logical3A_1189 = arith.constant 6 : i32
      %shift_right_logical3A_1190 = vector.broadcast %shift_right_logical3A_1189 : i32 to vector<8x2048xi32>
      %shift_right_logical3A_1191 = arith.shrui %xor3A_1184, %shift_right_logical3A_1190 : vector<8x2048xi32>
      %or3A_1192 = arith.ori %shift_left3A_1188, %shift_right_logical3A_1191 : vector<8x2048xi32>
      %xor3A_1193 = arith.xori %add3A_1185, %or3A_1192 : vector<8x2048xi32>
      %add3A_1194 = arith.addi %add3A_1185, %xor3A_1193 : vector<8x2048xi32>
      %shift_left3A_1195 = arith.constant 6 : i32
      %shift_left3A_1196 = vector.broadcast %shift_left3A_1195 : i32 to vector<8x2048xi32>
      %shift_left3A_1197 = arith.shli %xor3A_1193, %shift_left3A_1196 : vector<8x2048xi32>
      %shift_right_logical3A_1198 = arith.constant 26 : i32
      %shift_right_logical3A_1199 = vector.broadcast %shift_right_logical3A_1198 : i32 to vector<8x2048xi32>
      %shift_right_logical3A_1200 = arith.shrui %xor3A_1193, %shift_right_logical3A_1199 : vector<8x2048xi32>
      %or3A_1201 = arith.ori %shift_left3A_1197, %shift_right_logical3A_1200 : vector<8x2048xi32>
      %xor3A_1202 = arith.xori %add3A_1194, %or3A_1201 : vector<8x2048xi32>
      %add3A_1203 = arith.constant -1378843660 : i32
      %add3A_1204 = vector.broadcast %add3A_1203 : i32 to vector<8x2048xi32>
      %add3A_1205 = arith.addi %add3A_1194, %add3A_1204 : vector<8x2048xi32>
      %add3A_1206 = arith.constant -1244255485 : i32
      %add3A_1207 = vector.broadcast %add3A_1206 : i32 to vector<8x2048xi32>
      %add3A_1208 = arith.addi %xor3A_1202, %add3A_1207 : vector<8x2048xi32>
      %add3A_1209 = arith.constant 1 : i32
      %add3A_1210 = vector.broadcast %add3A_1209 : i32 to vector<8x2048xi32>
      %add3A_1211 = arith.addi %add3A_1208, %add3A_1210 : vector<8x2048xi32>
      %add3A_1212 = arith.addi %add3A_1205, %add3A_1211 : vector<8x2048xi32>
      %shift_left3A_1213 = arith.constant 17 : i32
      %shift_left3A_1214 = vector.broadcast %shift_left3A_1213 : i32 to vector<8x2048xi32>
      %shift_left3A_1215 = arith.shli %add3A_1211, %shift_left3A_1214 : vector<8x2048xi32>
      %shift_right_logical3A_1216 = arith.constant 15 : i32
      %shift_right_logical3A_1217 = vector.broadcast %shift_right_logical3A_1216 : i32 to vector<8x2048xi32>
      %shift_right_logical3A_1218 = arith.shrui %add3A_1211, %shift_right_logical3A_1217 : vector<8x2048xi32>
      %or3A_1219 = arith.ori %shift_left3A_1215, %shift_right_logical3A_1218 : vector<8x2048xi32>
      %xor3A_1220 = arith.xori %add3A_1212, %or3A_1219 : vector<8x2048xi32>
      %add3A_1221 = arith.addi %add3A_1212, %xor3A_1220 : vector<8x2048xi32>
      %shift_left3A_1222 = arith.constant 29 : i32
      %shift_left3A_1223 = vector.broadcast %shift_left3A_1222 : i32 to vector<8x2048xi32>
      %shift_left3A_1224 = arith.shli %xor3A_1220, %shift_left3A_1223 : vector<8x2048xi32>
      %shift_right_logical3A_1225 = arith.constant 3 : i32
      %shift_right_logical3A_1226 = vector.broadcast %shift_right_logical3A_1225 : i32 to vector<8x2048xi32>
      %shift_right_logical3A_1227 = arith.shrui %xor3A_1220, %shift_right_logical3A_1226 : vector<8x2048xi32>
      %or3A_1228 = arith.ori %shift_left3A_1224, %shift_right_logical3A_1227 : vector<8x2048xi32>
      %xor3A_1229 = arith.xori %add3A_1221, %or3A_1228 : vector<8x2048xi32>
      %add3A_1230 = arith.addi %add3A_1221, %xor3A_1229 : vector<8x2048xi32>
      %shift_left3A_1231 = arith.constant 16 : i32
      %shift_left3A_1232 = vector.broadcast %shift_left3A_1231 : i32 to vector<8x2048xi32>
      %shift_left3A_1233 = arith.shli %xor3A_1229, %shift_left3A_1232 : vector<8x2048xi32>
      %shift_right_logical3A_1234 = arith.constant 16 : i32
      %shift_right_logical3A_1235 = vector.broadcast %shift_right_logical3A_1234 : i32 to vector<8x2048xi32>
      %shift_right_logical3A_1236 = arith.shrui %xor3A_1229, %shift_right_logical3A_1235 : vector<8x2048xi32>
      %or3A_1237 = arith.ori %shift_left3A_1233, %shift_right_logical3A_1236 : vector<8x2048xi32>
      %xor3A_1238 = arith.xori %add3A_1230, %or3A_1237 : vector<8x2048xi32>
      %add3A_1239 = arith.addi %add3A_1230, %xor3A_1238 : vector<8x2048xi32>
      %shift_left3A_1240 = arith.constant 24 : i32
      %shift_left3A_1241 = vector.broadcast %shift_left3A_1240 : i32 to vector<8x2048xi32>
      %shift_left3A_1242 = arith.shli %xor3A_1238, %shift_left3A_1241 : vector<8x2048xi32>
      %shift_right_logical3A_1243 = arith.constant 8 : i32
      %shift_right_logical3A_1244 = vector.broadcast %shift_right_logical3A_1243 : i32 to vector<8x2048xi32>
      %shift_right_logical3A_1245 = arith.shrui %xor3A_1238, %shift_right_logical3A_1244 : vector<8x2048xi32>
      %or3A_1246 = arith.ori %shift_left3A_1242, %shift_right_logical3A_1245 : vector<8x2048xi32>
      %xor3A_1247 = arith.xori %add3A_1239, %or3A_1246 : vector<8x2048xi32>
      %add3A_1248 = arith.constant -1244255485 : i32
      %add3A_1249 = vector.broadcast %add3A_1248 : i32 to vector<8x2048xi32>
      %add3A_1250 = arith.addi %add3A_1239, %add3A_1249 : vector<8x2048xi32>
      %add3A_1251 = arith.constant 64467757 : i32
      %add3A_1252 = vector.broadcast %add3A_1251 : i32 to vector<8x2048xi32>
      %add3A_1253 = arith.addi %xor3A_1247, %add3A_1252 : vector<8x2048xi32>
      %add3A_1254 = arith.constant 2 : i32
      %add3A_1255 = vector.broadcast %add3A_1254 : i32 to vector<8x2048xi32>
      %add3A_1256 = arith.addi %add3A_1253, %add3A_1255 : vector<8x2048xi32>
      %add3A_1257 = arith.addi %add3A_1250, %add3A_1256 : vector<8x2048xi32>
      %shift_left3A_1258 = arith.constant 13 : i32
      %shift_left3A_1259 = vector.broadcast %shift_left3A_1258 : i32 to vector<8x2048xi32>
      %shift_left3A_1260 = arith.shli %add3A_1256, %shift_left3A_1259 : vector<8x2048xi32>
      %shift_right_logical3A_1261 = arith.constant 19 : i32
      %shift_right_logical3A_1262 = vector.broadcast %shift_right_logical3A_1261 : i32 to vector<8x2048xi32>
      %shift_right_logical3A_1263 = arith.shrui %add3A_1256, %shift_right_logical3A_1262 : vector<8x2048xi32>
      %or3A_1264 = arith.ori %shift_left3A_1260, %shift_right_logical3A_1263 : vector<8x2048xi32>
      %xor3A_1265 = arith.xori %add3A_1257, %or3A_1264 : vector<8x2048xi32>
      %add3A_1266 = arith.addi %add3A_1257, %xor3A_1265 : vector<8x2048xi32>
      %shift_left3A_1267 = arith.constant 15 : i32
      %shift_left3A_1268 = vector.broadcast %shift_left3A_1267 : i32 to vector<8x2048xi32>
      %shift_left3A_1269 = arith.shli %xor3A_1265, %shift_left3A_1268 : vector<8x2048xi32>
      %shift_right_logical3A_1270 = arith.constant 17 : i32
      %shift_right_logical3A_1271 = vector.broadcast %shift_right_logical3A_1270 : i32 to vector<8x2048xi32>
      %shift_right_logical3A_1272 = arith.shrui %xor3A_1265, %shift_right_logical3A_1271 : vector<8x2048xi32>
      %or3A_1273 = arith.ori %shift_left3A_1269, %shift_right_logical3A_1272 : vector<8x2048xi32>
      %xor3A_1274 = arith.xori %add3A_1266, %or3A_1273 : vector<8x2048xi32>
      %add3A_1275 = arith.addi %add3A_1266, %xor3A_1274 : vector<8x2048xi32>
      %shift_left3A_1276 = arith.constant 26 : i32
      %shift_left3A_1277 = vector.broadcast %shift_left3A_1276 : i32 to vector<8x2048xi32>
      %shift_left3A_1278 = arith.shli %xor3A_1274, %shift_left3A_1277 : vector<8x2048xi32>
      %shift_right_logical3A_1279 = arith.constant 6 : i32
      %shift_right_logical3A_1280 = vector.broadcast %shift_right_logical3A_1279 : i32 to vector<8x2048xi32>
      %shift_right_logical3A_1281 = arith.shrui %xor3A_1274, %shift_right_logical3A_1280 : vector<8x2048xi32>
      %or3A_1282 = arith.ori %shift_left3A_1278, %shift_right_logical3A_1281 : vector<8x2048xi32>
      %xor3A_1283 = arith.xori %add3A_1275, %or3A_1282 : vector<8x2048xi32>
      %add3A_1284 = arith.addi %add3A_1275, %xor3A_1283 : vector<8x2048xi32>
      %shift_left3A_1285 = arith.constant 6 : i32
      %shift_left3A_1286 = vector.broadcast %shift_left3A_1285 : i32 to vector<8x2048xi32>
      %shift_left3A_1287 = arith.shli %xor3A_1283, %shift_left3A_1286 : vector<8x2048xi32>
      %shift_right_logical3A_1288 = arith.constant 26 : i32
      %shift_right_logical3A_1289 = vector.broadcast %shift_right_logical3A_1288 : i32 to vector<8x2048xi32>
      %shift_right_logical3A_1290 = arith.shrui %xor3A_1283, %shift_right_logical3A_1289 : vector<8x2048xi32>
      %or3A_1291 = arith.ori %shift_left3A_1287, %shift_right_logical3A_1290 : vector<8x2048xi32>
      %xor3A_1292 = arith.xori %add3A_1284, %or3A_1291 : vector<8x2048xi32>
      %add3A_1293 = arith.constant 64467757 : i32
      %add3A_1294 = vector.broadcast %add3A_1293 : i32 to vector<8x2048xi32>
      %add3A_1295 = arith.addi %add3A_1284, %add3A_1294 : vector<8x2048xi32>
      %add3A_1296 = arith.constant -1378843660 : i32
      %add3A_1297 = vector.broadcast %add3A_1296 : i32 to vector<8x2048xi32>
      %add3A_1298 = arith.addi %xor3A_1292, %add3A_1297 : vector<8x2048xi32>
      %add3A_1299 = arith.constant 3 : i32
      %add3A_1300 = vector.broadcast %add3A_1299 : i32 to vector<8x2048xi32>
      %add3A_1301 = arith.addi %add3A_1298, %add3A_1300 : vector<8x2048xi32>
      %add3A_1302 = arith.addi %add3A_1295, %add3A_1301 : vector<8x2048xi32>
      %shift_left3A_1303 = arith.constant 17 : i32
      %shift_left3A_1304 = vector.broadcast %shift_left3A_1303 : i32 to vector<8x2048xi32>
      %shift_left3A_1305 = arith.shli %add3A_1301, %shift_left3A_1304 : vector<8x2048xi32>
      %shift_right_logical3A_1306 = arith.constant 15 : i32
      %shift_right_logical3A_1307 = vector.broadcast %shift_right_logical3A_1306 : i32 to vector<8x2048xi32>
      %shift_right_logical3A_1308 = arith.shrui %add3A_1301, %shift_right_logical3A_1307 : vector<8x2048xi32>
      %or3A_1309 = arith.ori %shift_left3A_1305, %shift_right_logical3A_1308 : vector<8x2048xi32>
      %xor3A_1310 = arith.xori %add3A_1302, %or3A_1309 : vector<8x2048xi32>
      %add3A_1311 = arith.addi %add3A_1302, %xor3A_1310 : vector<8x2048xi32>
      %shift_left3A_1312 = arith.constant 29 : i32
      %shift_left3A_1313 = vector.broadcast %shift_left3A_1312 : i32 to vector<8x2048xi32>
      %shift_left3A_1314 = arith.shli %xor3A_1310, %shift_left3A_1313 : vector<8x2048xi32>
      %shift_right_logical3A_1315 = arith.constant 3 : i32
      %shift_right_logical3A_1316 = vector.broadcast %shift_right_logical3A_1315 : i32 to vector<8x2048xi32>
      %shift_right_logical3A_1317 = arith.shrui %xor3A_1310, %shift_right_logical3A_1316 : vector<8x2048xi32>
      %or3A_1318 = arith.ori %shift_left3A_1314, %shift_right_logical3A_1317 : vector<8x2048xi32>
      %xor3A_1319 = arith.xori %add3A_1311, %or3A_1318 : vector<8x2048xi32>
      %add3A_1320 = arith.addi %add3A_1311, %xor3A_1319 : vector<8x2048xi32>
      %shift_left3A_1321 = arith.constant 16 : i32
      %shift_left3A_1322 = vector.broadcast %shift_left3A_1321 : i32 to vector<8x2048xi32>
      %shift_left3A_1323 = arith.shli %xor3A_1319, %shift_left3A_1322 : vector<8x2048xi32>
      %shift_right_logical3A_1324 = arith.constant 16 : i32
      %shift_right_logical3A_1325 = vector.broadcast %shift_right_logical3A_1324 : i32 to vector<8x2048xi32>
      %shift_right_logical3A_1326 = arith.shrui %xor3A_1319, %shift_right_logical3A_1325 : vector<8x2048xi32>
      %or3A_1327 = arith.ori %shift_left3A_1323, %shift_right_logical3A_1326 : vector<8x2048xi32>
      %xor3A_1328 = arith.xori %add3A_1320, %or3A_1327 : vector<8x2048xi32>
      %add3A_1329 = arith.addi %add3A_1320, %xor3A_1328 : vector<8x2048xi32>
      %shift_left3A_1330 = arith.constant 24 : i32
      %shift_left3A_1331 = vector.broadcast %shift_left3A_1330 : i32 to vector<8x2048xi32>
      %shift_left3A_1332 = arith.shli %xor3A_1328, %shift_left3A_1331 : vector<8x2048xi32>
      %shift_right_logical3A_1333 = arith.constant 8 : i32
      %shift_right_logical3A_1334 = vector.broadcast %shift_right_logical3A_1333 : i32 to vector<8x2048xi32>
      %shift_right_logical3A_1335 = arith.shrui %xor3A_1328, %shift_right_logical3A_1334 : vector<8x2048xi32>
      %or3A_1336 = arith.ori %shift_left3A_1332, %shift_right_logical3A_1335 : vector<8x2048xi32>
      %xor3A_1337 = arith.xori %add3A_1329, %or3A_1336 : vector<8x2048xi32>
      %add3A_1338 = arith.constant -1378843660 : i32
      %add3A_1339 = vector.broadcast %add3A_1338 : i32 to vector<8x2048xi32>
      %add3A_1340 = arith.addi %add3A_1329, %add3A_1339 : vector<8x2048xi32>
      %add3A_1341 = arith.constant -1244255485 : i32
      %add3A_1342 = vector.broadcast %add3A_1341 : i32 to vector<8x2048xi32>
      %add3A_1343 = arith.addi %xor3A_1337, %add3A_1342 : vector<8x2048xi32>
      %add3A_1344 = arith.constant 4 : i32
      %add3A_1345 = vector.broadcast %add3A_1344 : i32 to vector<8x2048xi32>
      %add3A_1346 = arith.addi %add3A_1343, %add3A_1345 : vector<8x2048xi32>
      %add3A_1347 = arith.addi %add3A_1340, %add3A_1346 : vector<8x2048xi32>
      %shift_left3A_1348 = arith.constant 13 : i32
      %shift_left3A_1349 = vector.broadcast %shift_left3A_1348 : i32 to vector<8x2048xi32>
      %shift_left3A_1350 = arith.shli %add3A_1346, %shift_left3A_1349 : vector<8x2048xi32>
      %shift_right_logical3A_1351 = arith.constant 19 : i32
      %shift_right_logical3A_1352 = vector.broadcast %shift_right_logical3A_1351 : i32 to vector<8x2048xi32>
      %shift_right_logical3A_1353 = arith.shrui %add3A_1346, %shift_right_logical3A_1352 : vector<8x2048xi32>
      %or3A_1354 = arith.ori %shift_left3A_1350, %shift_right_logical3A_1353 : vector<8x2048xi32>
      %xor3A_1355 = arith.xori %add3A_1347, %or3A_1354 : vector<8x2048xi32>
      %add3A_1356 = arith.addi %add3A_1347, %xor3A_1355 : vector<8x2048xi32>
      %shift_left3A_1357 = arith.constant 15 : i32
      %shift_left3A_1358 = vector.broadcast %shift_left3A_1357 : i32 to vector<8x2048xi32>
      %shift_left3A_1359 = arith.shli %xor3A_1355, %shift_left3A_1358 : vector<8x2048xi32>
      %shift_right_logical3A_1360 = arith.constant 17 : i32
      %shift_right_logical3A_1361 = vector.broadcast %shift_right_logical3A_1360 : i32 to vector<8x2048xi32>
      %shift_right_logical3A_1362 = arith.shrui %xor3A_1355, %shift_right_logical3A_1361 : vector<8x2048xi32>
      %or3A_1363 = arith.ori %shift_left3A_1359, %shift_right_logical3A_1362 : vector<8x2048xi32>
      %xor3A_1364 = arith.xori %add3A_1356, %or3A_1363 : vector<8x2048xi32>
      %add3A_1365 = arith.addi %add3A_1356, %xor3A_1364 : vector<8x2048xi32>
      %shift_left3A_1366 = arith.constant 26 : i32
      %shift_left3A_1367 = vector.broadcast %shift_left3A_1366 : i32 to vector<8x2048xi32>
      %shift_left3A_1368 = arith.shli %xor3A_1364, %shift_left3A_1367 : vector<8x2048xi32>
      %shift_right_logical3A_1369 = arith.constant 6 : i32
      %shift_right_logical3A_1370 = vector.broadcast %shift_right_logical3A_1369 : i32 to vector<8x2048xi32>
      %shift_right_logical3A_1371 = arith.shrui %xor3A_1364, %shift_right_logical3A_1370 : vector<8x2048xi32>
      %or3A_1372 = arith.ori %shift_left3A_1368, %shift_right_logical3A_1371 : vector<8x2048xi32>
      %xor3A_1373 = arith.xori %add3A_1365, %or3A_1372 : vector<8x2048xi32>
      %add3A_1374 = arith.addi %add3A_1365, %xor3A_1373 : vector<8x2048xi32>
      %shift_left3A_1375 = arith.constant 6 : i32
      %shift_left3A_1376 = vector.broadcast %shift_left3A_1375 : i32 to vector<8x2048xi32>
      %shift_left3A_1377 = arith.shli %xor3A_1373, %shift_left3A_1376 : vector<8x2048xi32>
      %shift_right_logical3A_1378 = arith.constant 26 : i32
      %shift_right_logical3A_1379 = vector.broadcast %shift_right_logical3A_1378 : i32 to vector<8x2048xi32>
      %shift_right_logical3A_1380 = arith.shrui %xor3A_1373, %shift_right_logical3A_1379 : vector<8x2048xi32>
      %or3A_1381 = arith.ori %shift_left3A_1377, %shift_right_logical3A_1380 : vector<8x2048xi32>
      %xor3A_1382 = arith.xori %add3A_1374, %or3A_1381 : vector<8x2048xi32>
      %add3A_1383 = arith.constant -1244255485 : i32
      %add3A_1384 = vector.broadcast %add3A_1383 : i32 to vector<8x2048xi32>
      %add3A_1385 = arith.addi %add3A_1374, %add3A_1384 : vector<8x2048xi32>
      %add3A_1386 = arith.constant 64467757 : i32
      %add3A_1387 = vector.broadcast %add3A_1386 : i32 to vector<8x2048xi32>
      %add3A_1388 = arith.addi %xor3A_1382, %add3A_1387 : vector<8x2048xi32>
      %add3A_1389 = arith.constant 5 : i32
      %add3A_1390 = vector.broadcast %add3A_1389 : i32 to vector<8x2048xi32>
      %add3A_1391 = arith.addi %add3A_1388, %add3A_1390 : vector<8x2048xi32>
      %xor3A_1392 = arith.xori %add3A_1385, %add3A_1391 : vector<8x2048xi32>
      %shift_right_logical3A_1393 = arith.constant 9 : i32
      %shift_right_logical3A_1394 = vector.broadcast %shift_right_logical3A_1393 : i32 to vector<8x2048xi32>
      %shift_right_logical3A_1395 = arith.shrui %xor3A_1392, %shift_right_logical3A_1394 : vector<8x2048xi32>
      %or3A_1396 = arith.constant 1065353216 : i32
      %or3A_1397 = vector.broadcast %or3A_1396 : i32 to vector<8x2048xi32>
      %or3A_1398 = arith.ori %shift_right_logical3A_1395, %or3A_1397 : vector<8x2048xi32>
      %bitcast_convert_type3A_1399 = tpu.bitcast %or3A_1398 : vector<8x2048xi32> -> vector<8x2048xf32>
      %sub3A_1400 = arith.constant 1.000000e+00 : f32
      %sub3A_1401 = vector.broadcast %sub3A_1400 : f32 to vector<8x2048xf32>
      %sub3A_1402 = arith.subf %bitcast_convert_type3A_1399, %sub3A_1401 : vector<8x2048xf32>
      %max3A_1403 = arith.constant 1.17549435E-38 : f32
      %max3A_1404 = vector.broadcast %max3A_1403 : f32 to vector<8x2048xf32>
      %max3A_1405 = arith.maximumf %sub3A_1402, %max3A_1404 : vector<8x2048xf32>
      %log3A_1406 = math.log %max3A_1405 : vector<8x2048xf32>
      %get3A_1407 = arith.index_cast %add3A_1146 : i32 to index
      %get3A_1408 = arith.constant 0 : index
      %get3A_1409 = arith.constant 0 : index
      %get3A_1410 = vector.load %arg3[%get3A_1407, %get3A_1408, %get3A_1409] : memref<490x1x2048xf32, #tpu.memory_space<vmem>>, vector<1x1x2048xf32>
      %get3A_1411 = vector.shape_cast %get3A_1410 : vector<1x1x2048xf32> to vector<1x2048xf32>
      %mul3A_1412 = vector.broadcast %get3A_1411 : vector<1x2048xf32> to vector<8x2048xf32>
      %mul3A_1413 = arith.mulf %log3A_1406, %mul3A_1412 : vector<8x2048xf32>
      %bitcast_convert_type3A_1414 = tpu.bitcast %mul3A_1413 : vector<8x2048xf32> -> vector<8x2048xi32>
      %and3A_1415 = arith.constant -512 : i32
      %and3A_1416 = vector.broadcast %and3A_1415 : i32 to vector<8x2048xi32>
      %and3A_1417 = arith.andi %bitcast_convert_type3A_1414, %and3A_1416 : vector<8x2048xi32>
      %or3A_1418 = vector.broadcast %add3A_1146 : i32 to vector<8x2048xi32>
      %or3A_1419 = arith.ori %and3A_1417, %or3A_1418 : vector<8x2048xi32>
      %bitcast_convert_type3A_1420 = tpu.bitcast %or3A_1419 : vector<8x2048xi32> -> vector<8x2048xf32>
      %min3A_1421 = arith.minimumf %min3A_1142, %bitcast_convert_type3A_1420 : vector<8x2048xf32>
      %mul3A_1422 = arith.constant 10 : i32
      %mul3A_1423 = arith.muli %scan3A_34, %mul3A_1422 : i32
      %add3A_1424 = arith.constant 5 : i32
      %add3A_1425 = arith.addi %mul3A_1423, %add3A_1424 : i32
      %mul3A_1426 = arith.constant 2048 : i32
      %mul3A_1427 = arith.muli %add3A_1425, %mul3A_1426 : i32
      %add3A_1428 = vector.broadcast %mul3A_1427 : i32 to vector<8x1xi32>
      %add3A_1429 = arith.addi %get3A_3, %add3A_1428 : vector<8x1xi32>
      %add3A_1430 = vector.broadcast %add3A_1429 : vector<8x1xi32> to vector<8x2048xi32>
      %add3A_1431 = vector.broadcast %iota3A : vector<1x2048xi32> to vector<8x2048xi32>
      %add3A_1432 = arith.addi %add3A_1430, %add3A_1431 : vector<8x2048xi32>
      %lt3A_1433 = vector.broadcast %get3A_3 : vector<8x1xi32> to vector<8x2048xi32>
      %lt3A_1434 = arith.cmpi ult, %add3A_1432, %lt3A_1433 : vector<8x2048xi32>
      %broadcast_in_dim3A_1435 = vector.shape_cast %add3A_10 : vector<8x1xi32> to vector<8x1xi32>
      %broadcast_in_dim3A_1436 = vector.broadcast %broadcast_in_dim3A_1435 : vector<8x1xi32> to vector<8x2048xi32>
      %broadcast_in_dim3A_1437 = vector.shape_cast %get3A_8 : vector<8x1xi32> to vector<8x1xi32>
      %broadcast_in_dim3A_1438 = vector.broadcast %broadcast_in_dim3A_1437 : vector<8x1xi32> to vector<8x2048xi32>
      %select_n3A_1439 = arith.select %lt3A_1434, %broadcast_in_dim3A_1436, %broadcast_in_dim3A_1438 : vector<8x2048xi1>, vector<8x2048xi32>
      %add3A_1440 = arith.constant 64467757 : i32
      %add3A_1441 = vector.broadcast %add3A_1440 : i32 to vector<8x2048xi32>
      %add3A_1442 = arith.addi %select_n3A_1439, %add3A_1441 : vector<8x2048xi32>
      %add3A_1443 = arith.constant -1378843660 : i32
      %add3A_1444 = vector.broadcast %add3A_1443 : i32 to vector<8x2048xi32>
      %add3A_1445 = arith.addi %add3A_1432, %add3A_1444 : vector<8x2048xi32>
      %add3A_1446 = arith.addi %add3A_1442, %add3A_1445 : vector<8x2048xi32>
      %shift_left3A_1447 = arith.constant 13 : i32
      %shift_left3A_1448 = vector.broadcast %shift_left3A_1447 : i32 to vector<8x2048xi32>
      %shift_left3A_1449 = arith.shli %add3A_1445, %shift_left3A_1448 : vector<8x2048xi32>
      %shift_right_logical3A_1450 = arith.constant 19 : i32
      %shift_right_logical3A_1451 = vector.broadcast %shift_right_logical3A_1450 : i32 to vector<8x2048xi32>
      %shift_right_logical3A_1452 = arith.shrui %add3A_1445, %shift_right_logical3A_1451 : vector<8x2048xi32>
      %or3A_1453 = arith.ori %shift_left3A_1449, %shift_right_logical3A_1452 : vector<8x2048xi32>
      %xor3A_1454 = arith.xori %add3A_1446, %or3A_1453 : vector<8x2048xi32>
      %add3A_1455 = arith.addi %add3A_1446, %xor3A_1454 : vector<8x2048xi32>
      %shift_left3A_1456 = arith.constant 15 : i32
      %shift_left3A_1457 = vector.broadcast %shift_left3A_1456 : i32 to vector<8x2048xi32>
      %shift_left3A_1458 = arith.shli %xor3A_1454, %shift_left3A_1457 : vector<8x2048xi32>
      %shift_right_logical3A_1459 = arith.constant 17 : i32
      %shift_right_logical3A_1460 = vector.broadcast %shift_right_logical3A_1459 : i32 to vector<8x2048xi32>
      %shift_right_logical3A_1461 = arith.shrui %xor3A_1454, %shift_right_logical3A_1460 : vector<8x2048xi32>
      %or3A_1462 = arith.ori %shift_left3A_1458, %shift_right_logical3A_1461 : vector<8x2048xi32>
      %xor3A_1463 = arith.xori %add3A_1455, %or3A_1462 : vector<8x2048xi32>
      %add3A_1464 = arith.addi %add3A_1455, %xor3A_1463 : vector<8x2048xi32>
      %shift_left3A_1465 = arith.constant 26 : i32
      %shift_left3A_1466 = vector.broadcast %shift_left3A_1465 : i32 to vector<8x2048xi32>
      %shift_left3A_1467 = arith.shli %xor3A_1463, %shift_left3A_1466 : vector<8x2048xi32>
      %shift_right_logical3A_1468 = arith.constant 6 : i32
      %shift_right_logical3A_1469 = vector.broadcast %shift_right_logical3A_1468 : i32 to vector<8x2048xi32>
      %shift_right_logical3A_1470 = arith.shrui %xor3A_1463, %shift_right_logical3A_1469 : vector<8x2048xi32>
      %or3A_1471 = arith.ori %shift_left3A_1467, %shift_right_logical3A_1470 : vector<8x2048xi32>
      %xor3A_1472 = arith.xori %add3A_1464, %or3A_1471 : vector<8x2048xi32>
      %add3A_1473 = arith.addi %add3A_1464, %xor3A_1472 : vector<8x2048xi32>
      %shift_left3A_1474 = arith.constant 6 : i32
      %shift_left3A_1475 = vector.broadcast %shift_left3A_1474 : i32 to vector<8x2048xi32>
      %shift_left3A_1476 = arith.shli %xor3A_1472, %shift_left3A_1475 : vector<8x2048xi32>
      %shift_right_logical3A_1477 = arith.constant 26 : i32
      %shift_right_logical3A_1478 = vector.broadcast %shift_right_logical3A_1477 : i32 to vector<8x2048xi32>
      %shift_right_logical3A_1479 = arith.shrui %xor3A_1472, %shift_right_logical3A_1478 : vector<8x2048xi32>
      %or3A_1480 = arith.ori %shift_left3A_1476, %shift_right_logical3A_1479 : vector<8x2048xi32>
      %xor3A_1481 = arith.xori %add3A_1473, %or3A_1480 : vector<8x2048xi32>
      %add3A_1482 = arith.constant -1378843660 : i32
      %add3A_1483 = vector.broadcast %add3A_1482 : i32 to vector<8x2048xi32>
      %add3A_1484 = arith.addi %add3A_1473, %add3A_1483 : vector<8x2048xi32>
      %add3A_1485 = arith.constant -1244255485 : i32
      %add3A_1486 = vector.broadcast %add3A_1485 : i32 to vector<8x2048xi32>
      %add3A_1487 = arith.addi %xor3A_1481, %add3A_1486 : vector<8x2048xi32>
      %add3A_1488 = arith.constant 1 : i32
      %add3A_1489 = vector.broadcast %add3A_1488 : i32 to vector<8x2048xi32>
      %add3A_1490 = arith.addi %add3A_1487, %add3A_1489 : vector<8x2048xi32>
      %add3A_1491 = arith.addi %add3A_1484, %add3A_1490 : vector<8x2048xi32>
      %shift_left3A_1492 = arith.constant 17 : i32
      %shift_left3A_1493 = vector.broadcast %shift_left3A_1492 : i32 to vector<8x2048xi32>
      %shift_left3A_1494 = arith.shli %add3A_1490, %shift_left3A_1493 : vector<8x2048xi32>
      %shift_right_logical3A_1495 = arith.constant 15 : i32
      %shift_right_logical3A_1496 = vector.broadcast %shift_right_logical3A_1495 : i32 to vector<8x2048xi32>
      %shift_right_logical3A_1497 = arith.shrui %add3A_1490, %shift_right_logical3A_1496 : vector<8x2048xi32>
      %or3A_1498 = arith.ori %shift_left3A_1494, %shift_right_logical3A_1497 : vector<8x2048xi32>
      %xor3A_1499 = arith.xori %add3A_1491, %or3A_1498 : vector<8x2048xi32>
      %add3A_1500 = arith.addi %add3A_1491, %xor3A_1499 : vector<8x2048xi32>
      %shift_left3A_1501 = arith.constant 29 : i32
      %shift_left3A_1502 = vector.broadcast %shift_left3A_1501 : i32 to vector<8x2048xi32>
      %shift_left3A_1503 = arith.shli %xor3A_1499, %shift_left3A_1502 : vector<8x2048xi32>
      %shift_right_logical3A_1504 = arith.constant 3 : i32
      %shift_right_logical3A_1505 = vector.broadcast %shift_right_logical3A_1504 : i32 to vector<8x2048xi32>
      %shift_right_logical3A_1506 = arith.shrui %xor3A_1499, %shift_right_logical3A_1505 : vector<8x2048xi32>
      %or3A_1507 = arith.ori %shift_left3A_1503, %shift_right_logical3A_1506 : vector<8x2048xi32>
      %xor3A_1508 = arith.xori %add3A_1500, %or3A_1507 : vector<8x2048xi32>
      %add3A_1509 = arith.addi %add3A_1500, %xor3A_1508 : vector<8x2048xi32>
      %shift_left3A_1510 = arith.constant 16 : i32
      %shift_left3A_1511 = vector.broadcast %shift_left3A_1510 : i32 to vector<8x2048xi32>
      %shift_left3A_1512 = arith.shli %xor3A_1508, %shift_left3A_1511 : vector<8x2048xi32>
      %shift_right_logical3A_1513 = arith.constant 16 : i32
      %shift_right_logical3A_1514 = vector.broadcast %shift_right_logical3A_1513 : i32 to vector<8x2048xi32>
      %shift_right_logical3A_1515 = arith.shrui %xor3A_1508, %shift_right_logical3A_1514 : vector<8x2048xi32>
      %or3A_1516 = arith.ori %shift_left3A_1512, %shift_right_logical3A_1515 : vector<8x2048xi32>
      %xor3A_1517 = arith.xori %add3A_1509, %or3A_1516 : vector<8x2048xi32>
      %add3A_1518 = arith.addi %add3A_1509, %xor3A_1517 : vector<8x2048xi32>
      %shift_left3A_1519 = arith.constant 24 : i32
      %shift_left3A_1520 = vector.broadcast %shift_left3A_1519 : i32 to vector<8x2048xi32>
      %shift_left3A_1521 = arith.shli %xor3A_1517, %shift_left3A_1520 : vector<8x2048xi32>
      %shift_right_logical3A_1522 = arith.constant 8 : i32
      %shift_right_logical3A_1523 = vector.broadcast %shift_right_logical3A_1522 : i32 to vector<8x2048xi32>
      %shift_right_logical3A_1524 = arith.shrui %xor3A_1517, %shift_right_logical3A_1523 : vector<8x2048xi32>
      %or3A_1525 = arith.ori %shift_left3A_1521, %shift_right_logical3A_1524 : vector<8x2048xi32>
      %xor3A_1526 = arith.xori %add3A_1518, %or3A_1525 : vector<8x2048xi32>
      %add3A_1527 = arith.constant -1244255485 : i32
      %add3A_1528 = vector.broadcast %add3A_1527 : i32 to vector<8x2048xi32>
      %add3A_1529 = arith.addi %add3A_1518, %add3A_1528 : vector<8x2048xi32>
      %add3A_1530 = arith.constant 64467757 : i32
      %add3A_1531 = vector.broadcast %add3A_1530 : i32 to vector<8x2048xi32>
      %add3A_1532 = arith.addi %xor3A_1526, %add3A_1531 : vector<8x2048xi32>
      %add3A_1533 = arith.constant 2 : i32
      %add3A_1534 = vector.broadcast %add3A_1533 : i32 to vector<8x2048xi32>
      %add3A_1535 = arith.addi %add3A_1532, %add3A_1534 : vector<8x2048xi32>
      %add3A_1536 = arith.addi %add3A_1529, %add3A_1535 : vector<8x2048xi32>
      %shift_left3A_1537 = arith.constant 13 : i32
      %shift_left3A_1538 = vector.broadcast %shift_left3A_1537 : i32 to vector<8x2048xi32>
      %shift_left3A_1539 = arith.shli %add3A_1535, %shift_left3A_1538 : vector<8x2048xi32>
      %shift_right_logical3A_1540 = arith.constant 19 : i32
      %shift_right_logical3A_1541 = vector.broadcast %shift_right_logical3A_1540 : i32 to vector<8x2048xi32>
      %shift_right_logical3A_1542 = arith.shrui %add3A_1535, %shift_right_logical3A_1541 : vector<8x2048xi32>
      %or3A_1543 = arith.ori %shift_left3A_1539, %shift_right_logical3A_1542 : vector<8x2048xi32>
      %xor3A_1544 = arith.xori %add3A_1536, %or3A_1543 : vector<8x2048xi32>
      %add3A_1545 = arith.addi %add3A_1536, %xor3A_1544 : vector<8x2048xi32>
      %shift_left3A_1546 = arith.constant 15 : i32
      %shift_left3A_1547 = vector.broadcast %shift_left3A_1546 : i32 to vector<8x2048xi32>
      %shift_left3A_1548 = arith.shli %xor3A_1544, %shift_left3A_1547 : vector<8x2048xi32>
      %shift_right_logical3A_1549 = arith.constant 17 : i32
      %shift_right_logical3A_1550 = vector.broadcast %shift_right_logical3A_1549 : i32 to vector<8x2048xi32>
      %shift_right_logical3A_1551 = arith.shrui %xor3A_1544, %shift_right_logical3A_1550 : vector<8x2048xi32>
      %or3A_1552 = arith.ori %shift_left3A_1548, %shift_right_logical3A_1551 : vector<8x2048xi32>
      %xor3A_1553 = arith.xori %add3A_1545, %or3A_1552 : vector<8x2048xi32>
      %add3A_1554 = arith.addi %add3A_1545, %xor3A_1553 : vector<8x2048xi32>
      %shift_left3A_1555 = arith.constant 26 : i32
      %shift_left3A_1556 = vector.broadcast %shift_left3A_1555 : i32 to vector<8x2048xi32>
      %shift_left3A_1557 = arith.shli %xor3A_1553, %shift_left3A_1556 : vector<8x2048xi32>
      %shift_right_logical3A_1558 = arith.constant 6 : i32
      %shift_right_logical3A_1559 = vector.broadcast %shift_right_logical3A_1558 : i32 to vector<8x2048xi32>
      %shift_right_logical3A_1560 = arith.shrui %xor3A_1553, %shift_right_logical3A_1559 : vector<8x2048xi32>
      %or3A_1561 = arith.ori %shift_left3A_1557, %shift_right_logical3A_1560 : vector<8x2048xi32>
      %xor3A_1562 = arith.xori %add3A_1554, %or3A_1561 : vector<8x2048xi32>
      %add3A_1563 = arith.addi %add3A_1554, %xor3A_1562 : vector<8x2048xi32>
      %shift_left3A_1564 = arith.constant 6 : i32
      %shift_left3A_1565 = vector.broadcast %shift_left3A_1564 : i32 to vector<8x2048xi32>
      %shift_left3A_1566 = arith.shli %xor3A_1562, %shift_left3A_1565 : vector<8x2048xi32>
      %shift_right_logical3A_1567 = arith.constant 26 : i32
      %shift_right_logical3A_1568 = vector.broadcast %shift_right_logical3A_1567 : i32 to vector<8x2048xi32>
      %shift_right_logical3A_1569 = arith.shrui %xor3A_1562, %shift_right_logical3A_1568 : vector<8x2048xi32>
      %or3A_1570 = arith.ori %shift_left3A_1566, %shift_right_logical3A_1569 : vector<8x2048xi32>
      %xor3A_1571 = arith.xori %add3A_1563, %or3A_1570 : vector<8x2048xi32>
      %add3A_1572 = arith.constant 64467757 : i32
      %add3A_1573 = vector.broadcast %add3A_1572 : i32 to vector<8x2048xi32>
      %add3A_1574 = arith.addi %add3A_1563, %add3A_1573 : vector<8x2048xi32>
      %add3A_1575 = arith.constant -1378843660 : i32
      %add3A_1576 = vector.broadcast %add3A_1575 : i32 to vector<8x2048xi32>
      %add3A_1577 = arith.addi %xor3A_1571, %add3A_1576 : vector<8x2048xi32>
      %add3A_1578 = arith.constant 3 : i32
      %add3A_1579 = vector.broadcast %add3A_1578 : i32 to vector<8x2048xi32>
      %add3A_1580 = arith.addi %add3A_1577, %add3A_1579 : vector<8x2048xi32>
      %add3A_1581 = arith.addi %add3A_1574, %add3A_1580 : vector<8x2048xi32>
      %shift_left3A_1582 = arith.constant 17 : i32
      %shift_left3A_1583 = vector.broadcast %shift_left3A_1582 : i32 to vector<8x2048xi32>
      %shift_left3A_1584 = arith.shli %add3A_1580, %shift_left3A_1583 : vector<8x2048xi32>
      %shift_right_logical3A_1585 = arith.constant 15 : i32
      %shift_right_logical3A_1586 = vector.broadcast %shift_right_logical3A_1585 : i32 to vector<8x2048xi32>
      %shift_right_logical3A_1587 = arith.shrui %add3A_1580, %shift_right_logical3A_1586 : vector<8x2048xi32>
      %or3A_1588 = arith.ori %shift_left3A_1584, %shift_right_logical3A_1587 : vector<8x2048xi32>
      %xor3A_1589 = arith.xori %add3A_1581, %or3A_1588 : vector<8x2048xi32>
      %add3A_1590 = arith.addi %add3A_1581, %xor3A_1589 : vector<8x2048xi32>
      %shift_left3A_1591 = arith.constant 29 : i32
      %shift_left3A_1592 = vector.broadcast %shift_left3A_1591 : i32 to vector<8x2048xi32>
      %shift_left3A_1593 = arith.shli %xor3A_1589, %shift_left3A_1592 : vector<8x2048xi32>
      %shift_right_logical3A_1594 = arith.constant 3 : i32
      %shift_right_logical3A_1595 = vector.broadcast %shift_right_logical3A_1594 : i32 to vector<8x2048xi32>
      %shift_right_logical3A_1596 = arith.shrui %xor3A_1589, %shift_right_logical3A_1595 : vector<8x2048xi32>
      %or3A_1597 = arith.ori %shift_left3A_1593, %shift_right_logical3A_1596 : vector<8x2048xi32>
      %xor3A_1598 = arith.xori %add3A_1590, %or3A_1597 : vector<8x2048xi32>
      %add3A_1599 = arith.addi %add3A_1590, %xor3A_1598 : vector<8x2048xi32>
      %shift_left3A_1600 = arith.constant 16 : i32
      %shift_left3A_1601 = vector.broadcast %shift_left3A_1600 : i32 to vector<8x2048xi32>
      %shift_left3A_1602 = arith.shli %xor3A_1598, %shift_left3A_1601 : vector<8x2048xi32>
      %shift_right_logical3A_1603 = arith.constant 16 : i32
      %shift_right_logical3A_1604 = vector.broadcast %shift_right_logical3A_1603 : i32 to vector<8x2048xi32>
      %shift_right_logical3A_1605 = arith.shrui %xor3A_1598, %shift_right_logical3A_1604 : vector<8x2048xi32>
      %or3A_1606 = arith.ori %shift_left3A_1602, %shift_right_logical3A_1605 : vector<8x2048xi32>
      %xor3A_1607 = arith.xori %add3A_1599, %or3A_1606 : vector<8x2048xi32>
      %add3A_1608 = arith.addi %add3A_1599, %xor3A_1607 : vector<8x2048xi32>
      %shift_left3A_1609 = arith.constant 24 : i32
      %shift_left3A_1610 = vector.broadcast %shift_left3A_1609 : i32 to vector<8x2048xi32>
      %shift_left3A_1611 = arith.shli %xor3A_1607, %shift_left3A_1610 : vector<8x2048xi32>
      %shift_right_logical3A_1612 = arith.constant 8 : i32
      %shift_right_logical3A_1613 = vector.broadcast %shift_right_logical3A_1612 : i32 to vector<8x2048xi32>
      %shift_right_logical3A_1614 = arith.shrui %xor3A_1607, %shift_right_logical3A_1613 : vector<8x2048xi32>
      %or3A_1615 = arith.ori %shift_left3A_1611, %shift_right_logical3A_1614 : vector<8x2048xi32>
      %xor3A_1616 = arith.xori %add3A_1608, %or3A_1615 : vector<8x2048xi32>
      %add3A_1617 = arith.constant -1378843660 : i32
      %add3A_1618 = vector.broadcast %add3A_1617 : i32 to vector<8x2048xi32>
      %add3A_1619 = arith.addi %add3A_1608, %add3A_1618 : vector<8x2048xi32>
      %add3A_1620 = arith.constant -1244255485 : i32
      %add3A_1621 = vector.broadcast %add3A_1620 : i32 to vector<8x2048xi32>
      %add3A_1622 = arith.addi %xor3A_1616, %add3A_1621 : vector<8x2048xi32>
      %add3A_1623 = arith.constant 4 : i32
      %add3A_1624 = vector.broadcast %add3A_1623 : i32 to vector<8x2048xi32>
      %add3A_1625 = arith.addi %add3A_1622, %add3A_1624 : vector<8x2048xi32>
      %add3A_1626 = arith.addi %add3A_1619, %add3A_1625 : vector<8x2048xi32>
      %shift_left3A_1627 = arith.constant 13 : i32
      %shift_left3A_1628 = vector.broadcast %shift_left3A_1627 : i32 to vector<8x2048xi32>
      %shift_left3A_1629 = arith.shli %add3A_1625, %shift_left3A_1628 : vector<8x2048xi32>
      %shift_right_logical3A_1630 = arith.constant 19 : i32
      %shift_right_logical3A_1631 = vector.broadcast %shift_right_logical3A_1630 : i32 to vector<8x2048xi32>
      %shift_right_logical3A_1632 = arith.shrui %add3A_1625, %shift_right_logical3A_1631 : vector<8x2048xi32>
      %or3A_1633 = arith.ori %shift_left3A_1629, %shift_right_logical3A_1632 : vector<8x2048xi32>
      %xor3A_1634 = arith.xori %add3A_1626, %or3A_1633 : vector<8x2048xi32>
      %add3A_1635 = arith.addi %add3A_1626, %xor3A_1634 : vector<8x2048xi32>
      %shift_left3A_1636 = arith.constant 15 : i32
      %shift_left3A_1637 = vector.broadcast %shift_left3A_1636 : i32 to vector<8x2048xi32>
      %shift_left3A_1638 = arith.shli %xor3A_1634, %shift_left3A_1637 : vector<8x2048xi32>
      %shift_right_logical3A_1639 = arith.constant 17 : i32
      %shift_right_logical3A_1640 = vector.broadcast %shift_right_logical3A_1639 : i32 to vector<8x2048xi32>
      %shift_right_logical3A_1641 = arith.shrui %xor3A_1634, %shift_right_logical3A_1640 : vector<8x2048xi32>
      %or3A_1642 = arith.ori %shift_left3A_1638, %shift_right_logical3A_1641 : vector<8x2048xi32>
      %xor3A_1643 = arith.xori %add3A_1635, %or3A_1642 : vector<8x2048xi32>
      %add3A_1644 = arith.addi %add3A_1635, %xor3A_1643 : vector<8x2048xi32>
      %shift_left3A_1645 = arith.constant 26 : i32
      %shift_left3A_1646 = vector.broadcast %shift_left3A_1645 : i32 to vector<8x2048xi32>
      %shift_left3A_1647 = arith.shli %xor3A_1643, %shift_left3A_1646 : vector<8x2048xi32>
      %shift_right_logical3A_1648 = arith.constant 6 : i32
      %shift_right_logical3A_1649 = vector.broadcast %shift_right_logical3A_1648 : i32 to vector<8x2048xi32>
      %shift_right_logical3A_1650 = arith.shrui %xor3A_1643, %shift_right_logical3A_1649 : vector<8x2048xi32>
      %or3A_1651 = arith.ori %shift_left3A_1647, %shift_right_logical3A_1650 : vector<8x2048xi32>
      %xor3A_1652 = arith.xori %add3A_1644, %or3A_1651 : vector<8x2048xi32>
      %add3A_1653 = arith.addi %add3A_1644, %xor3A_1652 : vector<8x2048xi32>
      %shift_left3A_1654 = arith.constant 6 : i32
      %shift_left3A_1655 = vector.broadcast %shift_left3A_1654 : i32 to vector<8x2048xi32>
      %shift_left3A_1656 = arith.shli %xor3A_1652, %shift_left3A_1655 : vector<8x2048xi32>
      %shift_right_logical3A_1657 = arith.constant 26 : i32
      %shift_right_logical3A_1658 = vector.broadcast %shift_right_logical3A_1657 : i32 to vector<8x2048xi32>
      %shift_right_logical3A_1659 = arith.shrui %xor3A_1652, %shift_right_logical3A_1658 : vector<8x2048xi32>
      %or3A_1660 = arith.ori %shift_left3A_1656, %shift_right_logical3A_1659 : vector<8x2048xi32>
      %xor3A_1661 = arith.xori %add3A_1653, %or3A_1660 : vector<8x2048xi32>
      %add3A_1662 = arith.constant -1244255485 : i32
      %add3A_1663 = vector.broadcast %add3A_1662 : i32 to vector<8x2048xi32>
      %add3A_1664 = arith.addi %add3A_1653, %add3A_1663 : vector<8x2048xi32>
      %add3A_1665 = arith.constant 64467757 : i32
      %add3A_1666 = vector.broadcast %add3A_1665 : i32 to vector<8x2048xi32>
      %add3A_1667 = arith.addi %xor3A_1661, %add3A_1666 : vector<8x2048xi32>
      %add3A_1668 = arith.constant 5 : i32
      %add3A_1669 = vector.broadcast %add3A_1668 : i32 to vector<8x2048xi32>
      %add3A_1670 = arith.addi %add3A_1667, %add3A_1669 : vector<8x2048xi32>
      %xor3A_1671 = arith.xori %add3A_1664, %add3A_1670 : vector<8x2048xi32>
      %shift_right_logical3A_1672 = arith.constant 9 : i32
      %shift_right_logical3A_1673 = vector.broadcast %shift_right_logical3A_1672 : i32 to vector<8x2048xi32>
      %shift_right_logical3A_1674 = arith.shrui %xor3A_1671, %shift_right_logical3A_1673 : vector<8x2048xi32>
      %or3A_1675 = arith.constant 1065353216 : i32
      %or3A_1676 = vector.broadcast %or3A_1675 : i32 to vector<8x2048xi32>
      %or3A_1677 = arith.ori %shift_right_logical3A_1674, %or3A_1676 : vector<8x2048xi32>
      %bitcast_convert_type3A_1678 = tpu.bitcast %or3A_1677 : vector<8x2048xi32> -> vector<8x2048xf32>
      %sub3A_1679 = arith.constant 1.000000e+00 : f32
      %sub3A_1680 = vector.broadcast %sub3A_1679 : f32 to vector<8x2048xf32>
      %sub3A_1681 = arith.subf %bitcast_convert_type3A_1678, %sub3A_1680 : vector<8x2048xf32>
      %max3A_1682 = arith.constant 1.17549435E-38 : f32
      %max3A_1683 = vector.broadcast %max3A_1682 : f32 to vector<8x2048xf32>
      %max3A_1684 = arith.maximumf %sub3A_1681, %max3A_1683 : vector<8x2048xf32>
      %log3A_1685 = math.log %max3A_1684 : vector<8x2048xf32>
      %get3A_1686 = arith.index_cast %add3A_1425 : i32 to index
      %get3A_1687 = arith.constant 0 : index
      %get3A_1688 = arith.constant 0 : index
      %get3A_1689 = vector.load %arg3[%get3A_1686, %get3A_1687, %get3A_1688] : memref<490x1x2048xf32, #tpu.memory_space<vmem>>, vector<1x1x2048xf32>
      %get3A_1690 = vector.shape_cast %get3A_1689 : vector<1x1x2048xf32> to vector<1x2048xf32>
      %mul3A_1691 = vector.broadcast %get3A_1690 : vector<1x2048xf32> to vector<8x2048xf32>
      %mul3A_1692 = arith.mulf %log3A_1685, %mul3A_1691 : vector<8x2048xf32>
      %bitcast_convert_type3A_1693 = tpu.bitcast %mul3A_1692 : vector<8x2048xf32> -> vector<8x2048xi32>
      %and3A_1694 = arith.constant -512 : i32
      %and3A_1695 = vector.broadcast %and3A_1694 : i32 to vector<8x2048xi32>
      %and3A_1696 = arith.andi %bitcast_convert_type3A_1693, %and3A_1695 : vector<8x2048xi32>
      %or3A_1697 = vector.broadcast %add3A_1425 : i32 to vector<8x2048xi32>
      %or3A_1698 = arith.ori %and3A_1696, %or3A_1697 : vector<8x2048xi32>
      %bitcast_convert_type3A_1699 = tpu.bitcast %or3A_1698 : vector<8x2048xi32> -> vector<8x2048xf32>
      %min3A_1700 = arith.minimumf %min3A_1421, %bitcast_convert_type3A_1699 : vector<8x2048xf32>
      %mul3A_1701 = arith.constant 10 : i32
      %mul3A_1702 = arith.muli %scan3A_34, %mul3A_1701 : i32
      %add3A_1703 = arith.constant 6 : i32
      %add3A_1704 = arith.addi %mul3A_1702, %add3A_1703 : i32
      %mul3A_1705 = arith.constant 2048 : i32
      %mul3A_1706 = arith.muli %add3A_1704, %mul3A_1705 : i32
      %add3A_1707 = vector.broadcast %mul3A_1706 : i32 to vector<8x1xi32>
      %add3A_1708 = arith.addi %get3A_3, %add3A_1707 : vector<8x1xi32>
      %add3A_1709 = vector.broadcast %add3A_1708 : vector<8x1xi32> to vector<8x2048xi32>
      %add3A_1710 = vector.broadcast %iota3A : vector<1x2048xi32> to vector<8x2048xi32>
      %add3A_1711 = arith.addi %add3A_1709, %add3A_1710 : vector<8x2048xi32>
      %lt3A_1712 = vector.broadcast %get3A_3 : vector<8x1xi32> to vector<8x2048xi32>
      %lt3A_1713 = arith.cmpi ult, %add3A_1711, %lt3A_1712 : vector<8x2048xi32>
      %broadcast_in_dim3A_1714 = vector.shape_cast %add3A_10 : vector<8x1xi32> to vector<8x1xi32>
      %broadcast_in_dim3A_1715 = vector.broadcast %broadcast_in_dim3A_1714 : vector<8x1xi32> to vector<8x2048xi32>
      %broadcast_in_dim3A_1716 = vector.shape_cast %get3A_8 : vector<8x1xi32> to vector<8x1xi32>
      %broadcast_in_dim3A_1717 = vector.broadcast %broadcast_in_dim3A_1716 : vector<8x1xi32> to vector<8x2048xi32>
      %select_n3A_1718 = arith.select %lt3A_1713, %broadcast_in_dim3A_1715, %broadcast_in_dim3A_1717 : vector<8x2048xi1>, vector<8x2048xi32>
      %add3A_1719 = arith.constant 64467757 : i32
      %add3A_1720 = vector.broadcast %add3A_1719 : i32 to vector<8x2048xi32>
      %add3A_1721 = arith.addi %select_n3A_1718, %add3A_1720 : vector<8x2048xi32>
      %add3A_1722 = arith.constant -1378843660 : i32
      %add3A_1723 = vector.broadcast %add3A_1722 : i32 to vector<8x2048xi32>
      %add3A_1724 = arith.addi %add3A_1711, %add3A_1723 : vector<8x2048xi32>
      %add3A_1725 = arith.addi %add3A_1721, %add3A_1724 : vector<8x2048xi32>
      %shift_left3A_1726 = arith.constant 13 : i32
      %shift_left3A_1727 = vector.broadcast %shift_left3A_1726 : i32 to vector<8x2048xi32>
      %shift_left3A_1728 = arith.shli %add3A_1724, %shift_left3A_1727 : vector<8x2048xi32>
      %shift_right_logical3A_1729 = arith.constant 19 : i32
      %shift_right_logical3A_1730 = vector.broadcast %shift_right_logical3A_1729 : i32 to vector<8x2048xi32>
      %shift_right_logical3A_1731 = arith.shrui %add3A_1724, %shift_right_logical3A_1730 : vector<8x2048xi32>
      %or3A_1732 = arith.ori %shift_left3A_1728, %shift_right_logical3A_1731 : vector<8x2048xi32>
      %xor3A_1733 = arith.xori %add3A_1725, %or3A_1732 : vector<8x2048xi32>
      %add3A_1734 = arith.addi %add3A_1725, %xor3A_1733 : vector<8x2048xi32>
      %shift_left3A_1735 = arith.constant 15 : i32
      %shift_left3A_1736 = vector.broadcast %shift_left3A_1735 : i32 to vector<8x2048xi32>
      %shift_left3A_1737 = arith.shli %xor3A_1733, %shift_left3A_1736 : vector<8x2048xi32>
      %shift_right_logical3A_1738 = arith.constant 17 : i32
      %shift_right_logical3A_1739 = vector.broadcast %shift_right_logical3A_1738 : i32 to vector<8x2048xi32>
      %shift_right_logical3A_1740 = arith.shrui %xor3A_1733, %shift_right_logical3A_1739 : vector<8x2048xi32>
      %or3A_1741 = arith.ori %shift_left3A_1737, %shift_right_logical3A_1740 : vector<8x2048xi32>
      %xor3A_1742 = arith.xori %add3A_1734, %or3A_1741 : vector<8x2048xi32>
      %add3A_1743 = arith.addi %add3A_1734, %xor3A_1742 : vector<8x2048xi32>
      %shift_left3A_1744 = arith.constant 26 : i32
      %shift_left3A_1745 = vector.broadcast %shift_left3A_1744 : i32 to vector<8x2048xi32>
      %shift_left3A_1746 = arith.shli %xor3A_1742, %shift_left3A_1745 : vector<8x2048xi32>
      %shift_right_logical3A_1747 = arith.constant 6 : i32
      %shift_right_logical3A_1748 = vector.broadcast %shift_right_logical3A_1747 : i32 to vector<8x2048xi32>
      %shift_right_logical3A_1749 = arith.shrui %xor3A_1742, %shift_right_logical3A_1748 : vector<8x2048xi32>
      %or3A_1750 = arith.ori %shift_left3A_1746, %shift_right_logical3A_1749 : vector<8x2048xi32>
      %xor3A_1751 = arith.xori %add3A_1743, %or3A_1750 : vector<8x2048xi32>
      %add3A_1752 = arith.addi %add3A_1743, %xor3A_1751 : vector<8x2048xi32>
      %shift_left3A_1753 = arith.constant 6 : i32
      %shift_left3A_1754 = vector.broadcast %shift_left3A_1753 : i32 to vector<8x2048xi32>
      %shift_left3A_1755 = arith.shli %xor3A_1751, %shift_left3A_1754 : vector<8x2048xi32>
      %shift_right_logical3A_1756 = arith.constant 26 : i32
      %shift_right_logical3A_1757 = vector.broadcast %shift_right_logical3A_1756 : i32 to vector<8x2048xi32>
      %shift_right_logical3A_1758 = arith.shrui %xor3A_1751, %shift_right_logical3A_1757 : vector<8x2048xi32>
      %or3A_1759 = arith.ori %shift_left3A_1755, %shift_right_logical3A_1758 : vector<8x2048xi32>
      %xor3A_1760 = arith.xori %add3A_1752, %or3A_1759 : vector<8x2048xi32>
      %add3A_1761 = arith.constant -1378843660 : i32
      %add3A_1762 = vector.broadcast %add3A_1761 : i32 to vector<8x2048xi32>
      %add3A_1763 = arith.addi %add3A_1752, %add3A_1762 : vector<8x2048xi32>
      %add3A_1764 = arith.constant -1244255485 : i32
      %add3A_1765 = vector.broadcast %add3A_1764 : i32 to vector<8x2048xi32>
      %add3A_1766 = arith.addi %xor3A_1760, %add3A_1765 : vector<8x2048xi32>
      %add3A_1767 = arith.constant 1 : i32
      %add3A_1768 = vector.broadcast %add3A_1767 : i32 to vector<8x2048xi32>
      %add3A_1769 = arith.addi %add3A_1766, %add3A_1768 : vector<8x2048xi32>
      %add3A_1770 = arith.addi %add3A_1763, %add3A_1769 : vector<8x2048xi32>
      %shift_left3A_1771 = arith.constant 17 : i32
      %shift_left3A_1772 = vector.broadcast %shift_left3A_1771 : i32 to vector<8x2048xi32>
      %shift_left3A_1773 = arith.shli %add3A_1769, %shift_left3A_1772 : vector<8x2048xi32>
      %shift_right_logical3A_1774 = arith.constant 15 : i32
      %shift_right_logical3A_1775 = vector.broadcast %shift_right_logical3A_1774 : i32 to vector<8x2048xi32>
      %shift_right_logical3A_1776 = arith.shrui %add3A_1769, %shift_right_logical3A_1775 : vector<8x2048xi32>
      %or3A_1777 = arith.ori %shift_left3A_1773, %shift_right_logical3A_1776 : vector<8x2048xi32>
      %xor3A_1778 = arith.xori %add3A_1770, %or3A_1777 : vector<8x2048xi32>
      %add3A_1779 = arith.addi %add3A_1770, %xor3A_1778 : vector<8x2048xi32>
      %shift_left3A_1780 = arith.constant 29 : i32
      %shift_left3A_1781 = vector.broadcast %shift_left3A_1780 : i32 to vector<8x2048xi32>
      %shift_left3A_1782 = arith.shli %xor3A_1778, %shift_left3A_1781 : vector<8x2048xi32>
      %shift_right_logical3A_1783 = arith.constant 3 : i32
      %shift_right_logical3A_1784 = vector.broadcast %shift_right_logical3A_1783 : i32 to vector<8x2048xi32>
      %shift_right_logical3A_1785 = arith.shrui %xor3A_1778, %shift_right_logical3A_1784 : vector<8x2048xi32>
      %or3A_1786 = arith.ori %shift_left3A_1782, %shift_right_logical3A_1785 : vector<8x2048xi32>
      %xor3A_1787 = arith.xori %add3A_1779, %or3A_1786 : vector<8x2048xi32>
      %add3A_1788 = arith.addi %add3A_1779, %xor3A_1787 : vector<8x2048xi32>
      %shift_left3A_1789 = arith.constant 16 : i32
      %shift_left3A_1790 = vector.broadcast %shift_left3A_1789 : i32 to vector<8x2048xi32>
      %shift_left3A_1791 = arith.shli %xor3A_1787, %shift_left3A_1790 : vector<8x2048xi32>
      %shift_right_logical3A_1792 = arith.constant 16 : i32
      %shift_right_logical3A_1793 = vector.broadcast %shift_right_logical3A_1792 : i32 to vector<8x2048xi32>
      %shift_right_logical3A_1794 = arith.shrui %xor3A_1787, %shift_right_logical3A_1793 : vector<8x2048xi32>
      %or3A_1795 = arith.ori %shift_left3A_1791, %shift_right_logical3A_1794 : vector<8x2048xi32>
      %xor3A_1796 = arith.xori %add3A_1788, %or3A_1795 : vector<8x2048xi32>
      %add3A_1797 = arith.addi %add3A_1788, %xor3A_1796 : vector<8x2048xi32>
      %shift_left3A_1798 = arith.constant 24 : i32
      %shift_left3A_1799 = vector.broadcast %shift_left3A_1798 : i32 to vector<8x2048xi32>
      %shift_left3A_1800 = arith.shli %xor3A_1796, %shift_left3A_1799 : vector<8x2048xi32>
      %shift_right_logical3A_1801 = arith.constant 8 : i32
      %shift_right_logical3A_1802 = vector.broadcast %shift_right_logical3A_1801 : i32 to vector<8x2048xi32>
      %shift_right_logical3A_1803 = arith.shrui %xor3A_1796, %shift_right_logical3A_1802 : vector<8x2048xi32>
      %or3A_1804 = arith.ori %shift_left3A_1800, %shift_right_logical3A_1803 : vector<8x2048xi32>
      %xor3A_1805 = arith.xori %add3A_1797, %or3A_1804 : vector<8x2048xi32>
      %add3A_1806 = arith.constant -1244255485 : i32
      %add3A_1807 = vector.broadcast %add3A_1806 : i32 to vector<8x2048xi32>
      %add3A_1808 = arith.addi %add3A_1797, %add3A_1807 : vector<8x2048xi32>
      %add3A_1809 = arith.constant 64467757 : i32
      %add3A_1810 = vector.broadcast %add3A_1809 : i32 to vector<8x2048xi32>
      %add3A_1811 = arith.addi %xor3A_1805, %add3A_1810 : vector<8x2048xi32>
      %add3A_1812 = arith.constant 2 : i32
      %add3A_1813 = vector.broadcast %add3A_1812 : i32 to vector<8x2048xi32>
      %add3A_1814 = arith.addi %add3A_1811, %add3A_1813 : vector<8x2048xi32>
      %add3A_1815 = arith.addi %add3A_1808, %add3A_1814 : vector<8x2048xi32>
      %shift_left3A_1816 = arith.constant 13 : i32
      %shift_left3A_1817 = vector.broadcast %shift_left3A_1816 : i32 to vector<8x2048xi32>
      %shift_left3A_1818 = arith.shli %add3A_1814, %shift_left3A_1817 : vector<8x2048xi32>
      %shift_right_logical3A_1819 = arith.constant 19 : i32
      %shift_right_logical3A_1820 = vector.broadcast %shift_right_logical3A_1819 : i32 to vector<8x2048xi32>
      %shift_right_logical3A_1821 = arith.shrui %add3A_1814, %shift_right_logical3A_1820 : vector<8x2048xi32>
      %or3A_1822 = arith.ori %shift_left3A_1818, %shift_right_logical3A_1821 : vector<8x2048xi32>
      %xor3A_1823 = arith.xori %add3A_1815, %or3A_1822 : vector<8x2048xi32>
      %add3A_1824 = arith.addi %add3A_1815, %xor3A_1823 : vector<8x2048xi32>
      %shift_left3A_1825 = arith.constant 15 : i32
      %shift_left3A_1826 = vector.broadcast %shift_left3A_1825 : i32 to vector<8x2048xi32>
      %shift_left3A_1827 = arith.shli %xor3A_1823, %shift_left3A_1826 : vector<8x2048xi32>
      %shift_right_logical3A_1828 = arith.constant 17 : i32
      %shift_right_logical3A_1829 = vector.broadcast %shift_right_logical3A_1828 : i32 to vector<8x2048xi32>
      %shift_right_logical3A_1830 = arith.shrui %xor3A_1823, %shift_right_logical3A_1829 : vector<8x2048xi32>
      %or3A_1831 = arith.ori %shift_left3A_1827, %shift_right_logical3A_1830 : vector<8x2048xi32>
      %xor3A_1832 = arith.xori %add3A_1824, %or3A_1831 : vector<8x2048xi32>
      %add3A_1833 = arith.addi %add3A_1824, %xor3A_1832 : vector<8x2048xi32>
      %shift_left3A_1834 = arith.constant 26 : i32
      %shift_left3A_1835 = vector.broadcast %shift_left3A_1834 : i32 to vector<8x2048xi32>
      %shift_left3A_1836 = arith.shli %xor3A_1832, %shift_left3A_1835 : vector<8x2048xi32>
      %shift_right_logical3A_1837 = arith.constant 6 : i32
      %shift_right_logical3A_1838 = vector.broadcast %shift_right_logical3A_1837 : i32 to vector<8x2048xi32>
      %shift_right_logical3A_1839 = arith.shrui %xor3A_1832, %shift_right_logical3A_1838 : vector<8x2048xi32>
      %or3A_1840 = arith.ori %shift_left3A_1836, %shift_right_logical3A_1839 : vector<8x2048xi32>
      %xor3A_1841 = arith.xori %add3A_1833, %or3A_1840 : vector<8x2048xi32>
      %add3A_1842 = arith.addi %add3A_1833, %xor3A_1841 : vector<8x2048xi32>
      %shift_left3A_1843 = arith.constant 6 : i32
      %shift_left3A_1844 = vector.broadcast %shift_left3A_1843 : i32 to vector<8x2048xi32>
      %shift_left3A_1845 = arith.shli %xor3A_1841, %shift_left3A_1844 : vector<8x2048xi32>
      %shift_right_logical3A_1846 = arith.constant 26 : i32
      %shift_right_logical3A_1847 = vector.broadcast %shift_right_logical3A_1846 : i32 to vector<8x2048xi32>
      %shift_right_logical3A_1848 = arith.shrui %xor3A_1841, %shift_right_logical3A_1847 : vector<8x2048xi32>
      %or3A_1849 = arith.ori %shift_left3A_1845, %shift_right_logical3A_1848 : vector<8x2048xi32>
      %xor3A_1850 = arith.xori %add3A_1842, %or3A_1849 : vector<8x2048xi32>
      %add3A_1851 = arith.constant 64467757 : i32
      %add3A_1852 = vector.broadcast %add3A_1851 : i32 to vector<8x2048xi32>
      %add3A_1853 = arith.addi %add3A_1842, %add3A_1852 : vector<8x2048xi32>
      %add3A_1854 = arith.constant -1378843660 : i32
      %add3A_1855 = vector.broadcast %add3A_1854 : i32 to vector<8x2048xi32>
      %add3A_1856 = arith.addi %xor3A_1850, %add3A_1855 : vector<8x2048xi32>
      %add3A_1857 = arith.constant 3 : i32
      %add3A_1858 = vector.broadcast %add3A_1857 : i32 to vector<8x2048xi32>
      %add3A_1859 = arith.addi %add3A_1856, %add3A_1858 : vector<8x2048xi32>
      %add3A_1860 = arith.addi %add3A_1853, %add3A_1859 : vector<8x2048xi32>
      %shift_left3A_1861 = arith.constant 17 : i32
      %shift_left3A_1862 = vector.broadcast %shift_left3A_1861 : i32 to vector<8x2048xi32>
      %shift_left3A_1863 = arith.shli %add3A_1859, %shift_left3A_1862 : vector<8x2048xi32>
      %shift_right_logical3A_1864 = arith.constant 15 : i32
      %shift_right_logical3A_1865 = vector.broadcast %shift_right_logical3A_1864 : i32 to vector<8x2048xi32>
      %shift_right_logical3A_1866 = arith.shrui %add3A_1859, %shift_right_logical3A_1865 : vector<8x2048xi32>
      %or3A_1867 = arith.ori %shift_left3A_1863, %shift_right_logical3A_1866 : vector<8x2048xi32>
      %xor3A_1868 = arith.xori %add3A_1860, %or3A_1867 : vector<8x2048xi32>
      %add3A_1869 = arith.addi %add3A_1860, %xor3A_1868 : vector<8x2048xi32>
      %shift_left3A_1870 = arith.constant 29 : i32
      %shift_left3A_1871 = vector.broadcast %shift_left3A_1870 : i32 to vector<8x2048xi32>
      %shift_left3A_1872 = arith.shli %xor3A_1868, %shift_left3A_1871 : vector<8x2048xi32>
      %shift_right_logical3A_1873 = arith.constant 3 : i32
      %shift_right_logical3A_1874 = vector.broadcast %shift_right_logical3A_1873 : i32 to vector<8x2048xi32>
      %shift_right_logical3A_1875 = arith.shrui %xor3A_1868, %shift_right_logical3A_1874 : vector<8x2048xi32>
      %or3A_1876 = arith.ori %shift_left3A_1872, %shift_right_logical3A_1875 : vector<8x2048xi32>
      %xor3A_1877 = arith.xori %add3A_1869, %or3A_1876 : vector<8x2048xi32>
      %add3A_1878 = arith.addi %add3A_1869, %xor3A_1877 : vector<8x2048xi32>
      %shift_left3A_1879 = arith.constant 16 : i32
      %shift_left3A_1880 = vector.broadcast %shift_left3A_1879 : i32 to vector<8x2048xi32>
      %shift_left3A_1881 = arith.shli %xor3A_1877, %shift_left3A_1880 : vector<8x2048xi32>
      %shift_right_logical3A_1882 = arith.constant 16 : i32
      %shift_right_logical3A_1883 = vector.broadcast %shift_right_logical3A_1882 : i32 to vector<8x2048xi32>
      %shift_right_logical3A_1884 = arith.shrui %xor3A_1877, %shift_right_logical3A_1883 : vector<8x2048xi32>
      %or3A_1885 = arith.ori %shift_left3A_1881, %shift_right_logical3A_1884 : vector<8x2048xi32>
      %xor3A_1886 = arith.xori %add3A_1878, %or3A_1885 : vector<8x2048xi32>
      %add3A_1887 = arith.addi %add3A_1878, %xor3A_1886 : vector<8x2048xi32>
      %shift_left3A_1888 = arith.constant 24 : i32
      %shift_left3A_1889 = vector.broadcast %shift_left3A_1888 : i32 to vector<8x2048xi32>
      %shift_left3A_1890 = arith.shli %xor3A_1886, %shift_left3A_1889 : vector<8x2048xi32>
      %shift_right_logical3A_1891 = arith.constant 8 : i32
      %shift_right_logical3A_1892 = vector.broadcast %shift_right_logical3A_1891 : i32 to vector<8x2048xi32>
      %shift_right_logical3A_1893 = arith.shrui %xor3A_1886, %shift_right_logical3A_1892 : vector<8x2048xi32>
      %or3A_1894 = arith.ori %shift_left3A_1890, %shift_right_logical3A_1893 : vector<8x2048xi32>
      %xor3A_1895 = arith.xori %add3A_1887, %or3A_1894 : vector<8x2048xi32>
      %add3A_1896 = arith.constant -1378843660 : i32
      %add3A_1897 = vector.broadcast %add3A_1896 : i32 to vector<8x2048xi32>
      %add3A_1898 = arith.addi %add3A_1887, %add3A_1897 : vector<8x2048xi32>
      %add3A_1899 = arith.constant -1244255485 : i32
      %add3A_1900 = vector.broadcast %add3A_1899 : i32 to vector<8x2048xi32>
      %add3A_1901 = arith.addi %xor3A_1895, %add3A_1900 : vector<8x2048xi32>
      %add3A_1902 = arith.constant 4 : i32
      %add3A_1903 = vector.broadcast %add3A_1902 : i32 to vector<8x2048xi32>
      %add3A_1904 = arith.addi %add3A_1901, %add3A_1903 : vector<8x2048xi32>
      %add3A_1905 = arith.addi %add3A_1898, %add3A_1904 : vector<8x2048xi32>
      %shift_left3A_1906 = arith.constant 13 : i32
      %shift_left3A_1907 = vector.broadcast %shift_left3A_1906 : i32 to vector<8x2048xi32>
      %shift_left3A_1908 = arith.shli %add3A_1904, %shift_left3A_1907 : vector<8x2048xi32>
      %shift_right_logical3A_1909 = arith.constant 19 : i32
      %shift_right_logical3A_1910 = vector.broadcast %shift_right_logical3A_1909 : i32 to vector<8x2048xi32>
      %shift_right_logical3A_1911 = arith.shrui %add3A_1904, %shift_right_logical3A_1910 : vector<8x2048xi32>
      %or3A_1912 = arith.ori %shift_left3A_1908, %shift_right_logical3A_1911 : vector<8x2048xi32>
      %xor3A_1913 = arith.xori %add3A_1905, %or3A_1912 : vector<8x2048xi32>
      %add3A_1914 = arith.addi %add3A_1905, %xor3A_1913 : vector<8x2048xi32>
      %shift_left3A_1915 = arith.constant 15 : i32
      %shift_left3A_1916 = vector.broadcast %shift_left3A_1915 : i32 to vector<8x2048xi32>
      %shift_left3A_1917 = arith.shli %xor3A_1913, %shift_left3A_1916 : vector<8x2048xi32>
      %shift_right_logical3A_1918 = arith.constant 17 : i32
      %shift_right_logical3A_1919 = vector.broadcast %shift_right_logical3A_1918 : i32 to vector<8x2048xi32>
      %shift_right_logical3A_1920 = arith.shrui %xor3A_1913, %shift_right_logical3A_1919 : vector<8x2048xi32>
      %or3A_1921 = arith.ori %shift_left3A_1917, %shift_right_logical3A_1920 : vector<8x2048xi32>
      %xor3A_1922 = arith.xori %add3A_1914, %or3A_1921 : vector<8x2048xi32>
      %add3A_1923 = arith.addi %add3A_1914, %xor3A_1922 : vector<8x2048xi32>
      %shift_left3A_1924 = arith.constant 26 : i32
      %shift_left3A_1925 = vector.broadcast %shift_left3A_1924 : i32 to vector<8x2048xi32>
      %shift_left3A_1926 = arith.shli %xor3A_1922, %shift_left3A_1925 : vector<8x2048xi32>
      %shift_right_logical3A_1927 = arith.constant 6 : i32
      %shift_right_logical3A_1928 = vector.broadcast %shift_right_logical3A_1927 : i32 to vector<8x2048xi32>
      %shift_right_logical3A_1929 = arith.shrui %xor3A_1922, %shift_right_logical3A_1928 : vector<8x2048xi32>
      %or3A_1930 = arith.ori %shift_left3A_1926, %shift_right_logical3A_1929 : vector<8x2048xi32>
      %xor3A_1931 = arith.xori %add3A_1923, %or3A_1930 : vector<8x2048xi32>
      %add3A_1932 = arith.addi %add3A_1923, %xor3A_1931 : vector<8x2048xi32>
      %shift_left3A_1933 = arith.constant 6 : i32
      %shift_left3A_1934 = vector.broadcast %shift_left3A_1933 : i32 to vector<8x2048xi32>
      %shift_left3A_1935 = arith.shli %xor3A_1931, %shift_left3A_1934 : vector<8x2048xi32>
      %shift_right_logical3A_1936 = arith.constant 26 : i32
      %shift_right_logical3A_1937 = vector.broadcast %shift_right_logical3A_1936 : i32 to vector<8x2048xi32>
      %shift_right_logical3A_1938 = arith.shrui %xor3A_1931, %shift_right_logical3A_1937 : vector<8x2048xi32>
      %or3A_1939 = arith.ori %shift_left3A_1935, %shift_right_logical3A_1938 : vector<8x2048xi32>
      %xor3A_1940 = arith.xori %add3A_1932, %or3A_1939 : vector<8x2048xi32>
      %add3A_1941 = arith.constant -1244255485 : i32
      %add3A_1942 = vector.broadcast %add3A_1941 : i32 to vector<8x2048xi32>
      %add3A_1943 = arith.addi %add3A_1932, %add3A_1942 : vector<8x2048xi32>
      %add3A_1944 = arith.constant 64467757 : i32
      %add3A_1945 = vector.broadcast %add3A_1944 : i32 to vector<8x2048xi32>
      %add3A_1946 = arith.addi %xor3A_1940, %add3A_1945 : vector<8x2048xi32>
      %add3A_1947 = arith.constant 5 : i32
      %add3A_1948 = vector.broadcast %add3A_1947 : i32 to vector<8x2048xi32>
      %add3A_1949 = arith.addi %add3A_1946, %add3A_1948 : vector<8x2048xi32>
      %xor3A_1950 = arith.xori %add3A_1943, %add3A_1949 : vector<8x2048xi32>
      %shift_right_logical3A_1951 = arith.constant 9 : i32
      %shift_right_logical3A_1952 = vector.broadcast %shift_right_logical3A_1951 : i32 to vector<8x2048xi32>
      %shift_right_logical3A_1953 = arith.shrui %xor3A_1950, %shift_right_logical3A_1952 : vector<8x2048xi32>
      %or3A_1954 = arith.constant 1065353216 : i32
      %or3A_1955 = vector.broadcast %or3A_1954 : i32 to vector<8x2048xi32>
      %or3A_1956 = arith.ori %shift_right_logical3A_1953, %or3A_1955 : vector<8x2048xi32>
      %bitcast_convert_type3A_1957 = tpu.bitcast %or3A_1956 : vector<8x2048xi32> -> vector<8x2048xf32>
      %sub3A_1958 = arith.constant 1.000000e+00 : f32
      %sub3A_1959 = vector.broadcast %sub3A_1958 : f32 to vector<8x2048xf32>
      %sub3A_1960 = arith.subf %bitcast_convert_type3A_1957, %sub3A_1959 : vector<8x2048xf32>
      %max3A_1961 = arith.constant 1.17549435E-38 : f32
      %max3A_1962 = vector.broadcast %max3A_1961 : f32 to vector<8x2048xf32>
      %max3A_1963 = arith.maximumf %sub3A_1960, %max3A_1962 : vector<8x2048xf32>
      %log3A_1964 = math.log %max3A_1963 : vector<8x2048xf32>
      %get3A_1965 = arith.index_cast %add3A_1704 : i32 to index
      %get3A_1966 = arith.constant 0 : index
      %get3A_1967 = arith.constant 0 : index
      %get3A_1968 = vector.load %arg3[%get3A_1965, %get3A_1966, %get3A_1967] : memref<490x1x2048xf32, #tpu.memory_space<vmem>>, vector<1x1x2048xf32>
      %get3A_1969 = vector.shape_cast %get3A_1968 : vector<1x1x2048xf32> to vector<1x2048xf32>
      %mul3A_1970 = vector.broadcast %get3A_1969 : vector<1x2048xf32> to vector<8x2048xf32>
      %mul3A_1971 = arith.mulf %log3A_1964, %mul3A_1970 : vector<8x2048xf32>
      %bitcast_convert_type3A_1972 = tpu.bitcast %mul3A_1971 : vector<8x2048xf32> -> vector<8x2048xi32>
      %and3A_1973 = arith.constant -512 : i32
      %and3A_1974 = vector.broadcast %and3A_1973 : i32 to vector<8x2048xi32>
      %and3A_1975 = arith.andi %bitcast_convert_type3A_1972, %and3A_1974 : vector<8x2048xi32>
      %or3A_1976 = vector.broadcast %add3A_1704 : i32 to vector<8x2048xi32>
      %or3A_1977 = arith.ori %and3A_1975, %or3A_1976 : vector<8x2048xi32>
      %bitcast_convert_type3A_1978 = tpu.bitcast %or3A_1977 : vector<8x2048xi32> -> vector<8x2048xf32>
      %min3A_1979 = arith.minimumf %min3A_1700, %bitcast_convert_type3A_1978 : vector<8x2048xf32>
      %mul3A_1980 = arith.constant 10 : i32
      %mul3A_1981 = arith.muli %scan3A_34, %mul3A_1980 : i32
      %add3A_1982 = arith.constant 7 : i32
      %add3A_1983 = arith.addi %mul3A_1981, %add3A_1982 : i32
      %mul3A_1984 = arith.constant 2048 : i32
      %mul3A_1985 = arith.muli %add3A_1983, %mul3A_1984 : i32
      %add3A_1986 = vector.broadcast %mul3A_1985 : i32 to vector<8x1xi32>
      %add3A_1987 = arith.addi %get3A_3, %add3A_1986 : vector<8x1xi32>
      %add3A_1988 = vector.broadcast %add3A_1987 : vector<8x1xi32> to vector<8x2048xi32>
      %add3A_1989 = vector.broadcast %iota3A : vector<1x2048xi32> to vector<8x2048xi32>
      %add3A_1990 = arith.addi %add3A_1988, %add3A_1989 : vector<8x2048xi32>
      %lt3A_1991 = vector.broadcast %get3A_3 : vector<8x1xi32> to vector<8x2048xi32>
      %lt3A_1992 = arith.cmpi ult, %add3A_1990, %lt3A_1991 : vector<8x2048xi32>
      %broadcast_in_dim3A_1993 = vector.shape_cast %add3A_10 : vector<8x1xi32> to vector<8x1xi32>
      %broadcast_in_dim3A_1994 = vector.broadcast %broadcast_in_dim3A_1993 : vector<8x1xi32> to vector<8x2048xi32>
      %broadcast_in_dim3A_1995 = vector.shape_cast %get3A_8 : vector<8x1xi32> to vector<8x1xi32>
      %broadcast_in_dim3A_1996 = vector.broadcast %broadcast_in_dim3A_1995 : vector<8x1xi32> to vector<8x2048xi32>
      %select_n3A_1997 = arith.select %lt3A_1992, %broadcast_in_dim3A_1994, %broadcast_in_dim3A_1996 : vector<8x2048xi1>, vector<8x2048xi32>
      %add3A_1998 = arith.constant 64467757 : i32
      %add3A_1999 = vector.broadcast %add3A_1998 : i32 to vector<8x2048xi32>
      %add3A_2000 = arith.addi %select_n3A_1997, %add3A_1999 : vector<8x2048xi32>
      %add3A_2001 = arith.constant -1378843660 : i32
      %add3A_2002 = vector.broadcast %add3A_2001 : i32 to vector<8x2048xi32>
      %add3A_2003 = arith.addi %add3A_1990, %add3A_2002 : vector<8x2048xi32>
      %add3A_2004 = arith.addi %add3A_2000, %add3A_2003 : vector<8x2048xi32>
      %shift_left3A_2005 = arith.constant 13 : i32
      %shift_left3A_2006 = vector.broadcast %shift_left3A_2005 : i32 to vector<8x2048xi32>
      %shift_left3A_2007 = arith.shli %add3A_2003, %shift_left3A_2006 : vector<8x2048xi32>
      %shift_right_logical3A_2008 = arith.constant 19 : i32
      %shift_right_logical3A_2009 = vector.broadcast %shift_right_logical3A_2008 : i32 to vector<8x2048xi32>
      %shift_right_logical3A_2010 = arith.shrui %add3A_2003, %shift_right_logical3A_2009 : vector<8x2048xi32>
      %or3A_2011 = arith.ori %shift_left3A_2007, %shift_right_logical3A_2010 : vector<8x2048xi32>
      %xor3A_2012 = arith.xori %add3A_2004, %or3A_2011 : vector<8x2048xi32>
      %add3A_2013 = arith.addi %add3A_2004, %xor3A_2012 : vector<8x2048xi32>
      %shift_left3A_2014 = arith.constant 15 : i32
      %shift_left3A_2015 = vector.broadcast %shift_left3A_2014 : i32 to vector<8x2048xi32>
      %shift_left3A_2016 = arith.shli %xor3A_2012, %shift_left3A_2015 : vector<8x2048xi32>
      %shift_right_logical3A_2017 = arith.constant 17 : i32
      %shift_right_logical3A_2018 = vector.broadcast %shift_right_logical3A_2017 : i32 to vector<8x2048xi32>
      %shift_right_logical3A_2019 = arith.shrui %xor3A_2012, %shift_right_logical3A_2018 : vector<8x2048xi32>
      %or3A_2020 = arith.ori %shift_left3A_2016, %shift_right_logical3A_2019 : vector<8x2048xi32>
      %xor3A_2021 = arith.xori %add3A_2013, %or3A_2020 : vector<8x2048xi32>
      %add3A_2022 = arith.addi %add3A_2013, %xor3A_2021 : vector<8x2048xi32>
      %shift_left3A_2023 = arith.constant 26 : i32
      %shift_left3A_2024 = vector.broadcast %shift_left3A_2023 : i32 to vector<8x2048xi32>
      %shift_left3A_2025 = arith.shli %xor3A_2021, %shift_left3A_2024 : vector<8x2048xi32>
      %shift_right_logical3A_2026 = arith.constant 6 : i32
      %shift_right_logical3A_2027 = vector.broadcast %shift_right_logical3A_2026 : i32 to vector<8x2048xi32>
      %shift_right_logical3A_2028 = arith.shrui %xor3A_2021, %shift_right_logical3A_2027 : vector<8x2048xi32>
      %or3A_2029 = arith.ori %shift_left3A_2025, %shift_right_logical3A_2028 : vector<8x2048xi32>
      %xor3A_2030 = arith.xori %add3A_2022, %or3A_2029 : vector<8x2048xi32>
      %add3A_2031 = arith.addi %add3A_2022, %xor3A_2030 : vector<8x2048xi32>
      %shift_left3A_2032 = arith.constant 6 : i32
      %shift_left3A_2033 = vector.broadcast %shift_left3A_2032 : i32 to vector<8x2048xi32>
      %shift_left3A_2034 = arith.shli %xor3A_2030, %shift_left3A_2033 : vector<8x2048xi32>
      %shift_right_logical3A_2035 = arith.constant 26 : i32
      %shift_right_logical3A_2036 = vector.broadcast %shift_right_logical3A_2035 : i32 to vector<8x2048xi32>
      %shift_right_logical3A_2037 = arith.shrui %xor3A_2030, %shift_right_logical3A_2036 : vector<8x2048xi32>
      %or3A_2038 = arith.ori %shift_left3A_2034, %shift_right_logical3A_2037 : vector<8x2048xi32>
      %xor3A_2039 = arith.xori %add3A_2031, %or3A_2038 : vector<8x2048xi32>
      %add3A_2040 = arith.constant -1378843660 : i32
      %add3A_2041 = vector.broadcast %add3A_2040 : i32 to vector<8x2048xi32>
      %add3A_2042 = arith.addi %add3A_2031, %add3A_2041 : vector<8x2048xi32>
      %add3A_2043 = arith.constant -1244255485 : i32
      %add3A_2044 = vector.broadcast %add3A_2043 : i32 to vector<8x2048xi32>
      %add3A_2045 = arith.addi %xor3A_2039, %add3A_2044 : vector<8x2048xi32>
      %add3A_2046 = arith.constant 1 : i32
      %add3A_2047 = vector.broadcast %add3A_2046 : i32 to vector<8x2048xi32>
      %add3A_2048 = arith.addi %add3A_2045, %add3A_2047 : vector<8x2048xi32>
      %add3A_2049 = arith.addi %add3A_2042, %add3A_2048 : vector<8x2048xi32>
      %shift_left3A_2050 = arith.constant 17 : i32
      %shift_left3A_2051 = vector.broadcast %shift_left3A_2050 : i32 to vector<8x2048xi32>
      %shift_left3A_2052 = arith.shli %add3A_2048, %shift_left3A_2051 : vector<8x2048xi32>
      %shift_right_logical3A_2053 = arith.constant 15 : i32
      %shift_right_logical3A_2054 = vector.broadcast %shift_right_logical3A_2053 : i32 to vector<8x2048xi32>
      %shift_right_logical3A_2055 = arith.shrui %add3A_2048, %shift_right_logical3A_2054 : vector<8x2048xi32>
      %or3A_2056 = arith.ori %shift_left3A_2052, %shift_right_logical3A_2055 : vector<8x2048xi32>
      %xor3A_2057 = arith.xori %add3A_2049, %or3A_2056 : vector<8x2048xi32>
      %add3A_2058 = arith.addi %add3A_2049, %xor3A_2057 : vector<8x2048xi32>
      %shift_left3A_2059 = arith.constant 29 : i32
      %shift_left3A_2060 = vector.broadcast %shift_left3A_2059 : i32 to vector<8x2048xi32>
      %shift_left3A_2061 = arith.shli %xor3A_2057, %shift_left3A_2060 : vector<8x2048xi32>
      %shift_right_logical3A_2062 = arith.constant 3 : i32
      %shift_right_logical3A_2063 = vector.broadcast %shift_right_logical3A_2062 : i32 to vector<8x2048xi32>
      %shift_right_logical3A_2064 = arith.shrui %xor3A_2057, %shift_right_logical3A_2063 : vector<8x2048xi32>
      %or3A_2065 = arith.ori %shift_left3A_2061, %shift_right_logical3A_2064 : vector<8x2048xi32>
      %xor3A_2066 = arith.xori %add3A_2058, %or3A_2065 : vector<8x2048xi32>
      %add3A_2067 = arith.addi %add3A_2058, %xor3A_2066 : vector<8x2048xi32>
      %shift_left3A_2068 = arith.constant 16 : i32
      %shift_left3A_2069 = vector.broadcast %shift_left3A_2068 : i32 to vector<8x2048xi32>
      %shift_left3A_2070 = arith.shli %xor3A_2066, %shift_left3A_2069 : vector<8x2048xi32>
      %shift_right_logical3A_2071 = arith.constant 16 : i32
      %shift_right_logical3A_2072 = vector.broadcast %shift_right_logical3A_2071 : i32 to vector<8x2048xi32>
      %shift_right_logical3A_2073 = arith.shrui %xor3A_2066, %shift_right_logical3A_2072 : vector<8x2048xi32>
      %or3A_2074 = arith.ori %shift_left3A_2070, %shift_right_logical3A_2073 : vector<8x2048xi32>
      %xor3A_2075 = arith.xori %add3A_2067, %or3A_2074 : vector<8x2048xi32>
      %add3A_2076 = arith.addi %add3A_2067, %xor3A_2075 : vector<8x2048xi32>
      %shift_left3A_2077 = arith.constant 24 : i32
      %shift_left3A_2078 = vector.broadcast %shift_left3A_2077 : i32 to vector<8x2048xi32>
      %shift_left3A_2079 = arith.shli %xor3A_2075, %shift_left3A_2078 : vector<8x2048xi32>
      %shift_right_logical3A_2080 = arith.constant 8 : i32
      %shift_right_logical3A_2081 = vector.broadcast %shift_right_logical3A_2080 : i32 to vector<8x2048xi32>
      %shift_right_logical3A_2082 = arith.shrui %xor3A_2075, %shift_right_logical3A_2081 : vector<8x2048xi32>
      %or3A_2083 = arith.ori %shift_left3A_2079, %shift_right_logical3A_2082 : vector<8x2048xi32>
      %xor3A_2084 = arith.xori %add3A_2076, %or3A_2083 : vector<8x2048xi32>
      %add3A_2085 = arith.constant -1244255485 : i32
      %add3A_2086 = vector.broadcast %add3A_2085 : i32 to vector<8x2048xi32>
      %add3A_2087 = arith.addi %add3A_2076, %add3A_2086 : vector<8x2048xi32>
      %add3A_2088 = arith.constant 64467757 : i32
      %add3A_2089 = vector.broadcast %add3A_2088 : i32 to vector<8x2048xi32>
      %add3A_2090 = arith.addi %xor3A_2084, %add3A_2089 : vector<8x2048xi32>
      %add3A_2091 = arith.constant 2 : i32
      %add3A_2092 = vector.broadcast %add3A_2091 : i32 to vector<8x2048xi32>
      %add3A_2093 = arith.addi %add3A_2090, %add3A_2092 : vector<8x2048xi32>
      %add3A_2094 = arith.addi %add3A_2087, %add3A_2093 : vector<8x2048xi32>
      %shift_left3A_2095 = arith.constant 13 : i32
      %shift_left3A_2096 = vector.broadcast %shift_left3A_2095 : i32 to vector<8x2048xi32>
      %shift_left3A_2097 = arith.shli %add3A_2093, %shift_left3A_2096 : vector<8x2048xi32>
      %shift_right_logical3A_2098 = arith.constant 19 : i32
      %shift_right_logical3A_2099 = vector.broadcast %shift_right_logical3A_2098 : i32 to vector<8x2048xi32>
      %shift_right_logical3A_2100 = arith.shrui %add3A_2093, %shift_right_logical3A_2099 : vector<8x2048xi32>
      %or3A_2101 = arith.ori %shift_left3A_2097, %shift_right_logical3A_2100 : vector<8x2048xi32>
      %xor3A_2102 = arith.xori %add3A_2094, %or3A_2101 : vector<8x2048xi32>
      %add3A_2103 = arith.addi %add3A_2094, %xor3A_2102 : vector<8x2048xi32>
      %shift_left3A_2104 = arith.constant 15 : i32
      %shift_left3A_2105 = vector.broadcast %shift_left3A_2104 : i32 to vector<8x2048xi32>
      %shift_left3A_2106 = arith.shli %xor3A_2102, %shift_left3A_2105 : vector<8x2048xi32>
      %shift_right_logical3A_2107 = arith.constant 17 : i32
      %shift_right_logical3A_2108 = vector.broadcast %shift_right_logical3A_2107 : i32 to vector<8x2048xi32>
      %shift_right_logical3A_2109 = arith.shrui %xor3A_2102, %shift_right_logical3A_2108 : vector<8x2048xi32>
      %or3A_2110 = arith.ori %shift_left3A_2106, %shift_right_logical3A_2109 : vector<8x2048xi32>
      %xor3A_2111 = arith.xori %add3A_2103, %or3A_2110 : vector<8x2048xi32>
      %add3A_2112 = arith.addi %add3A_2103, %xor3A_2111 : vector<8x2048xi32>
      %shift_left3A_2113 = arith.constant 26 : i32
      %shift_left3A_2114 = vector.broadcast %shift_left3A_2113 : i32 to vector<8x2048xi32>
      %shift_left3A_2115 = arith.shli %xor3A_2111, %shift_left3A_2114 : vector<8x2048xi32>
      %shift_right_logical3A_2116 = arith.constant 6 : i32
      %shift_right_logical3A_2117 = vector.broadcast %shift_right_logical3A_2116 : i32 to vector<8x2048xi32>
      %shift_right_logical3A_2118 = arith.shrui %xor3A_2111, %shift_right_logical3A_2117 : vector<8x2048xi32>
      %or3A_2119 = arith.ori %shift_left3A_2115, %shift_right_logical3A_2118 : vector<8x2048xi32>
      %xor3A_2120 = arith.xori %add3A_2112, %or3A_2119 : vector<8x2048xi32>
      %add3A_2121 = arith.addi %add3A_2112, %xor3A_2120 : vector<8x2048xi32>
      %shift_left3A_2122 = arith.constant 6 : i32
      %shift_left3A_2123 = vector.broadcast %shift_left3A_2122 : i32 to vector<8x2048xi32>
      %shift_left3A_2124 = arith.shli %xor3A_2120, %shift_left3A_2123 : vector<8x2048xi32>
      %shift_right_logical3A_2125 = arith.constant 26 : i32
      %shift_right_logical3A_2126 = vector.broadcast %shift_right_logical3A_2125 : i32 to vector<8x2048xi32>
      %shift_right_logical3A_2127 = arith.shrui %xor3A_2120, %shift_right_logical3A_2126 : vector<8x2048xi32>
      %or3A_2128 = arith.ori %shift_left3A_2124, %shift_right_logical3A_2127 : vector<8x2048xi32>
      %xor3A_2129 = arith.xori %add3A_2121, %or3A_2128 : vector<8x2048xi32>
      %add3A_2130 = arith.constant 64467757 : i32
      %add3A_2131 = vector.broadcast %add3A_2130 : i32 to vector<8x2048xi32>
      %add3A_2132 = arith.addi %add3A_2121, %add3A_2131 : vector<8x2048xi32>
      %add3A_2133 = arith.constant -1378843660 : i32
      %add3A_2134 = vector.broadcast %add3A_2133 : i32 to vector<8x2048xi32>
      %add3A_2135 = arith.addi %xor3A_2129, %add3A_2134 : vector<8x2048xi32>
      %add3A_2136 = arith.constant 3 : i32
      %add3A_2137 = vector.broadcast %add3A_2136 : i32 to vector<8x2048xi32>
      %add3A_2138 = arith.addi %add3A_2135, %add3A_2137 : vector<8x2048xi32>
      %add3A_2139 = arith.addi %add3A_2132, %add3A_2138 : vector<8x2048xi32>
      %shift_left3A_2140 = arith.constant 17 : i32
      %shift_left3A_2141 = vector.broadcast %shift_left3A_2140 : i32 to vector<8x2048xi32>
      %shift_left3A_2142 = arith.shli %add3A_2138, %shift_left3A_2141 : vector<8x2048xi32>
      %shift_right_logical3A_2143 = arith.constant 15 : i32
      %shift_right_logical3A_2144 = vector.broadcast %shift_right_logical3A_2143 : i32 to vector<8x2048xi32>
      %shift_right_logical3A_2145 = arith.shrui %add3A_2138, %shift_right_logical3A_2144 : vector<8x2048xi32>
      %or3A_2146 = arith.ori %shift_left3A_2142, %shift_right_logical3A_2145 : vector<8x2048xi32>
      %xor3A_2147 = arith.xori %add3A_2139, %or3A_2146 : vector<8x2048xi32>
      %add3A_2148 = arith.addi %add3A_2139, %xor3A_2147 : vector<8x2048xi32>
      %shift_left3A_2149 = arith.constant 29 : i32
      %shift_left3A_2150 = vector.broadcast %shift_left3A_2149 : i32 to vector<8x2048xi32>
      %shift_left3A_2151 = arith.shli %xor3A_2147, %shift_left3A_2150 : vector<8x2048xi32>
      %shift_right_logical3A_2152 = arith.constant 3 : i32
      %shift_right_logical3A_2153 = vector.broadcast %shift_right_logical3A_2152 : i32 to vector<8x2048xi32>
      %shift_right_logical3A_2154 = arith.shrui %xor3A_2147, %shift_right_logical3A_2153 : vector<8x2048xi32>
      %or3A_2155 = arith.ori %shift_left3A_2151, %shift_right_logical3A_2154 : vector<8x2048xi32>
      %xor3A_2156 = arith.xori %add3A_2148, %or3A_2155 : vector<8x2048xi32>
      %add3A_2157 = arith.addi %add3A_2148, %xor3A_2156 : vector<8x2048xi32>
      %shift_left3A_2158 = arith.constant 16 : i32
      %shift_left3A_2159 = vector.broadcast %shift_left3A_2158 : i32 to vector<8x2048xi32>
      %shift_left3A_2160 = arith.shli %xor3A_2156, %shift_left3A_2159 : vector<8x2048xi32>
      %shift_right_logical3A_2161 = arith.constant 16 : i32
      %shift_right_logical3A_2162 = vector.broadcast %shift_right_logical3A_2161 : i32 to vector<8x2048xi32>
      %shift_right_logical3A_2163 = arith.shrui %xor3A_2156, %shift_right_logical3A_2162 : vector<8x2048xi32>
      %or3A_2164 = arith.ori %shift_left3A_2160, %shift_right_logical3A_2163 : vector<8x2048xi32>
      %xor3A_2165 = arith.xori %add3A_2157, %or3A_2164 : vector<8x2048xi32>
      %add3A_2166 = arith.addi %add3A_2157, %xor3A_2165 : vector<8x2048xi32>
      %shift_left3A_2167 = arith.constant 24 : i32
      %shift_left3A_2168 = vector.broadcast %shift_left3A_2167 : i32 to vector<8x2048xi32>
      %shift_left3A_2169 = arith.shli %xor3A_2165, %shift_left3A_2168 : vector<8x2048xi32>
      %shift_right_logical3A_2170 = arith.constant 8 : i32
      %shift_right_logical3A_2171 = vector.broadcast %shift_right_logical3A_2170 : i32 to vector<8x2048xi32>
      %shift_right_logical3A_2172 = arith.shrui %xor3A_2165, %shift_right_logical3A_2171 : vector<8x2048xi32>
      %or3A_2173 = arith.ori %shift_left3A_2169, %shift_right_logical3A_2172 : vector<8x2048xi32>
      %xor3A_2174 = arith.xori %add3A_2166, %or3A_2173 : vector<8x2048xi32>
      %add3A_2175 = arith.constant -1378843660 : i32
      %add3A_2176 = vector.broadcast %add3A_2175 : i32 to vector<8x2048xi32>
      %add3A_2177 = arith.addi %add3A_2166, %add3A_2176 : vector<8x2048xi32>
      %add3A_2178 = arith.constant -1244255485 : i32
      %add3A_2179 = vector.broadcast %add3A_2178 : i32 to vector<8x2048xi32>
      %add3A_2180 = arith.addi %xor3A_2174, %add3A_2179 : vector<8x2048xi32>
      %add3A_2181 = arith.constant 4 : i32
      %add3A_2182 = vector.broadcast %add3A_2181 : i32 to vector<8x2048xi32>
      %add3A_2183 = arith.addi %add3A_2180, %add3A_2182 : vector<8x2048xi32>
      %add3A_2184 = arith.addi %add3A_2177, %add3A_2183 : vector<8x2048xi32>
      %shift_left3A_2185 = arith.constant 13 : i32
      %shift_left3A_2186 = vector.broadcast %shift_left3A_2185 : i32 to vector<8x2048xi32>
      %shift_left3A_2187 = arith.shli %add3A_2183, %shift_left3A_2186 : vector<8x2048xi32>
      %shift_right_logical3A_2188 = arith.constant 19 : i32
      %shift_right_logical3A_2189 = vector.broadcast %shift_right_logical3A_2188 : i32 to vector<8x2048xi32>
      %shift_right_logical3A_2190 = arith.shrui %add3A_2183, %shift_right_logical3A_2189 : vector<8x2048xi32>
      %or3A_2191 = arith.ori %shift_left3A_2187, %shift_right_logical3A_2190 : vector<8x2048xi32>
      %xor3A_2192 = arith.xori %add3A_2184, %or3A_2191 : vector<8x2048xi32>
      %add3A_2193 = arith.addi %add3A_2184, %xor3A_2192 : vector<8x2048xi32>
      %shift_left3A_2194 = arith.constant 15 : i32
      %shift_left3A_2195 = vector.broadcast %shift_left3A_2194 : i32 to vector<8x2048xi32>
      %shift_left3A_2196 = arith.shli %xor3A_2192, %shift_left3A_2195 : vector<8x2048xi32>
      %shift_right_logical3A_2197 = arith.constant 17 : i32
      %shift_right_logical3A_2198 = vector.broadcast %shift_right_logical3A_2197 : i32 to vector<8x2048xi32>
      %shift_right_logical3A_2199 = arith.shrui %xor3A_2192, %shift_right_logical3A_2198 : vector<8x2048xi32>
      %or3A_2200 = arith.ori %shift_left3A_2196, %shift_right_logical3A_2199 : vector<8x2048xi32>
      %xor3A_2201 = arith.xori %add3A_2193, %or3A_2200 : vector<8x2048xi32>
      %add3A_2202 = arith.addi %add3A_2193, %xor3A_2201 : vector<8x2048xi32>
      %shift_left3A_2203 = arith.constant 26 : i32
      %shift_left3A_2204 = vector.broadcast %shift_left3A_2203 : i32 to vector<8x2048xi32>
      %shift_left3A_2205 = arith.shli %xor3A_2201, %shift_left3A_2204 : vector<8x2048xi32>
      %shift_right_logical3A_2206 = arith.constant 6 : i32
      %shift_right_logical3A_2207 = vector.broadcast %shift_right_logical3A_2206 : i32 to vector<8x2048xi32>
      %shift_right_logical3A_2208 = arith.shrui %xor3A_2201, %shift_right_logical3A_2207 : vector<8x2048xi32>
      %or3A_2209 = arith.ori %shift_left3A_2205, %shift_right_logical3A_2208 : vector<8x2048xi32>
      %xor3A_2210 = arith.xori %add3A_2202, %or3A_2209 : vector<8x2048xi32>
      %add3A_2211 = arith.addi %add3A_2202, %xor3A_2210 : vector<8x2048xi32>
      %shift_left3A_2212 = arith.constant 6 : i32
      %shift_left3A_2213 = vector.broadcast %shift_left3A_2212 : i32 to vector<8x2048xi32>
      %shift_left3A_2214 = arith.shli %xor3A_2210, %shift_left3A_2213 : vector<8x2048xi32>
      %shift_right_logical3A_2215 = arith.constant 26 : i32
      %shift_right_logical3A_2216 = vector.broadcast %shift_right_logical3A_2215 : i32 to vector<8x2048xi32>
      %shift_right_logical3A_2217 = arith.shrui %xor3A_2210, %shift_right_logical3A_2216 : vector<8x2048xi32>
      %or3A_2218 = arith.ori %shift_left3A_2214, %shift_right_logical3A_2217 : vector<8x2048xi32>
      %xor3A_2219 = arith.xori %add3A_2211, %or3A_2218 : vector<8x2048xi32>
      %add3A_2220 = arith.constant -1244255485 : i32
      %add3A_2221 = vector.broadcast %add3A_2220 : i32 to vector<8x2048xi32>
      %add3A_2222 = arith.addi %add3A_2211, %add3A_2221 : vector<8x2048xi32>
      %add3A_2223 = arith.constant 64467757 : i32
      %add3A_2224 = vector.broadcast %add3A_2223 : i32 to vector<8x2048xi32>
      %add3A_2225 = arith.addi %xor3A_2219, %add3A_2224 : vector<8x2048xi32>
      %add3A_2226 = arith.constant 5 : i32
      %add3A_2227 = vector.broadcast %add3A_2226 : i32 to vector<8x2048xi32>
      %add3A_2228 = arith.addi %add3A_2225, %add3A_2227 : vector<8x2048xi32>
      %xor3A_2229 = arith.xori %add3A_2222, %add3A_2228 : vector<8x2048xi32>
      %shift_right_logical3A_2230 = arith.constant 9 : i32
      %shift_right_logical3A_2231 = vector.broadcast %shift_right_logical3A_2230 : i32 to vector<8x2048xi32>
      %shift_right_logical3A_2232 = arith.shrui %xor3A_2229, %shift_right_logical3A_2231 : vector<8x2048xi32>
      %or3A_2233 = arith.constant 1065353216 : i32
      %or3A_2234 = vector.broadcast %or3A_2233 : i32 to vector<8x2048xi32>
      %or3A_2235 = arith.ori %shift_right_logical3A_2232, %or3A_2234 : vector<8x2048xi32>
      %bitcast_convert_type3A_2236 = tpu.bitcast %or3A_2235 : vector<8x2048xi32> -> vector<8x2048xf32>
      %sub3A_2237 = arith.constant 1.000000e+00 : f32
      %sub3A_2238 = vector.broadcast %sub3A_2237 : f32 to vector<8x2048xf32>
      %sub3A_2239 = arith.subf %bitcast_convert_type3A_2236, %sub3A_2238 : vector<8x2048xf32>
      %max3A_2240 = arith.constant 1.17549435E-38 : f32
      %max3A_2241 = vector.broadcast %max3A_2240 : f32 to vector<8x2048xf32>
      %max3A_2242 = arith.maximumf %sub3A_2239, %max3A_2241 : vector<8x2048xf32>
      %log3A_2243 = math.log %max3A_2242 : vector<8x2048xf32>
      %get3A_2244 = arith.index_cast %add3A_1983 : i32 to index
      %get3A_2245 = arith.constant 0 : index
      %get3A_2246 = arith.constant 0 : index
      %get3A_2247 = vector.load %arg3[%get3A_2244, %get3A_2245, %get3A_2246] : memref<490x1x2048xf32, #tpu.memory_space<vmem>>, vector<1x1x2048xf32>
      %get3A_2248 = vector.shape_cast %get3A_2247 : vector<1x1x2048xf32> to vector<1x2048xf32>
      %mul3A_2249 = vector.broadcast %get3A_2248 : vector<1x2048xf32> to vector<8x2048xf32>
      %mul3A_2250 = arith.mulf %log3A_2243, %mul3A_2249 : vector<8x2048xf32>
      %bitcast_convert_type3A_2251 = tpu.bitcast %mul3A_2250 : vector<8x2048xf32> -> vector<8x2048xi32>
      %and3A_2252 = arith.constant -512 : i32
      %and3A_2253 = vector.broadcast %and3A_2252 : i32 to vector<8x2048xi32>
      %and3A_2254 = arith.andi %bitcast_convert_type3A_2251, %and3A_2253 : vector<8x2048xi32>
      %or3A_2255 = vector.broadcast %add3A_1983 : i32 to vector<8x2048xi32>
      %or3A_2256 = arith.ori %and3A_2254, %or3A_2255 : vector<8x2048xi32>
      %bitcast_convert_type3A_2257 = tpu.bitcast %or3A_2256 : vector<8x2048xi32> -> vector<8x2048xf32>
      %min3A_2258 = arith.minimumf %min3A_1979, %bitcast_convert_type3A_2257 : vector<8x2048xf32>
      %mul3A_2259 = arith.constant 10 : i32
      %mul3A_2260 = arith.muli %scan3A_34, %mul3A_2259 : i32
      %add3A_2261 = arith.constant 8 : i32
      %add3A_2262 = arith.addi %mul3A_2260, %add3A_2261 : i32
      %mul3A_2263 = arith.constant 2048 : i32
      %mul3A_2264 = arith.muli %add3A_2262, %mul3A_2263 : i32
      %add3A_2265 = vector.broadcast %mul3A_2264 : i32 to vector<8x1xi32>
      %add3A_2266 = arith.addi %get3A_3, %add3A_2265 : vector<8x1xi32>
      %add3A_2267 = vector.broadcast %add3A_2266 : vector<8x1xi32> to vector<8x2048xi32>
      %add3A_2268 = vector.broadcast %iota3A : vector<1x2048xi32> to vector<8x2048xi32>
      %add3A_2269 = arith.addi %add3A_2267, %add3A_2268 : vector<8x2048xi32>
      %lt3A_2270 = vector.broadcast %get3A_3 : vector<8x1xi32> to vector<8x2048xi32>
      %lt3A_2271 = arith.cmpi ult, %add3A_2269, %lt3A_2270 : vector<8x2048xi32>
      %broadcast_in_dim3A_2272 = vector.shape_cast %add3A_10 : vector<8x1xi32> to vector<8x1xi32>
      %broadcast_in_dim3A_2273 = vector.broadcast %broadcast_in_dim3A_2272 : vector<8x1xi32> to vector<8x2048xi32>
      %broadcast_in_dim3A_2274 = vector.shape_cast %get3A_8 : vector<8x1xi32> to vector<8x1xi32>
      %broadcast_in_dim3A_2275 = vector.broadcast %broadcast_in_dim3A_2274 : vector<8x1xi32> to vector<8x2048xi32>
      %select_n3A_2276 = arith.select %lt3A_2271, %broadcast_in_dim3A_2273, %broadcast_in_dim3A_2275 : vector<8x2048xi1>, vector<8x2048xi32>
      %add3A_2277 = arith.constant 64467757 : i32
      %add3A_2278 = vector.broadcast %add3A_2277 : i32 to vector<8x2048xi32>
      %add3A_2279 = arith.addi %select_n3A_2276, %add3A_2278 : vector<8x2048xi32>
      %add3A_2280 = arith.constant -1378843660 : i32
      %add3A_2281 = vector.broadcast %add3A_2280 : i32 to vector<8x2048xi32>
      %add3A_2282 = arith.addi %add3A_2269, %add3A_2281 : vector<8x2048xi32>
      %add3A_2283 = arith.addi %add3A_2279, %add3A_2282 : vector<8x2048xi32>
      %shift_left3A_2284 = arith.constant 13 : i32
      %shift_left3A_2285 = vector.broadcast %shift_left3A_2284 : i32 to vector<8x2048xi32>
      %shift_left3A_2286 = arith.shli %add3A_2282, %shift_left3A_2285 : vector<8x2048xi32>
      %shift_right_logical3A_2287 = arith.constant 19 : i32
      %shift_right_logical3A_2288 = vector.broadcast %shift_right_logical3A_2287 : i32 to vector<8x2048xi32>
      %shift_right_logical3A_2289 = arith.shrui %add3A_2282, %shift_right_logical3A_2288 : vector<8x2048xi32>
      %or3A_2290 = arith.ori %shift_left3A_2286, %shift_right_logical3A_2289 : vector<8x2048xi32>
      %xor3A_2291 = arith.xori %add3A_2283, %or3A_2290 : vector<8x2048xi32>
      %add3A_2292 = arith.addi %add3A_2283, %xor3A_2291 : vector<8x2048xi32>
      %shift_left3A_2293 = arith.constant 15 : i32
      %shift_left3A_2294 = vector.broadcast %shift_left3A_2293 : i32 to vector<8x2048xi32>
      %shift_left3A_2295 = arith.shli %xor3A_2291, %shift_left3A_2294 : vector<8x2048xi32>
      %shift_right_logical3A_2296 = arith.constant 17 : i32
      %shift_right_logical3A_2297 = vector.broadcast %shift_right_logical3A_2296 : i32 to vector<8x2048xi32>
      %shift_right_logical3A_2298 = arith.shrui %xor3A_2291, %shift_right_logical3A_2297 : vector<8x2048xi32>
      %or3A_2299 = arith.ori %shift_left3A_2295, %shift_right_logical3A_2298 : vector<8x2048xi32>
      %xor3A_2300 = arith.xori %add3A_2292, %or3A_2299 : vector<8x2048xi32>
      %add3A_2301 = arith.addi %add3A_2292, %xor3A_2300 : vector<8x2048xi32>
      %shift_left3A_2302 = arith.constant 26 : i32
      %shift_left3A_2303 = vector.broadcast %shift_left3A_2302 : i32 to vector<8x2048xi32>
      %shift_left3A_2304 = arith.shli %xor3A_2300, %shift_left3A_2303 : vector<8x2048xi32>
      %shift_right_logical3A_2305 = arith.constant 6 : i32
      %shift_right_logical3A_2306 = vector.broadcast %shift_right_logical3A_2305 : i32 to vector<8x2048xi32>
      %shift_right_logical3A_2307 = arith.shrui %xor3A_2300, %shift_right_logical3A_2306 : vector<8x2048xi32>
      %or3A_2308 = arith.ori %shift_left3A_2304, %shift_right_logical3A_2307 : vector<8x2048xi32>
      %xor3A_2309 = arith.xori %add3A_2301, %or3A_2308 : vector<8x2048xi32>
      %add3A_2310 = arith.addi %add3A_2301, %xor3A_2309 : vector<8x2048xi32>
      %shift_left3A_2311 = arith.constant 6 : i32
      %shift_left3A_2312 = vector.broadcast %shift_left3A_2311 : i32 to vector<8x2048xi32>
      %shift_left3A_2313 = arith.shli %xor3A_2309, %shift_left3A_2312 : vector<8x2048xi32>
      %shift_right_logical3A_2314 = arith.constant 26 : i32
      %shift_right_logical3A_2315 = vector.broadcast %shift_right_logical3A_2314 : i32 to vector<8x2048xi32>
      %shift_right_logical3A_2316 = arith.shrui %xor3A_2309, %shift_right_logical3A_2315 : vector<8x2048xi32>
      %or3A_2317 = arith.ori %shift_left3A_2313, %shift_right_logical3A_2316 : vector<8x2048xi32>
      %xor3A_2318 = arith.xori %add3A_2310, %or3A_2317 : vector<8x2048xi32>
      %add3A_2319 = arith.constant -1378843660 : i32
      %add3A_2320 = vector.broadcast %add3A_2319 : i32 to vector<8x2048xi32>
      %add3A_2321 = arith.addi %add3A_2310, %add3A_2320 : vector<8x2048xi32>
      %add3A_2322 = arith.constant -1244255485 : i32
      %add3A_2323 = vector.broadcast %add3A_2322 : i32 to vector<8x2048xi32>
      %add3A_2324 = arith.addi %xor3A_2318, %add3A_2323 : vector<8x2048xi32>
      %add3A_2325 = arith.constant 1 : i32
      %add3A_2326 = vector.broadcast %add3A_2325 : i32 to vector<8x2048xi32>
      %add3A_2327 = arith.addi %add3A_2324, %add3A_2326 : vector<8x2048xi32>
      %add3A_2328 = arith.addi %add3A_2321, %add3A_2327 : vector<8x2048xi32>
      %shift_left3A_2329 = arith.constant 17 : i32
      %shift_left3A_2330 = vector.broadcast %shift_left3A_2329 : i32 to vector<8x2048xi32>
      %shift_left3A_2331 = arith.shli %add3A_2327, %shift_left3A_2330 : vector<8x2048xi32>
      %shift_right_logical3A_2332 = arith.constant 15 : i32
      %shift_right_logical3A_2333 = vector.broadcast %shift_right_logical3A_2332 : i32 to vector<8x2048xi32>
      %shift_right_logical3A_2334 = arith.shrui %add3A_2327, %shift_right_logical3A_2333 : vector<8x2048xi32>
      %or3A_2335 = arith.ori %shift_left3A_2331, %shift_right_logical3A_2334 : vector<8x2048xi32>
      %xor3A_2336 = arith.xori %add3A_2328, %or3A_2335 : vector<8x2048xi32>
      %add3A_2337 = arith.addi %add3A_2328, %xor3A_2336 : vector<8x2048xi32>
      %shift_left3A_2338 = arith.constant 29 : i32
      %shift_left3A_2339 = vector.broadcast %shift_left3A_2338 : i32 to vector<8x2048xi32>
      %shift_left3A_2340 = arith.shli %xor3A_2336, %shift_left3A_2339 : vector<8x2048xi32>
      %shift_right_logical3A_2341 = arith.constant 3 : i32
      %shift_right_logical3A_2342 = vector.broadcast %shift_right_logical3A_2341 : i32 to vector<8x2048xi32>
      %shift_right_logical3A_2343 = arith.shrui %xor3A_2336, %shift_right_logical3A_2342 : vector<8x2048xi32>
      %or3A_2344 = arith.ori %shift_left3A_2340, %shift_right_logical3A_2343 : vector<8x2048xi32>
      %xor3A_2345 = arith.xori %add3A_2337, %or3A_2344 : vector<8x2048xi32>
      %add3A_2346 = arith.addi %add3A_2337, %xor3A_2345 : vector<8x2048xi32>
      %shift_left3A_2347 = arith.constant 16 : i32
      %shift_left3A_2348 = vector.broadcast %shift_left3A_2347 : i32 to vector<8x2048xi32>
      %shift_left3A_2349 = arith.shli %xor3A_2345, %shift_left3A_2348 : vector<8x2048xi32>
      %shift_right_logical3A_2350 = arith.constant 16 : i32
      %shift_right_logical3A_2351 = vector.broadcast %shift_right_logical3A_2350 : i32 to vector<8x2048xi32>
      %shift_right_logical3A_2352 = arith.shrui %xor3A_2345, %shift_right_logical3A_2351 : vector<8x2048xi32>
      %or3A_2353 = arith.ori %shift_left3A_2349, %shift_right_logical3A_2352 : vector<8x2048xi32>
      %xor3A_2354 = arith.xori %add3A_2346, %or3A_2353 : vector<8x2048xi32>
      %add3A_2355 = arith.addi %add3A_2346, %xor3A_2354 : vector<8x2048xi32>
      %shift_left3A_2356 = arith.constant 24 : i32
      %shift_left3A_2357 = vector.broadcast %shift_left3A_2356 : i32 to vector<8x2048xi32>
      %shift_left3A_2358 = arith.shli %xor3A_2354, %shift_left3A_2357 : vector<8x2048xi32>
      %shift_right_logical3A_2359 = arith.constant 8 : i32
      %shift_right_logical3A_2360 = vector.broadcast %shift_right_logical3A_2359 : i32 to vector<8x2048xi32>
      %shift_right_logical3A_2361 = arith.shrui %xor3A_2354, %shift_right_logical3A_2360 : vector<8x2048xi32>
      %or3A_2362 = arith.ori %shift_left3A_2358, %shift_right_logical3A_2361 : vector<8x2048xi32>
      %xor3A_2363 = arith.xori %add3A_2355, %or3A_2362 : vector<8x2048xi32>
      %add3A_2364 = arith.constant -1244255485 : i32
      %add3A_2365 = vector.broadcast %add3A_2364 : i32 to vector<8x2048xi32>
      %add3A_2366 = arith.addi %add3A_2355, %add3A_2365 : vector<8x2048xi32>
      %add3A_2367 = arith.constant 64467757 : i32
      %add3A_2368 = vector.broadcast %add3A_2367 : i32 to vector<8x2048xi32>
      %add3A_2369 = arith.addi %xor3A_2363, %add3A_2368 : vector<8x2048xi32>
      %add3A_2370 = arith.constant 2 : i32
      %add3A_2371 = vector.broadcast %add3A_2370 : i32 to vector<8x2048xi32>
      %add3A_2372 = arith.addi %add3A_2369, %add3A_2371 : vector<8x2048xi32>
      %add3A_2373 = arith.addi %add3A_2366, %add3A_2372 : vector<8x2048xi32>
      %shift_left3A_2374 = arith.constant 13 : i32
      %shift_left3A_2375 = vector.broadcast %shift_left3A_2374 : i32 to vector<8x2048xi32>
      %shift_left3A_2376 = arith.shli %add3A_2372, %shift_left3A_2375 : vector<8x2048xi32>
      %shift_right_logical3A_2377 = arith.constant 19 : i32
      %shift_right_logical3A_2378 = vector.broadcast %shift_right_logical3A_2377 : i32 to vector<8x2048xi32>
      %shift_right_logical3A_2379 = arith.shrui %add3A_2372, %shift_right_logical3A_2378 : vector<8x2048xi32>
      %or3A_2380 = arith.ori %shift_left3A_2376, %shift_right_logical3A_2379 : vector<8x2048xi32>
      %xor3A_2381 = arith.xori %add3A_2373, %or3A_2380 : vector<8x2048xi32>
      %add3A_2382 = arith.addi %add3A_2373, %xor3A_2381 : vector<8x2048xi32>
      %shift_left3A_2383 = arith.constant 15 : i32
      %shift_left3A_2384 = vector.broadcast %shift_left3A_2383 : i32 to vector<8x2048xi32>
      %shift_left3A_2385 = arith.shli %xor3A_2381, %shift_left3A_2384 : vector<8x2048xi32>
      %shift_right_logical3A_2386 = arith.constant 17 : i32
      %shift_right_logical3A_2387 = vector.broadcast %shift_right_logical3A_2386 : i32 to vector<8x2048xi32>
      %shift_right_logical3A_2388 = arith.shrui %xor3A_2381, %shift_right_logical3A_2387 : vector<8x2048xi32>
      %or3A_2389 = arith.ori %shift_left3A_2385, %shift_right_logical3A_2388 : vector<8x2048xi32>
      %xor3A_2390 = arith.xori %add3A_2382, %or3A_2389 : vector<8x2048xi32>
      %add3A_2391 = arith.addi %add3A_2382, %xor3A_2390 : vector<8x2048xi32>
      %shift_left3A_2392 = arith.constant 26 : i32
      %shift_left3A_2393 = vector.broadcast %shift_left3A_2392 : i32 to vector<8x2048xi32>
      %shift_left3A_2394 = arith.shli %xor3A_2390, %shift_left3A_2393 : vector<8x2048xi32>
      %shift_right_logical3A_2395 = arith.constant 6 : i32
      %shift_right_logical3A_2396 = vector.broadcast %shift_right_logical3A_2395 : i32 to vector<8x2048xi32>
      %shift_right_logical3A_2397 = arith.shrui %xor3A_2390, %shift_right_logical3A_2396 : vector<8x2048xi32>
      %or3A_2398 = arith.ori %shift_left3A_2394, %shift_right_logical3A_2397 : vector<8x2048xi32>
      %xor3A_2399 = arith.xori %add3A_2391, %or3A_2398 : vector<8x2048xi32>
      %add3A_2400 = arith.addi %add3A_2391, %xor3A_2399 : vector<8x2048xi32>
      %shift_left3A_2401 = arith.constant 6 : i32
      %shift_left3A_2402 = vector.broadcast %shift_left3A_2401 : i32 to vector<8x2048xi32>
      %shift_left3A_2403 = arith.shli %xor3A_2399, %shift_left3A_2402 : vector<8x2048xi32>
      %shift_right_logical3A_2404 = arith.constant 26 : i32
      %shift_right_logical3A_2405 = vector.broadcast %shift_right_logical3A_2404 : i32 to vector<8x2048xi32>
      %shift_right_logical3A_2406 = arith.shrui %xor3A_2399, %shift_right_logical3A_2405 : vector<8x2048xi32>
      %or3A_2407 = arith.ori %shift_left3A_2403, %shift_right_logical3A_2406 : vector<8x2048xi32>
      %xor3A_2408 = arith.xori %add3A_2400, %or3A_2407 : vector<8x2048xi32>
      %add3A_2409 = arith.constant 64467757 : i32
      %add3A_2410 = vector.broadcast %add3A_2409 : i32 to vector<8x2048xi32>
      %add3A_2411 = arith.addi %add3A_2400, %add3A_2410 : vector<8x2048xi32>
      %add3A_2412 = arith.constant -1378843660 : i32
      %add3A_2413 = vector.broadcast %add3A_2412 : i32 to vector<8x2048xi32>
      %add3A_2414 = arith.addi %xor3A_2408, %add3A_2413 : vector<8x2048xi32>
      %add3A_2415 = arith.constant 3 : i32
      %add3A_2416 = vector.broadcast %add3A_2415 : i32 to vector<8x2048xi32>
      %add3A_2417 = arith.addi %add3A_2414, %add3A_2416 : vector<8x2048xi32>
      %add3A_2418 = arith.addi %add3A_2411, %add3A_2417 : vector<8x2048xi32>
      %shift_left3A_2419 = arith.constant 17 : i32
      %shift_left3A_2420 = vector.broadcast %shift_left3A_2419 : i32 to vector<8x2048xi32>
      %shift_left3A_2421 = arith.shli %add3A_2417, %shift_left3A_2420 : vector<8x2048xi32>
      %shift_right_logical3A_2422 = arith.constant 15 : i32
      %shift_right_logical3A_2423 = vector.broadcast %shift_right_logical3A_2422 : i32 to vector<8x2048xi32>
      %shift_right_logical3A_2424 = arith.shrui %add3A_2417, %shift_right_logical3A_2423 : vector<8x2048xi32>
      %or3A_2425 = arith.ori %shift_left3A_2421, %shift_right_logical3A_2424 : vector<8x2048xi32>
      %xor3A_2426 = arith.xori %add3A_2418, %or3A_2425 : vector<8x2048xi32>
      %add3A_2427 = arith.addi %add3A_2418, %xor3A_2426 : vector<8x2048xi32>
      %shift_left3A_2428 = arith.constant 29 : i32
      %shift_left3A_2429 = vector.broadcast %shift_left3A_2428 : i32 to vector<8x2048xi32>
      %shift_left3A_2430 = arith.shli %xor3A_2426, %shift_left3A_2429 : vector<8x2048xi32>
      %shift_right_logical3A_2431 = arith.constant 3 : i32
      %shift_right_logical3A_2432 = vector.broadcast %shift_right_logical3A_2431 : i32 to vector<8x2048xi32>
      %shift_right_logical3A_2433 = arith.shrui %xor3A_2426, %shift_right_logical3A_2432 : vector<8x2048xi32>
      %or3A_2434 = arith.ori %shift_left3A_2430, %shift_right_logical3A_2433 : vector<8x2048xi32>
      %xor3A_2435 = arith.xori %add3A_2427, %or3A_2434 : vector<8x2048xi32>
      %add3A_2436 = arith.addi %add3A_2427, %xor3A_2435 : vector<8x2048xi32>
      %shift_left3A_2437 = arith.constant 16 : i32
      %shift_left3A_2438 = vector.broadcast %shift_left3A_2437 : i32 to vector<8x2048xi32>
      %shift_left3A_2439 = arith.shli %xor3A_2435, %shift_left3A_2438 : vector<8x2048xi32>
      %shift_right_logical3A_2440 = arith.constant 16 : i32
      %shift_right_logical3A_2441 = vector.broadcast %shift_right_logical3A_2440 : i32 to vector<8x2048xi32>
      %shift_right_logical3A_2442 = arith.shrui %xor3A_2435, %shift_right_logical3A_2441 : vector<8x2048xi32>
      %or3A_2443 = arith.ori %shift_left3A_2439, %shift_right_logical3A_2442 : vector<8x2048xi32>
      %xor3A_2444 = arith.xori %add3A_2436, %or3A_2443 : vector<8x2048xi32>
      %add3A_2445 = arith.addi %add3A_2436, %xor3A_2444 : vector<8x2048xi32>
      %shift_left3A_2446 = arith.constant 24 : i32
      %shift_left3A_2447 = vector.broadcast %shift_left3A_2446 : i32 to vector<8x2048xi32>
      %shift_left3A_2448 = arith.shli %xor3A_2444, %shift_left3A_2447 : vector<8x2048xi32>
      %shift_right_logical3A_2449 = arith.constant 8 : i32
      %shift_right_logical3A_2450 = vector.broadcast %shift_right_logical3A_2449 : i32 to vector<8x2048xi32>
      %shift_right_logical3A_2451 = arith.shrui %xor3A_2444, %shift_right_logical3A_2450 : vector<8x2048xi32>
      %or3A_2452 = arith.ori %shift_left3A_2448, %shift_right_logical3A_2451 : vector<8x2048xi32>
      %xor3A_2453 = arith.xori %add3A_2445, %or3A_2452 : vector<8x2048xi32>
      %add3A_2454 = arith.constant -1378843660 : i32
      %add3A_2455 = vector.broadcast %add3A_2454 : i32 to vector<8x2048xi32>
      %add3A_2456 = arith.addi %add3A_2445, %add3A_2455 : vector<8x2048xi32>
      %add3A_2457 = arith.constant -1244255485 : i32
      %add3A_2458 = vector.broadcast %add3A_2457 : i32 to vector<8x2048xi32>
      %add3A_2459 = arith.addi %xor3A_2453, %add3A_2458 : vector<8x2048xi32>
      %add3A_2460 = arith.constant 4 : i32
      %add3A_2461 = vector.broadcast %add3A_2460 : i32 to vector<8x2048xi32>
      %add3A_2462 = arith.addi %add3A_2459, %add3A_2461 : vector<8x2048xi32>
      %add3A_2463 = arith.addi %add3A_2456, %add3A_2462 : vector<8x2048xi32>
      %shift_left3A_2464 = arith.constant 13 : i32
      %shift_left3A_2465 = vector.broadcast %shift_left3A_2464 : i32 to vector<8x2048xi32>
      %shift_left3A_2466 = arith.shli %add3A_2462, %shift_left3A_2465 : vector<8x2048xi32>
      %shift_right_logical3A_2467 = arith.constant 19 : i32
      %shift_right_logical3A_2468 = vector.broadcast %shift_right_logical3A_2467 : i32 to vector<8x2048xi32>
      %shift_right_logical3A_2469 = arith.shrui %add3A_2462, %shift_right_logical3A_2468 : vector<8x2048xi32>
      %or3A_2470 = arith.ori %shift_left3A_2466, %shift_right_logical3A_2469 : vector<8x2048xi32>
      %xor3A_2471 = arith.xori %add3A_2463, %or3A_2470 : vector<8x2048xi32>
      %add3A_2472 = arith.addi %add3A_2463, %xor3A_2471 : vector<8x2048xi32>
      %shift_left3A_2473 = arith.constant 15 : i32
      %shift_left3A_2474 = vector.broadcast %shift_left3A_2473 : i32 to vector<8x2048xi32>
      %shift_left3A_2475 = arith.shli %xor3A_2471, %shift_left3A_2474 : vector<8x2048xi32>
      %shift_right_logical3A_2476 = arith.constant 17 : i32
      %shift_right_logical3A_2477 = vector.broadcast %shift_right_logical3A_2476 : i32 to vector<8x2048xi32>
      %shift_right_logical3A_2478 = arith.shrui %xor3A_2471, %shift_right_logical3A_2477 : vector<8x2048xi32>
      %or3A_2479 = arith.ori %shift_left3A_2475, %shift_right_logical3A_2478 : vector<8x2048xi32>
      %xor3A_2480 = arith.xori %add3A_2472, %or3A_2479 : vector<8x2048xi32>
      %add3A_2481 = arith.addi %add3A_2472, %xor3A_2480 : vector<8x2048xi32>
      %shift_left3A_2482 = arith.constant 26 : i32
      %shift_left3A_2483 = vector.broadcast %shift_left3A_2482 : i32 to vector<8x2048xi32>
      %shift_left3A_2484 = arith.shli %xor3A_2480, %shift_left3A_2483 : vector<8x2048xi32>
      %shift_right_logical3A_2485 = arith.constant 6 : i32
      %shift_right_logical3A_2486 = vector.broadcast %shift_right_logical3A_2485 : i32 to vector<8x2048xi32>
      %shift_right_logical3A_2487 = arith.shrui %xor3A_2480, %shift_right_logical3A_2486 : vector<8x2048xi32>
      %or3A_2488 = arith.ori %shift_left3A_2484, %shift_right_logical3A_2487 : vector<8x2048xi32>
      %xor3A_2489 = arith.xori %add3A_2481, %or3A_2488 : vector<8x2048xi32>
      %add3A_2490 = arith.addi %add3A_2481, %xor3A_2489 : vector<8x2048xi32>
      %shift_left3A_2491 = arith.constant 6 : i32
      %shift_left3A_2492 = vector.broadcast %shift_left3A_2491 : i32 to vector<8x2048xi32>
      %shift_left3A_2493 = arith.shli %xor3A_2489, %shift_left3A_2492 : vector<8x2048xi32>
      %shift_right_logical3A_2494 = arith.constant 26 : i32
      %shift_right_logical3A_2495 = vector.broadcast %shift_right_logical3A_2494 : i32 to vector<8x2048xi32>
      %shift_right_logical3A_2496 = arith.shrui %xor3A_2489, %shift_right_logical3A_2495 : vector<8x2048xi32>
      %or3A_2497 = arith.ori %shift_left3A_2493, %shift_right_logical3A_2496 : vector<8x2048xi32>
      %xor3A_2498 = arith.xori %add3A_2490, %or3A_2497 : vector<8x2048xi32>
      %add3A_2499 = arith.constant -1244255485 : i32
      %add3A_2500 = vector.broadcast %add3A_2499 : i32 to vector<8x2048xi32>
      %add3A_2501 = arith.addi %add3A_2490, %add3A_2500 : vector<8x2048xi32>
      %add3A_2502 = arith.constant 64467757 : i32
      %add3A_2503 = vector.broadcast %add3A_2502 : i32 to vector<8x2048xi32>
      %add3A_2504 = arith.addi %xor3A_2498, %add3A_2503 : vector<8x2048xi32>
      %add3A_2505 = arith.constant 5 : i32
      %add3A_2506 = vector.broadcast %add3A_2505 : i32 to vector<8x2048xi32>
      %add3A_2507 = arith.addi %add3A_2504, %add3A_2506 : vector<8x2048xi32>
      %xor3A_2508 = arith.xori %add3A_2501, %add3A_2507 : vector<8x2048xi32>
      %shift_right_logical3A_2509 = arith.constant 9 : i32
      %shift_right_logical3A_2510 = vector.broadcast %shift_right_logical3A_2509 : i32 to vector<8x2048xi32>
      %shift_right_logical3A_2511 = arith.shrui %xor3A_2508, %shift_right_logical3A_2510 : vector<8x2048xi32>
      %or3A_2512 = arith.constant 1065353216 : i32
      %or3A_2513 = vector.broadcast %or3A_2512 : i32 to vector<8x2048xi32>
      %or3A_2514 = arith.ori %shift_right_logical3A_2511, %or3A_2513 : vector<8x2048xi32>
      %bitcast_convert_type3A_2515 = tpu.bitcast %or3A_2514 : vector<8x2048xi32> -> vector<8x2048xf32>
      %sub3A_2516 = arith.constant 1.000000e+00 : f32
      %sub3A_2517 = vector.broadcast %sub3A_2516 : f32 to vector<8x2048xf32>
      %sub3A_2518 = arith.subf %bitcast_convert_type3A_2515, %sub3A_2517 : vector<8x2048xf32>
      %max3A_2519 = arith.constant 1.17549435E-38 : f32
      %max3A_2520 = vector.broadcast %max3A_2519 : f32 to vector<8x2048xf32>
      %max3A_2521 = arith.maximumf %sub3A_2518, %max3A_2520 : vector<8x2048xf32>
      %log3A_2522 = math.log %max3A_2521 : vector<8x2048xf32>
      %get3A_2523 = arith.index_cast %add3A_2262 : i32 to index
      %get3A_2524 = arith.constant 0 : index
      %get3A_2525 = arith.constant 0 : index
      %get3A_2526 = vector.load %arg3[%get3A_2523, %get3A_2524, %get3A_2525] : memref<490x1x2048xf32, #tpu.memory_space<vmem>>, vector<1x1x2048xf32>
      %get3A_2527 = vector.shape_cast %get3A_2526 : vector<1x1x2048xf32> to vector<1x2048xf32>
      %mul3A_2528 = vector.broadcast %get3A_2527 : vector<1x2048xf32> to vector<8x2048xf32>
      %mul3A_2529 = arith.mulf %log3A_2522, %mul3A_2528 : vector<8x2048xf32>
      %bitcast_convert_type3A_2530 = tpu.bitcast %mul3A_2529 : vector<8x2048xf32> -> vector<8x2048xi32>
      %and3A_2531 = arith.constant -512 : i32
      %and3A_2532 = vector.broadcast %and3A_2531 : i32 to vector<8x2048xi32>
      %and3A_2533 = arith.andi %bitcast_convert_type3A_2530, %and3A_2532 : vector<8x2048xi32>
      %or3A_2534 = vector.broadcast %add3A_2262 : i32 to vector<8x2048xi32>
      %or3A_2535 = arith.ori %and3A_2533, %or3A_2534 : vector<8x2048xi32>
      %bitcast_convert_type3A_2536 = tpu.bitcast %or3A_2535 : vector<8x2048xi32> -> vector<8x2048xf32>
      %min3A_2537 = arith.minimumf %min3A_2258, %bitcast_convert_type3A_2536 : vector<8x2048xf32>
      %mul3A_2538 = arith.constant 10 : i32
      %mul3A_2539 = arith.muli %scan3A_34, %mul3A_2538 : i32
      %add3A_2540 = arith.constant 9 : i32
      %add3A_2541 = arith.addi %mul3A_2539, %add3A_2540 : i32
      %mul3A_2542 = arith.constant 2048 : i32
      %mul3A_2543 = arith.muli %add3A_2541, %mul3A_2542 : i32
      %add3A_2544 = vector.broadcast %mul3A_2543 : i32 to vector<8x1xi32>
      %add3A_2545 = arith.addi %get3A_3, %add3A_2544 : vector<8x1xi32>
      %add3A_2546 = vector.broadcast %add3A_2545 : vector<8x1xi32> to vector<8x2048xi32>
      %add3A_2547 = vector.broadcast %iota3A : vector<1x2048xi32> to vector<8x2048xi32>
      %add3A_2548 = arith.addi %add3A_2546, %add3A_2547 : vector<8x2048xi32>
      %lt3A_2549 = vector.broadcast %get3A_3 : vector<8x1xi32> to vector<8x2048xi32>
      %lt3A_2550 = arith.cmpi ult, %add3A_2548, %lt3A_2549 : vector<8x2048xi32>
      %broadcast_in_dim3A_2551 = vector.shape_cast %add3A_10 : vector<8x1xi32> to vector<8x1xi32>
      %broadcast_in_dim3A_2552 = vector.broadcast %broadcast_in_dim3A_2551 : vector<8x1xi32> to vector<8x2048xi32>
      %broadcast_in_dim3A_2553 = vector.shape_cast %get3A_8 : vector<8x1xi32> to vector<8x1xi32>
      %broadcast_in_dim3A_2554 = vector.broadcast %broadcast_in_dim3A_2553 : vector<8x1xi32> to vector<8x2048xi32>
      %select_n3A_2555 = arith.select %lt3A_2550, %broadcast_in_dim3A_2552, %broadcast_in_dim3A_2554 : vector<8x2048xi1>, vector<8x2048xi32>
      %add3A_2556 = arith.constant 64467757 : i32
      %add3A_2557 = vector.broadcast %add3A_2556 : i32 to vector<8x2048xi32>
      %add3A_2558 = arith.addi %select_n3A_2555, %add3A_2557 : vector<8x2048xi32>
      %add3A_2559 = arith.constant -1378843660 : i32
      %add3A_2560 = vector.broadcast %add3A_2559 : i32 to vector<8x2048xi32>
      %add3A_2561 = arith.addi %add3A_2548, %add3A_2560 : vector<8x2048xi32>
      %add3A_2562 = arith.addi %add3A_2558, %add3A_2561 : vector<8x2048xi32>
      %shift_left3A_2563 = arith.constant 13 : i32
      %shift_left3A_2564 = vector.broadcast %shift_left3A_2563 : i32 to vector<8x2048xi32>
      %shift_left3A_2565 = arith.shli %add3A_2561, %shift_left3A_2564 : vector<8x2048xi32>
      %shift_right_logical3A_2566 = arith.constant 19 : i32
      %shift_right_logical3A_2567 = vector.broadcast %shift_right_logical3A_2566 : i32 to vector<8x2048xi32>
      %shift_right_logical3A_2568 = arith.shrui %add3A_2561, %shift_right_logical3A_2567 : vector<8x2048xi32>
      %or3A_2569 = arith.ori %shift_left3A_2565, %shift_right_logical3A_2568 : vector<8x2048xi32>
      %xor3A_2570 = arith.xori %add3A_2562, %or3A_2569 : vector<8x2048xi32>
      %add3A_2571 = arith.addi %add3A_2562, %xor3A_2570 : vector<8x2048xi32>
      %shift_left3A_2572 = arith.constant 15 : i32
      %shift_left3A_2573 = vector.broadcast %shift_left3A_2572 : i32 to vector<8x2048xi32>
      %shift_left3A_2574 = arith.shli %xor3A_2570, %shift_left3A_2573 : vector<8x2048xi32>
      %shift_right_logical3A_2575 = arith.constant 17 : i32
      %shift_right_logical3A_2576 = vector.broadcast %shift_right_logical3A_2575 : i32 to vector<8x2048xi32>
      %shift_right_logical3A_2577 = arith.shrui %xor3A_2570, %shift_right_logical3A_2576 : vector<8x2048xi32>
      %or3A_2578 = arith.ori %shift_left3A_2574, %shift_right_logical3A_2577 : vector<8x2048xi32>
      %xor3A_2579 = arith.xori %add3A_2571, %or3A_2578 : vector<8x2048xi32>
      %add3A_2580 = arith.addi %add3A_2571, %xor3A_2579 : vector<8x2048xi32>
      %shift_left3A_2581 = arith.constant 26 : i32
      %shift_left3A_2582 = vector.broadcast %shift_left3A_2581 : i32 to vector<8x2048xi32>
      %shift_left3A_2583 = arith.shli %xor3A_2579, %shift_left3A_2582 : vector<8x2048xi32>
      %shift_right_logical3A_2584 = arith.constant 6 : i32
      %shift_right_logical3A_2585 = vector.broadcast %shift_right_logical3A_2584 : i32 to vector<8x2048xi32>
      %shift_right_logical3A_2586 = arith.shrui %xor3A_2579, %shift_right_logical3A_2585 : vector<8x2048xi32>
      %or3A_2587 = arith.ori %shift_left3A_2583, %shift_right_logical3A_2586 : vector<8x2048xi32>
      %xor3A_2588 = arith.xori %add3A_2580, %or3A_2587 : vector<8x2048xi32>
      %add3A_2589 = arith.addi %add3A_2580, %xor3A_2588 : vector<8x2048xi32>
      %shift_left3A_2590 = arith.constant 6 : i32
      %shift_left3A_2591 = vector.broadcast %shift_left3A_2590 : i32 to vector<8x2048xi32>
      %shift_left3A_2592 = arith.shli %xor3A_2588, %shift_left3A_2591 : vector<8x2048xi32>
      %shift_right_logical3A_2593 = arith.constant 26 : i32
      %shift_right_logical3A_2594 = vector.broadcast %shift_right_logical3A_2593 : i32 to vector<8x2048xi32>
      %shift_right_logical3A_2595 = arith.shrui %xor3A_2588, %shift_right_logical3A_2594 : vector<8x2048xi32>
      %or3A_2596 = arith.ori %shift_left3A_2592, %shift_right_logical3A_2595 : vector<8x2048xi32>
      %xor3A_2597 = arith.xori %add3A_2589, %or3A_2596 : vector<8x2048xi32>
      %add3A_2598 = arith.constant -1378843660 : i32
      %add3A_2599 = vector.broadcast %add3A_2598 : i32 to vector<8x2048xi32>
      %add3A_2600 = arith.addi %add3A_2589, %add3A_2599 : vector<8x2048xi32>
      %add3A_2601 = arith.constant -1244255485 : i32
      %add3A_2602 = vector.broadcast %add3A_2601 : i32 to vector<8x2048xi32>
      %add3A_2603 = arith.addi %xor3A_2597, %add3A_2602 : vector<8x2048xi32>
      %add3A_2604 = arith.constant 1 : i32
      %add3A_2605 = vector.broadcast %add3A_2604 : i32 to vector<8x2048xi32>
      %add3A_2606 = arith.addi %add3A_2603, %add3A_2605 : vector<8x2048xi32>
      %add3A_2607 = arith.addi %add3A_2600, %add3A_2606 : vector<8x2048xi32>
      %shift_left3A_2608 = arith.constant 17 : i32
      %shift_left3A_2609 = vector.broadcast %shift_left3A_2608 : i32 to vector<8x2048xi32>
      %shift_left3A_2610 = arith.shli %add3A_2606, %shift_left3A_2609 : vector<8x2048xi32>
      %shift_right_logical3A_2611 = arith.constant 15 : i32
      %shift_right_logical3A_2612 = vector.broadcast %shift_right_logical3A_2611 : i32 to vector<8x2048xi32>
      %shift_right_logical3A_2613 = arith.shrui %add3A_2606, %shift_right_logical3A_2612 : vector<8x2048xi32>
      %or3A_2614 = arith.ori %shift_left3A_2610, %shift_right_logical3A_2613 : vector<8x2048xi32>
      %xor3A_2615 = arith.xori %add3A_2607, %or3A_2614 : vector<8x2048xi32>
      %add3A_2616 = arith.addi %add3A_2607, %xor3A_2615 : vector<8x2048xi32>
      %shift_left3A_2617 = arith.constant 29 : i32
      %shift_left3A_2618 = vector.broadcast %shift_left3A_2617 : i32 to vector<8x2048xi32>
      %shift_left3A_2619 = arith.shli %xor3A_2615, %shift_left3A_2618 : vector<8x2048xi32>
      %shift_right_logical3A_2620 = arith.constant 3 : i32
      %shift_right_logical3A_2621 = vector.broadcast %shift_right_logical3A_2620 : i32 to vector<8x2048xi32>
      %shift_right_logical3A_2622 = arith.shrui %xor3A_2615, %shift_right_logical3A_2621 : vector<8x2048xi32>
      %or3A_2623 = arith.ori %shift_left3A_2619, %shift_right_logical3A_2622 : vector<8x2048xi32>
      %xor3A_2624 = arith.xori %add3A_2616, %or3A_2623 : vector<8x2048xi32>
      %add3A_2625 = arith.addi %add3A_2616, %xor3A_2624 : vector<8x2048xi32>
      %shift_left3A_2626 = arith.constant 16 : i32
      %shift_left3A_2627 = vector.broadcast %shift_left3A_2626 : i32 to vector<8x2048xi32>
      %shift_left3A_2628 = arith.shli %xor3A_2624, %shift_left3A_2627 : vector<8x2048xi32>
      %shift_right_logical3A_2629 = arith.constant 16 : i32
      %shift_right_logical3A_2630 = vector.broadcast %shift_right_logical3A_2629 : i32 to vector<8x2048xi32>
      %shift_right_logical3A_2631 = arith.shrui %xor3A_2624, %shift_right_logical3A_2630 : vector<8x2048xi32>
      %or3A_2632 = arith.ori %shift_left3A_2628, %shift_right_logical3A_2631 : vector<8x2048xi32>
      %xor3A_2633 = arith.xori %add3A_2625, %or3A_2632 : vector<8x2048xi32>
      %add3A_2634 = arith.addi %add3A_2625, %xor3A_2633 : vector<8x2048xi32>
      %shift_left3A_2635 = arith.constant 24 : i32
      %shift_left3A_2636 = vector.broadcast %shift_left3A_2635 : i32 to vector<8x2048xi32>
      %shift_left3A_2637 = arith.shli %xor3A_2633, %shift_left3A_2636 : vector<8x2048xi32>
      %shift_right_logical3A_2638 = arith.constant 8 : i32
      %shift_right_logical3A_2639 = vector.broadcast %shift_right_logical3A_2638 : i32 to vector<8x2048xi32>
      %shift_right_logical3A_2640 = arith.shrui %xor3A_2633, %shift_right_logical3A_2639 : vector<8x2048xi32>
      %or3A_2641 = arith.ori %shift_left3A_2637, %shift_right_logical3A_2640 : vector<8x2048xi32>
      %xor3A_2642 = arith.xori %add3A_2634, %or3A_2641 : vector<8x2048xi32>
      %add3A_2643 = arith.constant -1244255485 : i32
      %add3A_2644 = vector.broadcast %add3A_2643 : i32 to vector<8x2048xi32>
      %add3A_2645 = arith.addi %add3A_2634, %add3A_2644 : vector<8x2048xi32>
      %add3A_2646 = arith.constant 64467757 : i32
      %add3A_2647 = vector.broadcast %add3A_2646 : i32 to vector<8x2048xi32>
      %add3A_2648 = arith.addi %xor3A_2642, %add3A_2647 : vector<8x2048xi32>
      %add3A_2649 = arith.constant 2 : i32
      %add3A_2650 = vector.broadcast %add3A_2649 : i32 to vector<8x2048xi32>
      %add3A_2651 = arith.addi %add3A_2648, %add3A_2650 : vector<8x2048xi32>
      %add3A_2652 = arith.addi %add3A_2645, %add3A_2651 : vector<8x2048xi32>
      %shift_left3A_2653 = arith.constant 13 : i32
      %shift_left3A_2654 = vector.broadcast %shift_left3A_2653 : i32 to vector<8x2048xi32>
      %shift_left3A_2655 = arith.shli %add3A_2651, %shift_left3A_2654 : vector<8x2048xi32>
      %shift_right_logical3A_2656 = arith.constant 19 : i32
      %shift_right_logical3A_2657 = vector.broadcast %shift_right_logical3A_2656 : i32 to vector<8x2048xi32>
      %shift_right_logical3A_2658 = arith.shrui %add3A_2651, %shift_right_logical3A_2657 : vector<8x2048xi32>
      %or3A_2659 = arith.ori %shift_left3A_2655, %shift_right_logical3A_2658 : vector<8x2048xi32>
      %xor3A_2660 = arith.xori %add3A_2652, %or3A_2659 : vector<8x2048xi32>
      %add3A_2661 = arith.addi %add3A_2652, %xor3A_2660 : vector<8x2048xi32>
      %shift_left3A_2662 = arith.constant 15 : i32
      %shift_left3A_2663 = vector.broadcast %shift_left3A_2662 : i32 to vector<8x2048xi32>
      %shift_left3A_2664 = arith.shli %xor3A_2660, %shift_left3A_2663 : vector<8x2048xi32>
      %shift_right_logical3A_2665 = arith.constant 17 : i32
      %shift_right_logical3A_2666 = vector.broadcast %shift_right_logical3A_2665 : i32 to vector<8x2048xi32>
      %shift_right_logical3A_2667 = arith.shrui %xor3A_2660, %shift_right_logical3A_2666 : vector<8x2048xi32>
      %or3A_2668 = arith.ori %shift_left3A_2664, %shift_right_logical3A_2667 : vector<8x2048xi32>
      %xor3A_2669 = arith.xori %add3A_2661, %or3A_2668 : vector<8x2048xi32>
      %add3A_2670 = arith.addi %add3A_2661, %xor3A_2669 : vector<8x2048xi32>
      %shift_left3A_2671 = arith.constant 26 : i32
      %shift_left3A_2672 = vector.broadcast %shift_left3A_2671 : i32 to vector<8x2048xi32>
      %shift_left3A_2673 = arith.shli %xor3A_2669, %shift_left3A_2672 : vector<8x2048xi32>
      %shift_right_logical3A_2674 = arith.constant 6 : i32
      %shift_right_logical3A_2675 = vector.broadcast %shift_right_logical3A_2674 : i32 to vector<8x2048xi32>
      %shift_right_logical3A_2676 = arith.shrui %xor3A_2669, %shift_right_logical3A_2675 : vector<8x2048xi32>
      %or3A_2677 = arith.ori %shift_left3A_2673, %shift_right_logical3A_2676 : vector<8x2048xi32>
      %xor3A_2678 = arith.xori %add3A_2670, %or3A_2677 : vector<8x2048xi32>
      %add3A_2679 = arith.addi %add3A_2670, %xor3A_2678 : vector<8x2048xi32>
      %shift_left3A_2680 = arith.constant 6 : i32
      %shift_left3A_2681 = vector.broadcast %shift_left3A_2680 : i32 to vector<8x2048xi32>
      %shift_left3A_2682 = arith.shli %xor3A_2678, %shift_left3A_2681 : vector<8x2048xi32>
      %shift_right_logical3A_2683 = arith.constant 26 : i32
      %shift_right_logical3A_2684 = vector.broadcast %shift_right_logical3A_2683 : i32 to vector<8x2048xi32>
      %shift_right_logical3A_2685 = arith.shrui %xor3A_2678, %shift_right_logical3A_2684 : vector<8x2048xi32>
      %or3A_2686 = arith.ori %shift_left3A_2682, %shift_right_logical3A_2685 : vector<8x2048xi32>
      %xor3A_2687 = arith.xori %add3A_2679, %or3A_2686 : vector<8x2048xi32>
      %add3A_2688 = arith.constant 64467757 : i32
      %add3A_2689 = vector.broadcast %add3A_2688 : i32 to vector<8x2048xi32>
      %add3A_2690 = arith.addi %add3A_2679, %add3A_2689 : vector<8x2048xi32>
      %add3A_2691 = arith.constant -1378843660 : i32
      %add3A_2692 = vector.broadcast %add3A_2691 : i32 to vector<8x2048xi32>
      %add3A_2693 = arith.addi %xor3A_2687, %add3A_2692 : vector<8x2048xi32>
      %add3A_2694 = arith.constant 3 : i32
      %add3A_2695 = vector.broadcast %add3A_2694 : i32 to vector<8x2048xi32>
      %add3A_2696 = arith.addi %add3A_2693, %add3A_2695 : vector<8x2048xi32>
      %add3A_2697 = arith.addi %add3A_2690, %add3A_2696 : vector<8x2048xi32>
      %shift_left3A_2698 = arith.constant 17 : i32
      %shift_left3A_2699 = vector.broadcast %shift_left3A_2698 : i32 to vector<8x2048xi32>
      %shift_left3A_2700 = arith.shli %add3A_2696, %shift_left3A_2699 : vector<8x2048xi32>
      %shift_right_logical3A_2701 = arith.constant 15 : i32
      %shift_right_logical3A_2702 = vector.broadcast %shift_right_logical3A_2701 : i32 to vector<8x2048xi32>
      %shift_right_logical3A_2703 = arith.shrui %add3A_2696, %shift_right_logical3A_2702 : vector<8x2048xi32>
      %or3A_2704 = arith.ori %shift_left3A_2700, %shift_right_logical3A_2703 : vector<8x2048xi32>
      %xor3A_2705 = arith.xori %add3A_2697, %or3A_2704 : vector<8x2048xi32>
      %add3A_2706 = arith.addi %add3A_2697, %xor3A_2705 : vector<8x2048xi32>
      %shift_left3A_2707 = arith.constant 29 : i32
      %shift_left3A_2708 = vector.broadcast %shift_left3A_2707 : i32 to vector<8x2048xi32>
      %shift_left3A_2709 = arith.shli %xor3A_2705, %shift_left3A_2708 : vector<8x2048xi32>
      %shift_right_logical3A_2710 = arith.constant 3 : i32
      %shift_right_logical3A_2711 = vector.broadcast %shift_right_logical3A_2710 : i32 to vector<8x2048xi32>
      %shift_right_logical3A_2712 = arith.shrui %xor3A_2705, %shift_right_logical3A_2711 : vector<8x2048xi32>
      %or3A_2713 = arith.ori %shift_left3A_2709, %shift_right_logical3A_2712 : vector<8x2048xi32>
      %xor3A_2714 = arith.xori %add3A_2706, %or3A_2713 : vector<8x2048xi32>
      %add3A_2715 = arith.addi %add3A_2706, %xor3A_2714 : vector<8x2048xi32>
      %shift_left3A_2716 = arith.constant 16 : i32
      %shift_left3A_2717 = vector.broadcast %shift_left3A_2716 : i32 to vector<8x2048xi32>
      %shift_left3A_2718 = arith.shli %xor3A_2714, %shift_left3A_2717 : vector<8x2048xi32>
      %shift_right_logical3A_2719 = arith.constant 16 : i32
      %shift_right_logical3A_2720 = vector.broadcast %shift_right_logical3A_2719 : i32 to vector<8x2048xi32>
      %shift_right_logical3A_2721 = arith.shrui %xor3A_2714, %shift_right_logical3A_2720 : vector<8x2048xi32>
      %or3A_2722 = arith.ori %shift_left3A_2718, %shift_right_logical3A_2721 : vector<8x2048xi32>
      %xor3A_2723 = arith.xori %add3A_2715, %or3A_2722 : vector<8x2048xi32>
      %add3A_2724 = arith.addi %add3A_2715, %xor3A_2723 : vector<8x2048xi32>
      %shift_left3A_2725 = arith.constant 24 : i32
      %shift_left3A_2726 = vector.broadcast %shift_left3A_2725 : i32 to vector<8x2048xi32>
      %shift_left3A_2727 = arith.shli %xor3A_2723, %shift_left3A_2726 : vector<8x2048xi32>
      %shift_right_logical3A_2728 = arith.constant 8 : i32
      %shift_right_logical3A_2729 = vector.broadcast %shift_right_logical3A_2728 : i32 to vector<8x2048xi32>
      %shift_right_logical3A_2730 = arith.shrui %xor3A_2723, %shift_right_logical3A_2729 : vector<8x2048xi32>
      %or3A_2731 = arith.ori %shift_left3A_2727, %shift_right_logical3A_2730 : vector<8x2048xi32>
      %xor3A_2732 = arith.xori %add3A_2724, %or3A_2731 : vector<8x2048xi32>
      %add3A_2733 = arith.constant -1378843660 : i32
      %add3A_2734 = vector.broadcast %add3A_2733 : i32 to vector<8x2048xi32>
      %add3A_2735 = arith.addi %add3A_2724, %add3A_2734 : vector<8x2048xi32>
      %add3A_2736 = arith.constant -1244255485 : i32
      %add3A_2737 = vector.broadcast %add3A_2736 : i32 to vector<8x2048xi32>
      %add3A_2738 = arith.addi %xor3A_2732, %add3A_2737 : vector<8x2048xi32>
      %add3A_2739 = arith.constant 4 : i32
      %add3A_2740 = vector.broadcast %add3A_2739 : i32 to vector<8x2048xi32>
      %add3A_2741 = arith.addi %add3A_2738, %add3A_2740 : vector<8x2048xi32>
      %add3A_2742 = arith.addi %add3A_2735, %add3A_2741 : vector<8x2048xi32>
      %shift_left3A_2743 = arith.constant 13 : i32
      %shift_left3A_2744 = vector.broadcast %shift_left3A_2743 : i32 to vector<8x2048xi32>
      %shift_left3A_2745 = arith.shli %add3A_2741, %shift_left3A_2744 : vector<8x2048xi32>
      %shift_right_logical3A_2746 = arith.constant 19 : i32
      %shift_right_logical3A_2747 = vector.broadcast %shift_right_logical3A_2746 : i32 to vector<8x2048xi32>
      %shift_right_logical3A_2748 = arith.shrui %add3A_2741, %shift_right_logical3A_2747 : vector<8x2048xi32>
      %or3A_2749 = arith.ori %shift_left3A_2745, %shift_right_logical3A_2748 : vector<8x2048xi32>
      %xor3A_2750 = arith.xori %add3A_2742, %or3A_2749 : vector<8x2048xi32>
      %add3A_2751 = arith.addi %add3A_2742, %xor3A_2750 : vector<8x2048xi32>
      %shift_left3A_2752 = arith.constant 15 : i32
      %shift_left3A_2753 = vector.broadcast %shift_left3A_2752 : i32 to vector<8x2048xi32>
      %shift_left3A_2754 = arith.shli %xor3A_2750, %shift_left3A_2753 : vector<8x2048xi32>
      %shift_right_logical3A_2755 = arith.constant 17 : i32
      %shift_right_logical3A_2756 = vector.broadcast %shift_right_logical3A_2755 : i32 to vector<8x2048xi32>
      %shift_right_logical3A_2757 = arith.shrui %xor3A_2750, %shift_right_logical3A_2756 : vector<8x2048xi32>
      %or3A_2758 = arith.ori %shift_left3A_2754, %shift_right_logical3A_2757 : vector<8x2048xi32>
      %xor3A_2759 = arith.xori %add3A_2751, %or3A_2758 : vector<8x2048xi32>
      %add3A_2760 = arith.addi %add3A_2751, %xor3A_2759 : vector<8x2048xi32>
      %shift_left3A_2761 = arith.constant 26 : i32
      %shift_left3A_2762 = vector.broadcast %shift_left3A_2761 : i32 to vector<8x2048xi32>
      %shift_left3A_2763 = arith.shli %xor3A_2759, %shift_left3A_2762 : vector<8x2048xi32>
      %shift_right_logical3A_2764 = arith.constant 6 : i32
      %shift_right_logical3A_2765 = vector.broadcast %shift_right_logical3A_2764 : i32 to vector<8x2048xi32>
      %shift_right_logical3A_2766 = arith.shrui %xor3A_2759, %shift_right_logical3A_2765 : vector<8x2048xi32>
      %or3A_2767 = arith.ori %shift_left3A_2763, %shift_right_logical3A_2766 : vector<8x2048xi32>
      %xor3A_2768 = arith.xori %add3A_2760, %or3A_2767 : vector<8x2048xi32>
      %add3A_2769 = arith.addi %add3A_2760, %xor3A_2768 : vector<8x2048xi32>
      %shift_left3A_2770 = arith.constant 6 : i32
      %shift_left3A_2771 = vector.broadcast %shift_left3A_2770 : i32 to vector<8x2048xi32>
      %shift_left3A_2772 = arith.shli %xor3A_2768, %shift_left3A_2771 : vector<8x2048xi32>
      %shift_right_logical3A_2773 = arith.constant 26 : i32
      %shift_right_logical3A_2774 = vector.broadcast %shift_right_logical3A_2773 : i32 to vector<8x2048xi32>
      %shift_right_logical3A_2775 = arith.shrui %xor3A_2768, %shift_right_logical3A_2774 : vector<8x2048xi32>
      %or3A_2776 = arith.ori %shift_left3A_2772, %shift_right_logical3A_2775 : vector<8x2048xi32>
      %xor3A_2777 = arith.xori %add3A_2769, %or3A_2776 : vector<8x2048xi32>
      %add3A_2778 = arith.constant -1244255485 : i32
      %add3A_2779 = vector.broadcast %add3A_2778 : i32 to vector<8x2048xi32>
      %add3A_2780 = arith.addi %add3A_2769, %add3A_2779 : vector<8x2048xi32>
      %add3A_2781 = arith.constant 64467757 : i32
      %add3A_2782 = vector.broadcast %add3A_2781 : i32 to vector<8x2048xi32>
      %add3A_2783 = arith.addi %xor3A_2777, %add3A_2782 : vector<8x2048xi32>
      %add3A_2784 = arith.constant 5 : i32
      %add3A_2785 = vector.broadcast %add3A_2784 : i32 to vector<8x2048xi32>
      %add3A_2786 = arith.addi %add3A_2783, %add3A_2785 : vector<8x2048xi32>
      %xor3A_2787 = arith.xori %add3A_2780, %add3A_2786 : vector<8x2048xi32>
      %shift_right_logical3A_2788 = arith.constant 9 : i32
      %shift_right_logical3A_2789 = vector.broadcast %shift_right_logical3A_2788 : i32 to vector<8x2048xi32>
      %shift_right_logical3A_2790 = arith.shrui %xor3A_2787, %shift_right_logical3A_2789 : vector<8x2048xi32>
      %or3A_2791 = arith.constant 1065353216 : i32
      %or3A_2792 = vector.broadcast %or3A_2791 : i32 to vector<8x2048xi32>
      %or3A_2793 = arith.ori %shift_right_logical3A_2790, %or3A_2792 : vector<8x2048xi32>
      %bitcast_convert_type3A_2794 = tpu.bitcast %or3A_2793 : vector<8x2048xi32> -> vector<8x2048xf32>
      %sub3A_2795 = arith.constant 1.000000e+00 : f32
      %sub3A_2796 = vector.broadcast %sub3A_2795 : f32 to vector<8x2048xf32>
      %sub3A_2797 = arith.subf %bitcast_convert_type3A_2794, %sub3A_2796 : vector<8x2048xf32>
      %max3A_2798 = arith.constant 1.17549435E-38 : f32
      %max3A_2799 = vector.broadcast %max3A_2798 : f32 to vector<8x2048xf32>
      %max3A_2800 = arith.maximumf %sub3A_2797, %max3A_2799 : vector<8x2048xf32>
      %log3A_2801 = math.log %max3A_2800 : vector<8x2048xf32>
      %get3A_2802 = arith.index_cast %add3A_2541 : i32 to index
      %get3A_2803 = arith.constant 0 : index
      %get3A_2804 = arith.constant 0 : index
      %get3A_2805 = vector.load %arg3[%get3A_2802, %get3A_2803, %get3A_2804] : memref<490x1x2048xf32, #tpu.memory_space<vmem>>, vector<1x1x2048xf32>
      %get3A_2806 = vector.shape_cast %get3A_2805 : vector<1x1x2048xf32> to vector<1x2048xf32>
      %mul3A_2807 = vector.broadcast %get3A_2806 : vector<1x2048xf32> to vector<8x2048xf32>
      %mul3A_2808 = arith.mulf %log3A_2801, %mul3A_2807 : vector<8x2048xf32>
      %bitcast_convert_type3A_2809 = tpu.bitcast %mul3A_2808 : vector<8x2048xf32> -> vector<8x2048xi32>
      %and3A_2810 = arith.constant -512 : i32
      %and3A_2811 = vector.broadcast %and3A_2810 : i32 to vector<8x2048xi32>
      %and3A_2812 = arith.andi %bitcast_convert_type3A_2809, %and3A_2811 : vector<8x2048xi32>
      %or3A_2813 = vector.broadcast %add3A_2541 : i32 to vector<8x2048xi32>
      %or3A_2814 = arith.ori %and3A_2812, %or3A_2813 : vector<8x2048xi32>
      %bitcast_convert_type3A_2815 = tpu.bitcast %or3A_2814 : vector<8x2048xi32> -> vector<8x2048xf32>
      %min3A_2816 = arith.minimumf %min3A_2537, %bitcast_convert_type3A_2815 : vector<8x2048xf32>
      scf.yield %min3A_2816 : vector<8x2048xf32>
    }
    %scan3A_17 = arith.constant 49 : i32
    %reduce_min3A = arith.constant dense<0x7F800000> : vector<8xf32>
    %reduce_min3A_18 = vector.multi_reduction <minimumf>, %scan3A_16, %reduce_min3A [1] : vector<8x2048xf32> to vector<8xf32>
    %broadcast_in_dim3A_19 = vector.shape_cast %reduce_min3A_18 : vector<8xf32> to vector<8x1xf32>
    %bitcast_convert_type3A = tpu.bitcast %scan3A_16 : vector<8x2048xf32> -> vector<8x2048xi32>
    %and3A = arith.constant 511 : i32
    %and3A_20 = vector.broadcast %and3A : i32 to vector<8x2048xi32>
    %and3A_21 = arith.andi %bitcast_convert_type3A, %and3A_20 : vector<8x2048xi32>
    %mul3A = arith.constant 2048 : i32
    %mul3A_22 = vector.broadcast %mul3A : i32 to vector<8x2048xi32>
    %mul3A_23 = arith.muli %and3A_21, %mul3A_22 : vector<8x2048xi32>
    %add3A_24 = arith.addi %mul3A_23, %iota3A_11 : vector<8x2048xi32>
    %eq3A = vector.broadcast %broadcast_in_dim3A_19 : vector<8x1xf32> to vector<8x2048xf32>
    %eq3A_25 = arith.cmpf oeq, %scan3A_16, %eq3A : vector<8x2048xf32>
    %jit3A = arith.constant 2147483647 : i32
    %broadcast_in_dim3A_26 = vector.broadcast %jit3A : i32 to vector<8x2048xi32>
    %select_n3A = arith.select %eq3A_25, %add3A_24, %broadcast_in_dim3A_26 : vector<8x2048xi1>, vector<8x2048xi32>
    %reduce_min3A_27 = arith.constant dense<2147483647> : vector<8xi32>
    %reduce_min3A_28 = vector.multi_reduction <minsi>, %select_n3A, %reduce_min3A_27 [1] : vector<8x2048xi32> to vector<8xi32>
    %swap3A = arith.constant 0 : index
    %swap3A_29 = arith.constant 0 : index
    %swap3A_30 = arith.constant 0 : index
    %swap3A_31 = vector.load %arg4[%swap3A, %swap3A_29, %swap3A_30] : memref<1x1x8xi32, #tpu.memory_space<vmem>>, vector<1x1x8xi32>
    %swap3A_32 = vector.shape_cast %swap3A_31 : vector<1x1x8xi32> to vector<8xi32>
    %swap3A_33 = vector.shape_cast %reduce_min3A_28 : vector<8xi32> to vector<1x1x8xi32>
    tpu.vector_store %arg4[%swap3A, %swap3A_29, %swap3A_30], %swap3A_33 {strides = array<i32>} : memref<1x1x8xi32, #tpu.memory_space<vmem>>, vector<1x1x8xi32>,
    return
  }
  func.func @transform_0(%arg0: i32) -> (i32, i32, i32) {
    %c0_i32 = arith.constant 0 : i32
    %c0_i32_0 = arith.constant 0 : i32
    %c0_i32_1 = arith.constant 0 : i32
    return %arg0, %c0_i32, %c0_i32_0 : i32, i32, i32
  }
  func.func @transform_1(%arg0: i32) -> (i32, i32, i32) {
    %c0_i32 = arith.constant 0 : i32
    %c0_i32_0 = arith.constant 0 : i32
    %c0_i32_1 = arith.constant 0 : i32
    return %arg0, %c0_i32, %c0_i32_0 : i32, i32, i32
  }
  func.func @transform_2(%arg0: i32) -> (i32, i32, i32) {
    %c0_i32 = arith.constant 0 : i32
    %c0_i32_0 = arith.constant 0 : i32
    %c0_i32_1 = arith.constant 0 : i32
    %c0_i32_2 = arith.constant 0 : i32
    return %c0_i32, %c0_i32_0, %c0_i32_1 : i32, i32, i32
  }
  func.func @transform_3(%arg0: i32) -> (i32, i32, i32) {
    %c0_i32 = arith.constant 0 : i32
    %c0_i32_0 = arith.constant 0 : i32
    %c0_i32_1 = arith.constant 0 : i32
    return %arg0, %c0_i32, %c0_i32_0 : i32, i32, i32
  }
}

</mosaic_0001>

<sc_bundles>
// kernel: kernel.7.cloned.1.call-start
scs
__scs_entry_jumppad:
0x0: {  	(pc) =	sbr.rel $0x88, $3  }
0x1: {  	(tag) =	ssettag $0x0;
	lr =	simm.s32 $0x1  }
0x2: {  	[smem:$0x3F9C] =	sst lr;
	_ =	strace $0xD0000000  }
0x3: {  	_ = 	snop  }
0x4: {  	_ = 	snop  }
0x5: {  	_ = 	snop  }
0x6: {  	_ = 	snop  }
0x7: {  	_ = 	snop  }
__scs_overlays_trampoline_lowered:
0x8: {  	[smem:$0x3FAB] =	sst s0  }
0x9: {  	[smem:$0x3FAC] =	sst s1  }
0xa: {  	[smem:$0x3FAD] =	sst s2  }
0xb: {  	[smem:$0x3FAE] =	sst s3  }
0xc: {  	[smem:$0x3FAF] =	sst s4  }
0xd: {  	[smem:$0x3FB0] =	sst s5  }
0xe: {  	[smem:$0x3FB1] =	sst s6  }
0xf: {  	[smem:$0x3FB2] =	sst s7  }
0x10: {  	[smem:$0x3FB3] =	sst s8  }
0x11: {  	[smem:$0x3FB4] =	sst s9;
	s0 =	simm.s32 @!p0 $0x0  }
0x12: {  	s1 =	sld [smem:$0x3F9A];
	s0 =	simm.s32 @p0 $0x1  }
0x13: {  	[smem:$0x3FB5] =	sst s0;
	s0 =	simm.s32 @!p1 $0x0  }
0x14: {  	s2 =	sld [smem:$0x3F99];
	s0 =	simm.s32 @p1 $0x1  }
0x15: {  	[smem:$0x3FB6] =	sst s0;
	s0 =	simm.s32 @!p2 $0x0  }
0x16: {  	s3 =	sld [smem:$0x3FDB];
	s0 =	simm.s32 @p2 $0x1  }
0x17: {  	s4 =	simm.s32 $0x1BF5;
	[smem:$0x3FB8] =	sst s0  }
0x18: {  	s0 =	sld [smem:$0x3F9B];
	_ =	swait.ge [sflag:s4], $0x0  }
0x19: {  	s7 =	sld [smem:$0x3F9C]  }
0x1a: {  	s8 =	sadd.s32 $0xFFFFE003, lr  }
0x1b: {  	s9 =	sadd.s32 $0xFFFFFEF7, lr;
	s5 =	simm.s32 $0xFFFFFFFF;
	p2 =	slt.u32 s8, $0xFFFFF086  }
0x1c: {  	p1 =	slt.u32 s9, $0xF7A;
	s5 =	simm.s32 @!p2 $0x0  }
0x1d: {  	s5 =	simm.s32 @p1 $0x1;
	p0 =	seq.s32 s7, s2  }
0x1e: {  	s7 =	smul.u32 @!p0 $0xF7A, s2;
	p2 =	seq.s32 @!p0 s5, $0x0  }
0x1f: {  	s9 =	smul.u32 $0xF7A, s1;
	s8 =	simm.s32 @!p0 $0x1BF5;
	p2 =	por !p2, p0  }
0x20: {  	[sflag:s8] =	ssyncset.s32 @!p0 $0xFFFFF086;
	s6 =	sadd.s32 @!p0 s3, s7;
	s7 =	simm.s32 @!p0 $0x108  }
0x21: {  	s3 =	sadd.s32 s3, s9;
	s6 =	sadd.s32 @!p0 $0x88, s6;
	s7 =	simm.s32 @p2 $0x1082  }
0x22: {  	[simem:s7], [sflag:s8] =	dma.local @!p0 [hbm:s6], $0xF7A  }
0x23: {  	s9 =	sor.u32 $0xD0000000, s2;
	s6 =	simm.s32 $0x108;
	_ =	swait.ge @!p0 [sflag:s8], $0x0  }
0x24: {  	s3 =	sadd.s32 $0x88, s3;
	s6 =	simm.s32 @!p1 $0x1082;
	[sflag:s4] =	ssyncset.s32 $0xFFFFF086  }
0x25: {  	[simem:s6], [sflag:s4] =	dma.local [hbm:s3], $0xF7A  }
0x26: {  	[smem:$0x3F9C] =	sst s1;
	(tag) =	ssettag s2;
	_ =	strace s9  }
0x27: {  	s1 =	sld [smem:$0x3FAC]  }
0x28: {  	s2 =	sld [smem:$0x3FAD]  }
0x29: {  	s4 =	sld [smem:$0x3FAF]  }
0x2a: {  	p0 =	seq.s32 s5, $0x0;
	s5 =	sld [smem:$0x3FB0]  }
0x2b: {  	s6 =	sld [smem:$0x3FB1]  }
0x2c: {  	s7 =	sld [smem:$0x3FB2]  }
0x2d: {  	s3 =	simm.s32 $0x108;
	s8 =	sld [smem:$0x3FB3]  }
0x2e: {  	s3 =	simm.s32 @!p0 $0x1082;
	s9 =	sld [smem:$0x3FB4]  }
0x2f: {  	lr =	sadd.s32 s0, s3;
	s0 =	sld [smem:$0x3FAB]  }
0x30: {  	s3 =	sld [smem:$0x3FAE]  }
0x31: {  	[smem:$0x3FB7] =	sst s10  }
0x32: {  	s10 =	sld [smem:$0x3FB5];
	_ =	sdelay $0x3  }
0x33: {  	p0 =	seq.s32 s10, $0x1;
	s10 =	sld [smem:$0x3FB7];
	_ =	sdelay $0x3  }
0x34: {  	[smem:$0x3FB7] =	sst s10  }
0x35: {  	s10 =	sld [smem:$0x3FB6];
	_ =	sdelay $0x3  }
0x36: {  	p1 =	seq.s32 s10, $0x1;
	s10 =	sld [smem:$0x3FB7];
	_ =	sdelay $0x3  }
0x37: {  	[smem:$0x3FB7] =	sst s10  }
0x38: {  	s10 =	sld [smem:$0x3FB8]  }
0x39: {  	_ = 	snop;
	(pc) =	sbr.ind lr, $3  }
0x3a: {  	_ = 	snop  }
0x3b: {  	_ = 	snop  }
0x3c: {  	p2 =	seq.s32 s10, $0x1;
	s10 =	sld [smem:$0x3FB7]  }
0x3d: {  	_ =	shalt  }
0x3e: {  	_ =	shalt  }
0x3f: {  	_ =	shalt  }
0x40: {  	_ =	shalt  }
0x41: {  	_ =	shalt  }
0x42: {  	_ =	shalt  }
0x43: {  	_ =	shalt  }
0x44: {  	_ =	shalt  }
0x45: {  	_ =	shalt  }
0x46: {  	_ =	shalt  }
0x47: {  	_ =	shalt  }
0x48: {  	_ =	shalt  }
0x49: {  	_ =	shalt  }
0x4a: {  	_ =	shalt  }
0x4b: {  	_ =	shalt  }
0x4c: {  	_ =	shalt  }
0x4d: {  	_ =	shalt  }
0x4e: {  	_ =	shalt  }
0x4f: {  	_ =	shalt  }
0x50: {  	_ =	shalt  }
0x51: {  	_ =	shalt  }
0x52: {  	_ =	shalt  }
0x53: {  	_ =	shalt  }
0x54: {  	_ =	shalt  }
0x55: {  	_ =	shalt  }
0x56: {  	_ =	shalt  }
0x57: {  	_ =	shalt  }
0x58: {  	_ =	shalt  }
0x59: {  	_ =	shalt  }
0x5a: {  	_ =	shalt  }
0x5b: {  	_ =	shalt  }
0x5c: {  	_ =	shalt  }
0x5d: {  	_ =	shalt  }
0x5e: {  	_ =	shalt  }
0x5f: {  	_ =	shalt  }
0x60: {  	_ =	shalt  }
0x61: {  	_ =	shalt  }
0x62: {  	_ =	shalt  }
0x63: {  	_ =	shalt  }
0x64: {  	_ =	shalt  }
0x65: {  	_ =	shalt  }
0x66: {  	_ =	shalt  }
0x67: {  	_ =	shalt  }
0x68: {  	_ =	shalt  }
0x69: {  	_ =	shalt  }
0x6a: {  	_ =	shalt  }
0x6b: {  	_ =	shalt  }
0x6c: {  	_ =	shalt  }
0x6d: {  	_ =	shalt  }
0x6e: {  	_ =	shalt  }
0x6f: {  	_ =	shalt  }
0x70: {  	_ =	shalt  }
0x71: {  	_ =	shalt  }
0x72: {  	_ =	shalt  }
0x73: {  	_ =	shalt  }
0x74: {  	_ =	shalt  }
0x75: {  	_ =	shalt  }
0x76: {  	_ =	shalt  }
0x77: {  	_ =	shalt  }
0x78: {  	_ =	shalt  }
0x79: {  	_ =	shalt  }
0x7a: {  	_ =	shalt  }
0x7b: {  	_ =	shalt  }
0x7c: {  	_ =	shalt  }
0x7d: {  	_ =	shalt  }
0x7e: {  	_ =	shalt  }
0x7f: {  	_ =	shalt  }
0x80: {  	_ =	shalt  }
0x81: {  	_ =	shalt  }
0x82: {  	_ =	shalt  }
0x83: {  	_ =	shalt  }
0x84: {  	_ =	shalt  }
0x85: {  	_ =	shalt  }
0x86: {  	_ =	shalt  }
0x87: {  	_ =	shalt  }
.Lfunc_end0:
.L_simem_size_0:
called_computation_lowered:
.L_overlay_start_0:
0x88: {  	s2 =	sld [smem:$0x3FD9]  }
0x89: {  	s3 =	sld [smem:$0x3FFE];
	_ =	sdelay $0x1  }
0x8a: {  	s1 =	srdreg.scid  }
0x8b: {  	s0 =	sand.u32 $0x1, s1  }
0x8c: {  	s16 =	sshll.u32 s0, $0xA;
	s2 =	sadd.s32 s3, s2  }
0x8d: {  	s2 =	sadd.s32 s2, s16  }
0x8e: {  	[smem:$0x3FC3] =	sst s2  }
0x8f: {  	_ = 	snop  }
0x90: {  	(tm) =	ssettm $0x1  }
0x91: {  	s17 =	sld [smem:$0x3FFB];
	_ =	sdelay $0x3  }
0x92: {  	_ =	strace s17  }
0x93: {  	s2 =	sld [smem:$0x3FFC];
	_ =	sdelay $0x3  }
0x94: {  	_ =	strace s2  }
0x95: {  	s2 =	sld [smem:$0x3FFD];
	_ =	sdelay $0x3  }
0x96: {  	_ =	strace s2  }
0x97: {  	_ =	strace $0x8FFFFFFF  }
0x98: {  	s18 =	sld [smem:$0x3FDB];
	_ =	sdelay $0x1  }
0x99: {  	s19 =	simm.s32 $_scs_section_size  }
0x9a: {  	s4 =	simm.s32 $_size__tile_overlayer_lowered;
	s5 =	simm.s32 $_tile_overlayer_lowered  }
0x9b: {  	s22 =	simm.s32 $0x1BFF;
	s21 =	sshll.u32 s5, $0x1;
	s2 =	sadd.s32 s19, s18  }
0x9c: {  	s6 =	simm.s32 $0x0;
	s20 =	sshll.u32 s4, $0x1;
	s4 =	sadd.s32 s21, s2  }
0x9d: {  	[timem:s6], [sflag:s22] =	dma.local [hbm:s4], s20  }
0x9e: {  	_ =	swait.ge [sflag:s22], s20  }
0x9f: {  	s3 =	ssub.s32 $0x0, s20;
	[sflag:s22] =	ssyncset.done $0x0  }
0xa0: {  	[sflag:s22] =	ssyncadd.s32 s3;
	_ =	sdelay $0x1  }
0xa1: {  	s23 =	simm.s32 $0x1B8B  }
0xa2: {  	_ =	swait.ge [sflag:s23], $0x1  }
0xa3: {  	[sflag:s23] =	ssyncset.done $0x0  }
0xa4: {  	s25 =	simm.s32 $0x1B8E;
	s24 =	sld [smem:$0x3FFE];
	[sflag:s23] =	ssyncadd.s32 $0xFFFFFFFF  }
0xa5: {  	s26 =	simm.s32 $execute0_lowered;
	[smem:$0x3FD2] =	sst s25  }
0xa6: {  	s4 =	sshll.u32 s26, $0x1;
	_ =	strace $0x80000046;
	[dreg:$0x1] =	wrdreg $0xFFFFFFFF  }
0xa7: {  	s28 =	simm.s32 $_size_execute0_lowered;
	s2 =	sadd.s32 s2, s4;
	[dreg:$0x0] =	wrdreg $0x0  }
0xa8: {  	s4 =	sshll.u32 s28, $0x1;
	[dreg:$0x2] =	wrdreg s2  }
0xa9: {  	[dreg:$0x3] =	wrdreg s4  }
0xaa: {  	[dreg:$0x4] =	wrdreg $0xC0  }
0xab: {  	_ =	task [dreg:s6], $0x5FFFF  }
0xac: {  	[dreg:$0x1] =	wrdreg $0xFFFFFFFF  }
0xad: {  	[dreg:$0x0] =	wrdreg $0x60  }
0xae: {  	[dreg:$0x2] =	wrdreg s24  }
0xaf: {  	[dreg:$0x3] =	wrdreg $0x9  }
0xb0: {  	_ =	task.clear_ibuf [dreg:s6], $0x4FFFF;
	_ =	strace $0x90000046  }
0xb1: {  	s29 =	simm.s32 $0x9;
	_ =	strace $0x80000048  }
0xb2: {  	_ =	swait.ge [sflag:s29], $0x1  }
0xb3: {  	[sflag:s29] =	ssyncadd.s32 $0xFFFFFFFF  }
0xb4: {  	_ =	strace $0x90000048  }
0xb5: {  	_ =	sfence  }
0xb6: {  	s30 =	sld [smem:$0x0];
	_ =	sdelay $0x2  }
0xb7: {  	s31 =	sshll.u32 s1, $0xD;
	s1 =	sshrl.u32 s1, $0x2  }
0xb8: {  	s3 =	sand.u32 $0x4000, s31;
	s1 =	sadd.s32 s1, s30  }
0xb9: {  	s0 =	sor.u32 s3, s0;
	s1 =	sshll.u32 s1, $0x11  }
0xba: {  	s0 =	sor.u32 s1, s0  }
0xbb: {  	s0 =	sadd.s32 $0x8F2B, s0  }
0xbc: {  	[sflag:s0] =	ssyncadd.remote.s32 $0x1  }
0xbd: {  	_ =	sfence.sel $0xFFFF  }
0xbe: {  	[dreg:$0x0] =	wrdreg $0xFFFFFFFF;
	(pc) =	sbr.abs _section_cstart, $3  }
0xbf: {  	[dreg:$0x1] =	wrdreg $0xFFFFFFFF  }
0xc0: {  	_ =	task.clear_ibuf [dreg:s6], $0x2FFFF;
	_ =	strace $0x9FFFFFFF  }
0xc1: {  	(tm) =	ssettm $0x7FFFFFFF  }
tec
execute0_lowered:
.L_overlay_start_1:
0x0: {  	(tag) =	ssettag $0x1  }
0x1: {  	s5 =	rddreg [dreg:$0x0]  }
0x2: {  	s0 =	rddreg [dreg:$0x1];
	s2 =	simm.s32 $0x0;
	s3 =	srdreg.scid  }
0x3: {  	s1 =	stileid.u32;
	s9 =	simm.s32 $0x200;
	s10 =	simm.s32 $0x1  }
0x4: {  	s11 =	simm.s32 $0x2200;
	s12 =	simm.s32 $0x0;
	[smem:$0x7FF] =	sst s2  }
0x5: {  	s4 =	sand.u32 $0x1, s3;
	s30 =	sshll.u32 s1, $0x1;
	s3 =	sadd.s32 $0x207800, s5  }
0x6: {  	_ =	strace $0x80000047;
	s6 =	sor.u32 s4, s30;
	s8 =	ssub.s32 $0x2, s4  }
0x7: {  	s4 =	sadd.s32 $0x800, s5;
	s7 =	sshll.u32 s6, $0x1;
	s31 =	sshrl.u32 s8, $0x1  }
0x8: {  	s7 =	sadd.s32 s7, s5;
	s8 =	ssub.s32 s8, s31;
	s5 =	smul.u32 $0x7C00, s6  }
0x9: {  	s6 =	sadd.s32 $0x1F800, s7;
	s7 =	smax.u32 s8, $0x1;
	s8 =	simm.s32 $0x2  }
.LBB2_1:
0xa: {  	v0 =	vimm.f32 $0.0e+00;
	s13 =	simm.s32 $0x0  }
.LBB2_2:
0xb: {  	s14 =	sshll.u32 s13, $0x9  }
0xc: {  	s14 =	sadd.s32 s5, s14  }
0xd: {  	s14 =	sshrl.u32 s14, $0x3  }
0xe: {  	s15 =	simm.s32 $0x0;
	s14 =	sadd.s32 s4, s14  }
0xf: {  	[tilespmem:s15], [sflag:$0x2] =	stream.linear.gather [hbm4b:s14+s15], $0x200, $0x38;
	[tilespmem:$0x2210] =	vst v63  }
0x10: {  	_ =	swait.ge [sflag:s8], $0x200  }
0x11: {  	[sflag:s8] =	ssyncset.done $0x0  }
0x12: {  	[sflag:s8] =	ssyncadd.s32 $0xFFFFFE00  }
0x13: {  	[tilespmem:s9], [sflag:$0x1] =	stream.indirect.gather [hbm4b:s3+s9], $0x10, s15, s9, $0xb8;
	[tilespmem:$0x2210] =	vst v63  }
0x14: {  	_ =	swait.ge [sflag:s10], $0x2000  }
0x15: {  	[sflag:s10] =	ssyncset.done $0x0  }
0x16: {  	s31 =	simm.s32 $0x0;
	[sflag:s10] =	ssyncadd.s32 $0xFFFFE000  }
0x17: {  	s14 =	simm.s32 $0x40;
	v1 =	vld [tilespmem:s31+$0x200]  }
.LBB2_3:
0x18: {  	p0 =	sne.s32 s14, $0x7FC0  }
.Ltmp0:
0x19: {  	_ = 	snop;
	(pc) =	sbr.rel @p0 .LBB2_3-.Ltmp0, $3  }
0x1a: {  	_ =	sdelay $0x1  }
0x1b: {  	s15 =	sshra.s32 s14, $0x2;
	s14 =	sadd.s32 $0x40, s14;
	v0 =	vadd.f32 v1, v0  }
0x1c: {  	v1 =	vld [tilespmem:s15+$0x200]  }
0x1d: {  	s13 =	sadd.s32 $0x1, s13  }
0x1e: {  	p0 =	sne.s32 s13, $0x3E  }
.Ltmp1:
0x1f: {  	_ = 	snop;
	(pc) =	sbr.rel @p0 .LBB2_2-.Ltmp1, $2  }
0x20: {  	_ =	sdelay $0x2  }
0x21: {  	v0 =	vadd.f32 v1, v0  }
0x22: {  	s12 =	sadd.s32 $0x1, s12  }
0x23: {  	p0 =	sne.s32 s12, s7  }
.Ltmp2:
0x24: {  	[tilespmem:$0x2200] =	vst v0;
	(pc) =	sbr.rel @p0 .LBB2_1-.Ltmp2, $4  }
0x25: {  	[hbm4b:s6+s2] =	stream.linear.scatter [tilespmem:s11], [sflag:$0x2], $0x10, $0x38;
	[tilespmem:$0x2210] =	vst v63  }
0x26: {  	_ =	swait.ge [sflag:s8], $0x10  }
0x27: {  	[sflag:s8] =	ssyncset.done $0x0  }
0x28: {  	[sflag:s8] =	ssyncadd.s32 $0xFFFFFFF0  }
0x29: {  	_ =	sfence.sel $0x180000  }
0x2a: {  	[bflag:$0x0] =	sbarrier.arrive $0xFFFF  }
0x2b: {  	p0 =	sne.s32 s1, $0x0;
	_ =	strace $0x90000047  }
0x2c: {  	s0 =	sadd.s32 @!p0 $0x100000, s0;
	[bflag:$0x2] =	sbarrier.arrive $0xFFFF  }
0x2d: {  	[sflag:s0] =	ssyncadd.tile.s32 @!p0 $0x1;
	_ =	shalt  }
.Lfunc_end2:
_tile_overlayer_lowered:
.L_overlay_start_2:
0x2e: {  	(tag) =	ssettag $0x2  }
0x2f: {  	s0 =	rddreg [dreg:$0x0];
	s2 =	stileid.u32  }
0x30: {  	s1 =	rddreg [dreg:$0x1];
	p0 =	sne.s32 s2, $0x0  }
0x31: {  	s3 =	rddreg [dreg:$0x2];
	[bflag:$0x3] =	sbarrier.arrive $0xFFFF;
	s2 =	simm.s32 @!p0 $0x1C02  }
0x32: {  	[timem:s3], [sflag:s2] =	dma.local @!p0 [hbm:s0], s1  }
0x33: {  	s0 =	simm.s32 @!p0 $0x2  }
0x34: {  	_ =	swait.ge @!p0 [sflag:s0], s1  }
0x35: {  	s1 =	ssub.s32 @!p0 $0x0, s1;
	[sflag:s0] =	ssyncset.done @!p0 $0x0  }
0x36: {  	[sflag:s0] =	ssyncadd.s32 @!p0 s1  }
0x37: {  	[bflag:$0x3] =	sbarrier.arrive $0xFFFF  }
0x38: {  	_ =	shalt  }

</sc_bundles>
